<compile_context>
chip_gen: v7x
topology: tpu7x:2x2x1
jax: 0.10.2.dev20260603
libtpu: 0.0.44.dev20260713+nightly
codegen_flags: <defaults>
</compile_context>

<pallas_src>
import functools

import jax
import jax.numpy as jnp
from jax import lax
from jax.experimental import pallas as pl
from jax.experimental.pallas import tpu as pltpu
from jax.experimental.pallas import tpu_sc as plsc

NC = 2
NS = 16
NW = NC * NS
LANES = 16
CHUNK = 128
ACHUNK = 112
NBUF = 4
SLAB = 64



def _make_hist_kernel(NT, NCHUNK):
  mesh = plsc.VectorSubcoreMesh(core_axis_name="c", subcore_axis_name="s")
  rpt = NT // NS

  @functools.partial(
      pl.kernel,
      out_type=jax.ShapeDtypeStruct((NC, NT, LANES), jnp.float32),
      mesh=mesh,
      compiler_params=pltpu.CompilerParams(use_tc_tiling_on_sc=False),
      scratch_types=[
          pltpu.VMEM((NCHUNK, CHUNK), jnp.int32),
          pltpu.VMEM((CHUNK, LANES), jnp.float32),
          pltpu.VMEM_SHARED((NT, LANES), jnp.float32),
      ],
  )
  def hist_kernel(dst_hbm, ones_hbm, zeros_hbm, out_hbm, idx_v, ones_v,
                  hist_sh):
    c = lax.axis_index("c")
    s = lax.axis_index("s")
    wid = c * NS + s
    base = s * rpt
    pltpu.sync_copy(zeros_hbm.at[pl.ds(base, rpt)], hist_sh.at[pl.ds(base, rpt)])
    pltpu.sync_copy(ones_hbm, ones_v)
    pltpu.sync_copy(dst_hbm.at[wid], idx_v)
    plsc.subcore_barrier()

    def body(j, carry):
      pltpu.sync_copy(ones_v, hist_sh.at[idx_v.at[j]], add=True)
      return carry

    lax.fori_loop(0, NCHUNK, body, 0)
    plsc.subcore_barrier()
    pltpu.sync_copy(hist_sh.at[pl.ds(base, rpt)],
                    out_hbm.at[c, pl.ds(base, rpt)])

  return hist_kernel


def _make_agg_kernel(NT, NCHUNK, n_slabs):
  mesh = plsc.VectorSubcoreMesh(core_axis_name="c", subcore_axis_name="s")
  rpt = NT // NS
  assert NCHUNK % 4 == 0 and NCHUNK >= 8

  @functools.partial(
      pl.kernel,
      out_type=jax.ShapeDtypeStruct((n_slabs, NC, NT, SLAB), jnp.float32),
      mesh=mesh,
      compiler_params=pltpu.CompilerParams(use_tc_tiling_on_sc=False),
      scratch_types=[
          pltpu.VMEM((NCHUNK, ACHUNK), jnp.int32),
          pltpu.VMEM((NCHUNK, ACHUNK), jnp.int32),
          [pltpu.VMEM((ACHUNK, SLAB), jnp.float32) for _ in range(NBUF)],
          pltpu.VMEM_SHARED((NT, SLAB), jnp.float32),
          pltpu.VMEM_SHARED((NT, SLAB), jnp.float32),
          [pltpu.SemaphoreType.DMA for _ in range(NBUF)],
          [pltpu.SemaphoreType.DMA for _ in range(NBUF)],
      ],
  )
  def agg_kernel(*refs):
    hs_hbms = refs[:n_slabs]
    src_hbm, dst_hbm, zeros_hbm, out_hbm = refs[n_slabs:n_slabs + 4]
    sidx, didx, rows, agg_sh, hs_sh, gsem, ssem = refs[n_slabs + 4:]
    c = lax.axis_index("c")
    s = lax.axis_index("s")
    wid = c * NS + s
    base = s * rpt
    pltpu.sync_copy(src_hbm.at[wid], sidx)
    pltpu.sync_copy(dst_hbm.at[wid], didx)

    def gfire(ch, b):
      pltpu.async_copy(hs_sh.at[sidx.at[ch]], rows[b], gsem[b])

    def gwait(ch, b):
      pltpu.make_async_copy(hs_sh.at[sidx.at[ch]], rows[b], gsem[b]).wait()

    def sfire(ch, b):
      pltpu.async_copy(rows[b], agg_sh.at[didx.at[ch]], ssem[b], add=True)

    def swait(ch, b):
      pltpu.make_async_copy(rows[b], agg_sh.at[didx.at[ch]], ssem[b]).wait()

    for sl in range(n_slabs):
      pltpu.sync_copy(hs_hbms[sl].at[pl.ds(base, rpt)],
                      hs_sh.at[pl.ds(base, rpt)])
      pltpu.sync_copy(zeros_hbm.at[pl.ds(base, rpt)],
                      agg_sh.at[pl.ds(base, rpt)])
      plsc.subcore_barrier()

      gfire(0, 0)
      gfire(1, 1)
      for ch in (0, 1):
        gwait(ch, ch)
        sfire(ch, ch)
        gfire(ch + 2, ch + 2)

      def body(j, carry):
        base_ch = 2 + j * 4
        for k in range(4):
          ch = base_ch + k
          b = (2 + k) % 4
          bg = (b + 2) % 4
          gwait(ch, b)
          sfire(ch, b)
          swait(ch - 2, bg)
          gfire(ch + 2, bg)
        return carry

      lax.fori_loop(0, (NCHUNK - 4) // 4, body, 0)
      for ch in (NCHUNK - 2, NCHUNK - 1):
        b = ch % 4
        gwait(ch, b)
        sfire(ch, b)
        swait(ch - 2, (ch - 2) % 4)
      for ch in (NCHUNK - 2, NCHUNK - 1):
        swait(ch, ch % 4)

      plsc.subcore_barrier()
      pltpu.sync_copy(agg_sh.at[pl.ds(base, rpt)],
                      out_hbm.at[sl, c, pl.ds(base, rpt)])

  return agg_kernel



def _dinv_from_hist(hist_ref):
  deg = hist_ref[0, :, 0:1] + hist_ref[1, :, 0:1] + 1.0
  return lax.rsqrt(deg)


def _make_matmul_body(n_slabs):
  def body(x_ref, w_ref, *out_refs):
    h = jnp.dot(x_ref[...], w_ref[...], preferred_element_type=jnp.float32)
    for i in range(n_slabs):
      out_refs[i][...] = h[:, i * SLAB:(i + 1) * SLAB]
  return body


def _make_scale_body(n_slabs):
  def body(*refs):
    hs_in = refs[:n_slabs]
    hist_ref = refs[n_slabs]
    out_refs = refs[n_slabs + 1:]
    dinv = _dinv_from_hist(hist_ref)
    for i in range(n_slabs):
      out_refs[i][...] = hs_in[i][...] * dinv
  return body


def _make_mid_layer_body(n_in, n_out):
  def body(*refs):
    agg_ref = refs[0]
    hss = refs[1:1 + n_in]
    hist_ref, w_ref, b_ref = refs[1 + n_in:4 + n_in]
    out_refs = refs[4 + n_in:]
    dinv = _dinv_from_hist(hist_ref)
    t = jnp.concatenate(
        [agg_ref[i, 0] + agg_ref[i, 1] + hss[i][...] for i in range(n_in)],
        axis=-1)
    h = jnp.maximum(t * dinv + b_ref[...], 0.0)
    hs = jnp.dot(h, w_ref[...], preferred_element_type=jnp.float32) * dinv
    for i in range(n_out):
      out_refs[i][...] = hs[:, i * SLAB:(i + 1) * SLAB]
  return body


def _make_final_body(n_in):
  def body(*refs):
    agg_ref = refs[0]
    hss = refs[1:1 + n_in]
    hist_ref, b_ref = refs[1 + n_in:3 + n_in]
    out_ref = refs[3 + n_in]
    dinv = _dinv_from_hist(hist_ref)
    t = jnp.concatenate(
        [agg_ref[i, 0] + agg_ref[i, 1] + hss[i][...] for i in range(n_in)],
        axis=-1)
    out_ref[...] = t * dinv + b_ref[...]
  return body



def kernel(x, edge_index, W1, b1, W2, b2):
  N, DIN = x.shape
  DH = W1.shape[1]
  DOUT = W2.shape[1]
  E = edge_index.shape[1]
  assert DH % SLAB == 0 and DOUT % SLAB == 0
  nsl_h = DH // SLAB
  nsl_o = DOUT // SLAB

  x = x.astype(jnp.float32)
  src = edge_index[0].astype(jnp.int32)
  dst = edge_index[1].astype(jnp.int32)

  NT = -(-(N + 1) // (NS * 8)) * (NS * 8)
  NCHUNK = -(-E // (NW * CHUNK))
  E_pad = NW * NCHUNK * CHUNK
  dst_p = jnp.concatenate([dst, jnp.full((E_pad - E,), N, jnp.int32)])
  dst3 = dst_p.reshape(NW, NCHUNK, CHUNK)
  ANCHUNK = max(8, -(-(-(-E // (NW * ACHUNK))) // 4) * 4)
  EA_pad = NW * ANCHUNK * ACHUNK
  src_a = jnp.concatenate([src, jnp.zeros((EA_pad - E,), jnp.int32)])
  dst_a = jnp.concatenate([dst, jnp.full((EA_pad - E,), N, jnp.int32)])
  src3a = src_a.reshape(NW, ANCHUNK, ACHUNK)
  dst3a = dst_a.reshape(NW, ANCHUNK, ACHUNK)

  ones_l = jnp.ones((CHUNK, LANES), jnp.float32)
  zeros_l = jnp.zeros((NT, LANES), jnp.float32)
  zeros_s = jnp.zeros((NT, SLAB), jnp.float32)

  hist = _make_hist_kernel(NT, NCHUNK)(dst3, ones_l, zeros_l)

  bm = 2048
  grid = (pl.cdiv(N, bm),)
  hist_spec = pl.BlockSpec((NC, bm, LANES), lambda m: (0, m, 0))
  slab_spec = pl.BlockSpec((bm, SLAB), lambda m: (m, 0))
  agg_spec_h = pl.BlockSpec((nsl_h, NC, bm, SLAB), lambda m: (0, 0, m, 0))
  agg_spec_o = pl.BlockSpec((nsl_o, NC, bm, SLAB), lambda m: (0, 0, m, 0))
  slab_shape = jax.ShapeDtypeStruct((NT, SLAB), jnp.float32)

  h1 = pl.pallas_call(
      _make_matmul_body(nsl_h),
      grid=grid,
      in_specs=[
          pl.BlockSpec((bm, DIN), lambda m: (m, 0)),
          pl.BlockSpec((DIN, DH), lambda m: (0, 0)),
      ],
      out_specs=[slab_spec] * nsl_h,
      out_shape=[slab_shape] * nsl_h,
  )(x, W1)

  hs1 = pl.pallas_call(
      _make_scale_body(nsl_h),
      grid=grid,
      in_specs=[slab_spec] * nsl_h + [hist_spec],
      out_specs=[slab_spec] * nsl_h,
      out_shape=[slab_shape] * nsl_h,
  )(*h1, hist)

  agg1 = _make_agg_kernel(NT, ANCHUNK, nsl_h)(*hs1, src3a, dst3a, zeros_s)

  hs2 = pl.pallas_call(
      _make_mid_layer_body(nsl_h, nsl_o),
      grid=grid,
      in_specs=[agg_spec_h] + [slab_spec] * nsl_h + [
          hist_spec,
          pl.BlockSpec((DH, DOUT), lambda m: (0, 0)),
          pl.BlockSpec((1, DH), lambda m: (0, 0)),
      ],
      out_specs=[slab_spec] * nsl_o,
      out_shape=[slab_shape] * nsl_o,
  )(agg1, *hs1, hist, W2, b1.reshape(1, DH))

  agg2 = _make_agg_kernel(NT, ANCHUNK, nsl_o)(*hs2, src3a, dst3a, zeros_s)

  out = pl.pallas_call(
      _make_final_body(nsl_o),
      grid=grid,
      in_specs=[agg_spec_o] + [slab_spec] * nsl_o + [
          hist_spec,
          pl.BlockSpec((1, DOUT), lambda m: (0, 0)),
      ],
      out_specs=pl.BlockSpec((bm, DOUT), lambda m: (m, 0)),
      out_shape=jax.ShapeDtypeStruct((N, DOUT), jnp.float32),
  )(agg2, *hs2, hist, b2.reshape(1, DOUT))

  return out

# --- scband reference (transcript-rebuilt; emitter-appended) ---
"""Pipeline reference for scband-clg-64785286693460 (READ-ONLY COPY).

The authoritative reference and input builder live on the scoring server;
editing this copy changes nothing except your own understanding.
"""

import jax, jax.numpy as jnp
import numpy as np

N = 10000
E = 320000
D_IN = 128
D_H = 128
D_OUT = 64


def setup_inputs(seed: int = 0) -> dict:
    key = jax.random.key(seed)
    ks = jax.random.split(key, 6)
    x = jax.random.normal(ks[0], (N, D_IN), dtype=jnp.float32)
    edge_index = jax.random.randint(ks[1], (2, E), 0, N)
    W1 = jax.random.normal(ks[2], (D_IN, D_H), dtype=jnp.float32) * (1.0 / np.sqrt(D_IN))
    b1 = jnp.zeros((D_H,), dtype=jnp.float32)
    W2 = jax.random.normal(ks[3], (D_H, D_OUT), dtype=jnp.float32) * (1.0 / np.sqrt(D_H))
    b2 = jnp.zeros((D_OUT,), dtype=jnp.float32)
    return {"x": x, "edge_index": edge_index, "W1": W1, "b1": b1, "W2": W2, "b2": b2}


def gcn_conv(x, edge_index, W, b):
    # Faithful GCNConv: add self-loops, symmetric deg^-1/2 normalization,
    # linear transform, scatter-add aggregation to dst, add bias.
    n = x.shape[0]
    loop = jnp.arange(n, dtype=edge_index.dtype)
    src = jnp.concatenate([edge_index[0], loop])
    dst = jnp.concatenate([edge_index[1], loop])
    h = x @ W
    deg = jnp.zeros((n,), dtype=x.dtype).at[dst].add(1.0)
    deg_inv_sqrt = jnp.where(deg > 0, jax.lax.rsqrt(jnp.maximum(deg, 1e-12)), 0.0)
    norm = deg_inv_sqrt[src] * deg_inv_sqrt[dst]
    msg = h[src] * norm[:, None]
    out = jnp.zeros_like(h).at[dst].add(msg)
    return out + b


def reference(x, edge_index, W1, b1, W2, b2):
    h = gcn_conv(x, edge_index, W1, b1)
    h = jax.nn.relu(h)
    # F.dropout is identity in eval mode
    out = gcn_conv(h, edge_index, W2, b2)
    return out

if __name__ == "__main__":
    import jax
    _d = setup_inputs()
    print(jax.jit(kernel)(*tuple(_d.values())))

</pallas_src>

<mosaic_0001>
#map = affine_map<(d0, d1) -> (0, 0, 0)>
#map1 = affine_map<(d0, d1) -> (0, 0)>
module attributes {stable_mosaic.version = 14 : i64} {
  func.func @hist_kernel(%arg0: i32, %arg1: i32, %arg2: memref<32x79x128xi32, #tpu.memory_space<hbm>>, %arg3: memref<128x16xf32, #tpu.memory_space<hbm>>, %arg4: memref<10112x16xf32, #tpu.memory_space<hbm>>, %arg5: memref<2x10112x16xf32, #tpu.memory_space<hbm>>, %arg6: memref<79x128xi32, #tpu.memory_space<vmem>>, %arg7: memref<128x16xf32, #tpu.memory_space<vmem>>, %arg8: memref<10112x16xf32, #tpu.memory_space<vmem_shared>>) attributes {dimension_semantics = [#tpu.dimension_semantics<core_parallel>, #tpu.dimension_semantics<subcore_parallel>], iteration_bounds = array<i64: 2, 16>, scalar_prefetch = 0 : i64, scratch_operands = 3 : i64, tpu.core_type = #tpu.core_type<sc_vector_subcore>, window_params = [{transform_indices = #map}, {transform_indices = #map1}, {transform_indices = #map1}, {transform_indices = #map}]} {
    %mul3A = arith.constant 16 : i32
    %mul3A_0 = arith.muli %arg0, %mul3A : i32
    %add3A = arith.addi %mul3A_0, %arg1 : i32
    %mul3A_1 = arith.constant 632 : i32
    %mul3A_2 = arith.muli %arg1, %mul3A_1 : i32
    "tpu.region"() ({
      %run_scoped3A = tpu.sem_alloc : memref<!tpu.dma_semaphore, #tpu.memory_space<semaphore_mem>>
      %dma_start3A = arith.constant 0 : i32
      %dma_start3A_9 = tpu.memref_slice %arg8[%mul3A_2, %dma_start3A] : memref<10112x16xf32, #tpu.memory_space<vmem_shared>> -> memref<632x16xf32, #tpu.memory_space<vmem_shared>>
      %dma_start3A_10 = arith.constant 0 : i32
      %dma_start3A_11 = tpu.memref_slice %arg4[%mul3A_2, %dma_start3A_10] : memref<10112x16xf32, #tpu.memory_space<hbm>> -> memref<632x16xf32, #tpu.memory_space<hbm>>
      tpu.enqueue_dma source(%dma_start3A_11 : memref<632x16xf32, #tpu.memory_space<hbm>>) target(%dma_start3A_9 : memref<632x16xf32, #tpu.memory_space<vmem_shared>>) target_semaphore(%run_scoped3A : memref<!tpu.dma_semaphore, #tpu.memory_space<semaphore_mem>>)
      %dma_wait3A = arith.constant 0 : i32
      %dma_wait3A_12 = tpu.memref_slice %arg8[%mul3A_2, %dma_wait3A] : memref<10112x16xf32, #tpu.memory_space<vmem_shared>> -> memref<632x16xf32, #tpu.memory_space<vmem_shared>>
      %dma_wait3A_13 = arith.constant 0 : i32
      %dma_wait3A_14 = tpu.memref_slice %arg4[%mul3A_2, %dma_wait3A_13] : memref<10112x16xf32, #tpu.memory_space<hbm>> -> memref<632x16xf32, #tpu.memory_space<hbm>>
      tpu.wait_dma2 semaphore(%run_scoped3A : memref<!tpu.dma_semaphore, #tpu.memory_space<semaphore_mem>>) src(%dma_wait3A_14 : memref<632x16xf32, #tpu.memory_space<hbm>>) dst(%dma_wait3A_12 : memref<632x16xf32, #tpu.memory_space<vmem_shared>>)
      tpu.yield
    }) : () -> ()
    "tpu.region"() ({
      %run_scoped3A = tpu.sem_alloc : memref<!tpu.dma_semaphore, #tpu.memory_space<semaphore_mem>>
      tpu.enqueue_dma source(%arg3 : memref<128x16xf32, #tpu.memory_space<hbm>>) target(%arg7 : memref<128x16xf32, #tpu.memory_space<vmem>>) target_semaphore(%run_scoped3A : memref<!tpu.dma_semaphore, #tpu.memory_space<semaphore_mem>>)
      tpu.wait_dma2 semaphore(%run_scoped3A : memref<!tpu.dma_semaphore, #tpu.memory_space<semaphore_mem>>) src(%arg3 : memref<128x16xf32, #tpu.memory_space<hbm>>) dst(%arg7 : memref<128x16xf32, #tpu.memory_space<vmem>>)
      tpu.yield
    }) : () -> ()
    "tpu.region"() ({
      %run_scoped3A = tpu.sem_alloc : memref<!tpu.dma_semaphore, #tpu.memory_space<semaphore_mem>>
      %dma_start3A = arith.constant 0 : i32
      %dma_start3A_9 = arith.constant 0 : i32
      %dma_start3A_10 = tpu.memref_slice %arg2[%add3A, %dma_start3A, %dma_start3A_9] : memref<32x79x128xi32, #tpu.memory_space<hbm>> -> memref<1x79x128xi32, #tpu.memory_space<hbm>>
      %dma_start3A_11 = tpu.memref_squeeze %dma_start3A_10 : memref<1x79x128xi32, #tpu.memory_space<hbm>> -> memref<79x128xi32, #tpu.memory_space<hbm>>
      %dma_start3A_12 = arith.constant 0 : i32
      %dma_start3A_13 = arith.constant 0 : i32
      %dma_start3A_14 = tpu.memref_slice %arg2[%add3A, %dma_start3A_12, %dma_start3A_13] : memref<32x79x128xi32, #tpu.memory_space<hbm>> -> memref<1x79x128xi32, #tpu.memory_space<hbm>>
      %dma_start3A_15 = tpu.memref_squeeze %dma_start3A_14 : memref<1x79x128xi32, #tpu.memory_space<hbm>> -> memref<79x128xi32, #tpu.memory_space<hbm>>
      tpu.enqueue_dma source(%dma_start3A_15 : memref<79x128xi32, #tpu.memory_space<hbm>>) target(%arg6 : memref<79x128xi32, #tpu.memory_space<vmem>>) target_semaphore(%run_scoped3A : memref<!tpu.dma_semaphore, #tpu.memory_space<semaphore_mem>>)
      %dma_wait3A = arith.constant 0 : i32
      %dma_wait3A_16 = arith.constant 0 : i32
      %dma_wait3A_17 = tpu.memref_slice %arg2[%add3A, %dma_wait3A, %dma_wait3A_16] : memref<32x79x128xi32, #tpu.memory_space<hbm>> -> memref<1x79x128xi32, #tpu.memory_space<hbm>>
      %dma_wait3A_18 = tpu.memref_squeeze %dma_wait3A_17 : memref<1x79x128xi32, #tpu.memory_space<hbm>> -> memref<79x128xi32, #tpu.memory_space<hbm>>
      %dma_wait3A_19 = arith.constant 0 : i32
      %dma_wait3A_20 = arith.constant 0 : i32
      %dma_wait3A_21 = tpu.memref_slice %arg2[%add3A, %dma_wait3A_19, %dma_wait3A_20] : memref<32x79x128xi32, #tpu.memory_space<hbm>> -> memref<1x79x128xi32, #tpu.memory_space<hbm>>
      %dma_wait3A_22 = tpu.memref_squeeze %dma_wait3A_21 : memref<1x79x128xi32, #tpu.memory_space<hbm>> -> memref<79x128xi32, #tpu.memory_space<hbm>>
      tpu.wait_dma2 semaphore(%run_scoped3A : memref<!tpu.dma_semaphore, #tpu.memory_space<semaphore_mem>>) src(%dma_wait3A_22 : memref<79x128xi32, #tpu.memory_space<hbm>>) dst(%arg6 : memref<79x128xi32, #tpu.memory_space<vmem>>)
      tpu.yield
    }) : () -> ()
    %barrier3A = arith.constant 0 : index
    tpu.barrier barrier_id(%barrier3A)
    %scan3A = arith.constant 0 : i32
    %scan3A_3 = arith.constant 0 : i32
    %scan3A_4 = arith.constant 79 : i32
    %scan3A_5 = arith.addi %scan3A_3, %scan3A_4 : i32
    %scan3A_6 = arith.constant 1 : i32
    scf.for %scan3A_9 = %scan3A_3 to %scan3A_5 step %scan3A_6  : i32 {
      "tpu.region"() ({
        %run_scoped3A = tpu.sem_alloc : memref<!tpu.dma_semaphore, #tpu.memory_space<semaphore_mem>>
        %dma_start3A = arith.constant 0 : i32
        %dma_start3A_10 = tpu.memref_slice %arg6[%scan3A_9, %dma_start3A] : memref<79x128xi32, #tpu.memory_space<vmem>> -> memref<1x128xi32, #tpu.memory_space<vmem>>
        %dma_start3A_11 = tpu.memref_squeeze %dma_start3A_10 : memref<1x128xi32, #tpu.memory_space<vmem>> -> memref<128xi32, #tpu.memory_space<vmem>>
        %dma_start3A_12 = arith.constant 0 : i32
        %dma_start3A_13 = arith.constant 0 : i32
        %dma_start3A_14 = tpu.memref_slice %arg8[%dma_start3A_12, %dma_start3A_13] : memref<10112x16xf32, #tpu.memory_space<vmem_shared>> -> memref<10112x16xf32, #tpu.memory_space<vmem_shared>>
        tpu.enqueue_indirect_dma source(%arg7 : memref<128x16xf32, #tpu.memory_space<vmem>>) target(%dma_start3A_14 : memref<10112x16xf32, #tpu.memory_space<vmem_shared>>) offsets(%dma_start3A_11 : memref<128xi32, #tpu.memory_space<vmem>>) semaphore(%run_scoped3A : memref<!tpu.dma_semaphore, #tpu.memory_space<semaphore_mem>>) {add = true}
        %dma_wait3A = arith.constant 0 : i32
        %dma_wait3A_15 = tpu.memref_slice %arg6[%scan3A_9, %dma_wait3A] : memref<79x128xi32, #tpu.memory_space<vmem>> -> memref<1x128xi32, #tpu.memory_space<vmem>>
        %dma_wait3A_16 = tpu.memref_squeeze %dma_wait3A_15 : memref<1x128xi32, #tpu.memory_space<vmem>> -> memref<128xi32, #tpu.memory_space<vmem>>
        %dma_wait3A_17 = arith.constant 0 : i32
        %dma_wait3A_18 = arith.constant 0 : i32
        %dma_wait3A_19 = tpu.memref_slice %arg8[%dma_wait3A_17, %dma_wait3A_18] : memref<10112x16xf32, #tpu.memory_space<vmem_shared>> -> memref<10112x16xf32, #tpu.memory_space<vmem_shared>>
        tpu.wait_indirect_dma semaphore(%run_scoped3A : memref<!tpu.dma_semaphore, #tpu.memory_space<semaphore_mem>>) src(%arg7 : memref<128x16xf32, #tpu.memory_space<vmem>>) dst(%dma_wait3A_19 : memref<10112x16xf32, #tpu.memory_space<vmem_shared>>)
        tpu.yield
      }) : () -> ()
    }
    %scan3A_7 = arith.constant 79 : i32
    %barrier3A_8 = arith.constant 0 : index
    tpu.barrier barrier_id(%barrier3A_8)
    "tpu.region"() ({
      %run_scoped3A = tpu.sem_alloc : memref<!tpu.dma_semaphore, #tpu.memory_space<semaphore_mem>>
      %dma_start3A = arith.constant 0 : i32
      %dma_start3A_9 = tpu.memref_slice %arg5[%arg0, %mul3A_2, %dma_start3A] : memref<2x10112x16xf32, #tpu.memory_space<hbm>> -> memref<1x632x16xf32, #tpu.memory_space<hbm>>
      %dma_start3A_10 = tpu.memref_squeeze %dma_start3A_9 : memref<1x632x16xf32, #tpu.memory_space<hbm>> -> memref<632x16xf32, #tpu.memory_space<hbm>>
      %dma_start3A_11 = arith.constant 0 : i32
      %dma_start3A_12 = tpu.memref_slice %arg8[%mul3A_2, %dma_start3A_11] : memref<10112x16xf32, #tpu.memory_space<vmem_shared>> -> memref<632x16xf32, #tpu.memory_space<vmem_shared>>
      tpu.enqueue_dma source(%dma_start3A_12 : memref<632x16xf32, #tpu.memory_space<vmem_shared>>) target(%dma_start3A_10 : memref<632x16xf32, #tpu.memory_space<hbm>>) target_semaphore(%run_scoped3A : memref<!tpu.dma_semaphore, #tpu.memory_space<semaphore_mem>>)
      %dma_wait3A = arith.constant 0 : i32
      %dma_wait3A_13 = tpu.memref_slice %arg5[%arg0, %mul3A_2, %dma_wait3A] : memref<2x10112x16xf32, #tpu.memory_space<hbm>> -> memref<1x632x16xf32, #tpu.memory_space<hbm>>
      %dma_wait3A_14 = tpu.memref_squeeze %dma_wait3A_13 : memref<1x632x16xf32, #tpu.memory_space<hbm>> -> memref<632x16xf32, #tpu.memory_space<hbm>>
      %dma_wait3A_15 = arith.constant 0 : i32
      %dma_wait3A_16 = tpu.memref_slice %arg8[%mul3A_2, %dma_wait3A_15] : memref<10112x16xf32, #tpu.memory_space<vmem_shared>> -> memref<632x16xf32, #tpu.memory_space<vmem_shared>>
      tpu.wait_dma2 semaphore(%run_scoped3A : memref<!tpu.dma_semaphore, #tpu.memory_space<semaphore_mem>>) src(%dma_wait3A_16 : memref<632x16xf32, #tpu.memory_space<vmem_shared>>) dst(%dma_wait3A_14 : memref<632x16xf32, #tpu.memory_space<hbm>>)
      tpu.yield
    }) : () -> ()
    return
  }
}

#map = affine_map<(d0, d1) -> (0, 0)>
#map1 = affine_map<(d0, d1) -> (0, 0, 0)>
#map2 = affine_map<(d0, d1) -> (0, 0, 0, 0)>
module attributes {stable_mosaic.version = 14 : i64} {
  func.func @agg_kernel(%arg0: i32, %arg1: i32, %arg2: memref<10112x64xf32, #tpu.memory_space<hbm>>, %arg3: memref<32x92x112xi32, #tpu.memory_space<hbm>>, %arg4: memref<32x92x112xi32, #tpu.memory_space<hbm>>, %arg5: memref<10112x64xf32, #tpu.memory_space<hbm>>, %arg6: memref<1x2x10112x64xf32, #tpu.memory_space<hbm>>, %arg7: memref<92x112xi32, #tpu.memory_space<vmem>>, %arg8: memref<92x112xi32, #tpu.memory_space<vmem>>, %arg9: memref<112x64xf32, #tpu.memory_space<vmem>>, %arg10: memref<112x64xf32, #tpu.memory_space<vmem>>, %arg11: memref<112x64xf32, #tpu.memory_space<vmem>>, %arg12: memref<112x64xf32, #tpu.memory_space<vmem>>, %arg13: memref<10112x64xf32, #tpu.memory_space<vmem_shared>>, %arg14: memref<10112x64xf32, #tpu.memory_space<vmem_shared>>, %arg15: memref<!tpu.dma_semaphore, #tpu.memory_space<semaphore_mem>>, %arg16: memref<!tpu.dma_semaphore, #tpu.memory_space<semaphore_mem>>, %arg17: memref<!tpu.dma_semaphore, #tpu.memory_space<semaphore_mem>>, %arg18: memref<!tpu.dma_semaphore, #tpu.memory_space<semaphore_mem>>, %arg19: memref<!tpu.dma_semaphore, #tpu.memory_space<semaphore_mem>>, %arg20: memref<!tpu.dma_semaphore, #tpu.memory_space<semaphore_mem>>, %arg21: memref<!tpu.dma_semaphore, #tpu.memory_space<semaphore_mem>>, %arg22: memref<!tpu.dma_semaphore, #tpu.memory_space<semaphore_mem>>) attributes {dimension_semantics = [#tpu.dimension_semantics<core_parallel>, #tpu.dimension_semantics<subcore_parallel>], iteration_bounds = array<i64: 2, 16>, scalar_prefetch = 0 : i64, scratch_operands = 16 : i64, tpu.core_type = #tpu.core_type<sc_vector_subcore>, window_params = [{transform_indices = #map}, {transform_indices = #map1}, {transform_indices = #map1}, {transform_indices = #map}, {transform_indices = #map2}]} {
    %mul3A = arith.constant 16 : i32
    %mul3A_0 = arith.muli %arg0, %mul3A : i32
    %add3A = arith.addi %mul3A_0, %arg1 : i32
    %mul3A_1 = arith.constant 632 : i32
    %mul3A_2 = arith.muli %arg1, %mul3A_1 : i32
    "tpu.region"() ({
      %run_scoped3A_119 = tpu.sem_alloc : memref<!tpu.dma_semaphore, #tpu.memory_space<semaphore_mem>>
      %dma_start3A_120 = arith.constant 0 : i32
      %dma_start3A_121 = arith.constant 0 : i32
      %dma_start3A_122 = tpu.memref_slice %arg3[%add3A, %dma_start3A_120, %dma_start3A_121] : memref<32x92x112xi32, #tpu.memory_space<hbm>> -> memref<1x92x112xi32, #tpu.memory_space<hbm>>
      %dma_start3A_123 = tpu.memref_squeeze %dma_start3A_122 : memref<1x92x112xi32, #tpu.memory_space<hbm>> -> memref<92x112xi32, #tpu.memory_space<hbm>>
      %dma_start3A_124 = arith.constant 0 : i32
      %dma_start3A_125 = arith.constant 0 : i32
      %dma_start3A_126 = tpu.memref_slice %arg3[%add3A, %dma_start3A_124, %dma_start3A_125] : memref<32x92x112xi32, #tpu.memory_space<hbm>> -> memref<1x92x112xi32, #tpu.memory_space<hbm>>
      %dma_start3A_127 = tpu.memref_squeeze %dma_start3A_126 : memref<1x92x112xi32, #tpu.memory_space<hbm>> -> memref<92x112xi32, #tpu.memory_space<hbm>>
      tpu.enqueue_dma source(%dma_start3A_127 : memref<92x112xi32, #tpu.memory_space<hbm>>) target(%arg7 : memref<92x112xi32, #tpu.memory_space<vmem>>) target_semaphore(%run_scoped3A_119 : memref<!tpu.dma_semaphore, #tpu.memory_space<semaphore_mem>>)
      %dma_wait3A_128 = arith.constant 0 : i32
      %dma_wait3A_129 = arith.constant 0 : i32
      %dma_wait3A_130 = tpu.memref_slice %arg3[%add3A, %dma_wait3A_128, %dma_wait3A_129] : memref<32x92x112xi32, #tpu.memory_space<hbm>> -> memref<1x92x112xi32, #tpu.memory_space<hbm>>
      %dma_wait3A_131 = tpu.memref_squeeze %dma_wait3A_130 : memref<1x92x112xi32, #tpu.memory_space<hbm>> -> memref<92x112xi32, #tpu.memory_space<hbm>>
      %dma_wait3A_132 = arith.constant 0 : i32
      %dma_wait3A_133 = arith.constant 0 : i32
      %dma_wait3A_134 = tpu.memref_slice %arg3[%add3A, %dma_wait3A_132, %dma_wait3A_133] : memref<32x92x112xi32, #tpu.memory_space<hbm>> -> memref<1x92x112xi32, #tpu.memory_space<hbm>>
      %dma_wait3A_135 = tpu.memref_squeeze %dma_wait3A_134 : memref<1x92x112xi32, #tpu.memory_space<hbm>> -> memref<92x112xi32, #tpu.memory_space<hbm>>
      tpu.wait_dma2 semaphore(%run_scoped3A_119 : memref<!tpu.dma_semaphore, #tpu.memory_space<semaphore_mem>>) src(%dma_wait3A_135 : memref<92x112xi32, #tpu.memory_space<hbm>>) dst(%arg7 : memref<92x112xi32, #tpu.memory_space<vmem>>)
      tpu.yield
    }) : () -> ()
    "tpu.region"() ({
      %run_scoped3A_119 = tpu.sem_alloc : memref<!tpu.dma_semaphore, #tpu.memory_space<semaphore_mem>>
      %dma_start3A_120 = arith.constant 0 : i32
      %dma_start3A_121 = arith.constant 0 : i32
      %dma_start3A_122 = tpu.memref_slice %arg4[%add3A, %dma_start3A_120, %dma_start3A_121] : memref<32x92x112xi32, #tpu.memory_space<hbm>> -> memref<1x92x112xi32, #tpu.memory_space<hbm>>
      %dma_start3A_123 = tpu.memref_squeeze %dma_start3A_122 : memref<1x92x112xi32, #tpu.memory_space<hbm>> -> memref<92x112xi32, #tpu.memory_space<hbm>>
      %dma_start3A_124 = arith.constant 0 : i32
      %dma_start3A_125 = arith.constant 0 : i32
      %dma_start3A_126 = tpu.memref_slice %arg4[%add3A, %dma_start3A_124, %dma_start3A_125] : memref<32x92x112xi32, #tpu.memory_space<hbm>> -> memref<1x92x112xi32, #tpu.memory_space<hbm>>
      %dma_start3A_127 = tpu.memref_squeeze %dma_start3A_126 : memref<1x92x112xi32, #tpu.memory_space<hbm>> -> memref<92x112xi32, #tpu.memory_space<hbm>>
      tpu.enqueue_dma source(%dma_start3A_127 : memref<92x112xi32, #tpu.memory_space<hbm>>) target(%arg8 : memref<92x112xi32, #tpu.memory_space<vmem>>) target_semaphore(%run_scoped3A_119 : memref<!tpu.dma_semaphore, #tpu.memory_space<semaphore_mem>>)
      %dma_wait3A_128 = arith.constant 0 : i32
      %dma_wait3A_129 = arith.constant 0 : i32
      %dma_wait3A_130 = tpu.memref_slice %arg4[%add3A, %dma_wait3A_128, %dma_wait3A_129] : memref<32x92x112xi32, #tpu.memory_space<hbm>> -> memref<1x92x112xi32, #tpu.memory_space<hbm>>
      %dma_wait3A_131 = tpu.memref_squeeze %dma_wait3A_130 : memref<1x92x112xi32, #tpu.memory_space<hbm>> -> memref<92x112xi32, #tpu.memory_space<hbm>>
      %dma_wait3A_132 = arith.constant 0 : i32
      %dma_wait3A_133 = arith.constant 0 : i32
      %dma_wait3A_134 = tpu.memref_slice %arg4[%add3A, %dma_wait3A_132, %dma_wait3A_133] : memref<32x92x112xi32, #tpu.memory_space<hbm>> -> memref<1x92x112xi32, #tpu.memory_space<hbm>>
      %dma_wait3A_135 = tpu.memref_squeeze %dma_wait3A_134 : memref<1x92x112xi32, #tpu.memory_space<hbm>> -> memref<92x112xi32, #tpu.memory_space<hbm>>
      tpu.wait_dma2 semaphore(%run_scoped3A_119 : memref<!tpu.dma_semaphore, #tpu.memory_space<semaphore_mem>>) src(%dma_wait3A_135 : memref<92x112xi32, #tpu.memory_space<hbm>>) dst(%arg8 : memref<92x112xi32, #tpu.memory_space<vmem>>)
      tpu.yield
    }) : () -> ()
    "tpu.region"() ({
      %run_scoped3A_119 = tpu.sem_alloc : memref<!tpu.dma_semaphore, #tpu.memory_space<semaphore_mem>>
      %dma_start3A_120 = arith.constant 0 : i32
      %dma_start3A_121 = tpu.memref_slice %arg14[%mul3A_2, %dma_start3A_120] : memref<10112x64xf32, #tpu.memory_space<vmem_shared>> -> memref<632x64xf32, #tpu.memory_space<vmem_shared>>
      %dma_start3A_122 = arith.constant 0 : i32
      %dma_start3A_123 = tpu.memref_slice %arg2[%mul3A_2, %dma_start3A_122] : memref<10112x64xf32, #tpu.memory_space<hbm>> -> memref<632x64xf32, #tpu.memory_space<hbm>>
      tpu.enqueue_dma source(%dma_start3A_123 : memref<632x64xf32, #tpu.memory_space<hbm>>) target(%dma_start3A_121 : memref<632x64xf32, #tpu.memory_space<vmem_shared>>) target_semaphore(%run_scoped3A_119 : memref<!tpu.dma_semaphore, #tpu.memory_space<semaphore_mem>>)
      %dma_wait3A_124 = arith.constant 0 : i32
      %dma_wait3A_125 = tpu.memref_slice %arg14[%mul3A_2, %dma_wait3A_124] : memref<10112x64xf32, #tpu.memory_space<vmem_shared>> -> memref<632x64xf32, #tpu.memory_space<vmem_shared>>
      %dma_wait3A_126 = arith.constant 0 : i32
      %dma_wait3A_127 = tpu.memref_slice %arg2[%mul3A_2, %dma_wait3A_126] : memref<10112x64xf32, #tpu.memory_space<hbm>> -> memref<632x64xf32, #tpu.memory_space<hbm>>
      tpu.wait_dma2 semaphore(%run_scoped3A_119 : memref<!tpu.dma_semaphore, #tpu.memory_space<semaphore_mem>>) src(%dma_wait3A_127 : memref<632x64xf32, #tpu.memory_space<hbm>>) dst(%dma_wait3A_125 : memref<632x64xf32, #tpu.memory_space<vmem_shared>>)
      tpu.yield
    }) : () -> ()
    "tpu.region"() ({
      %run_scoped3A_119 = tpu.sem_alloc : memref<!tpu.dma_semaphore, #tpu.memory_space<semaphore_mem>>
      %dma_start3A_120 = arith.constant 0 : i32
      %dma_start3A_121 = tpu.memref_slice %arg13[%mul3A_2, %dma_start3A_120] : memref<10112x64xf32, #tpu.memory_space<vmem_shared>> -> memref<632x64xf32, #tpu.memory_space<vmem_shared>>
      %dma_start3A_122 = arith.constant 0 : i32
      %dma_start3A_123 = tpu.memref_slice %arg5[%mul3A_2, %dma_start3A_122] : memref<10112x64xf32, #tpu.memory_space<hbm>> -> memref<632x64xf32, #tpu.memory_space<hbm>>
      tpu.enqueue_dma source(%dma_start3A_123 : memref<632x64xf32, #tpu.memory_space<hbm>>) target(%dma_start3A_121 : memref<632x64xf32, #tpu.memory_space<vmem_shared>>) target_semaphore(%run_scoped3A_119 : memref<!tpu.dma_semaphore, #tpu.memory_space<semaphore_mem>>)
      %dma_wait3A_124 = arith.constant 0 : i32
      %dma_wait3A_125 = tpu.memref_slice %arg13[%mul3A_2, %dma_wait3A_124] : memref<10112x64xf32, #tpu.memory_space<vmem_shared>> -> memref<632x64xf32, #tpu.memory_space<vmem_shared>>
      %dma_wait3A_126 = arith.constant 0 : i32
      %dma_wait3A_127 = tpu.memref_slice %arg5[%mul3A_2, %dma_wait3A_126] : memref<10112x64xf32, #tpu.memory_space<hbm>> -> memref<632x64xf32, #tpu.memory_space<hbm>>
      tpu.wait_dma2 semaphore(%run_scoped3A_119 : memref<!tpu.dma_semaphore, #tpu.memory_space<semaphore_mem>>) src(%dma_wait3A_127 : memref<632x64xf32, #tpu.memory_space<hbm>>) dst(%dma_wait3A_125 : memref<632x64xf32, #tpu.memory_space<vmem_shared>>)
      tpu.yield
    }) : () -> ()
    %barrier3A = arith.constant 0 : index
    tpu.barrier barrier_id(%barrier3A)
    %dma_start3A = arith.constant 0 : i32
    %dma_start3A_3 = arith.constant 0 : i32
    %dma_start3A_4 = tpu.memref_slice %arg7[%dma_start3A, %dma_start3A_3] : memref<92x112xi32, #tpu.memory_space<vmem>> -> memref<1x112xi32, #tpu.memory_space<vmem>>
    %dma_start3A_5 = tpu.memref_squeeze %dma_start3A_4 : memref<1x112xi32, #tpu.memory_space<vmem>> -> memref<112xi32, #tpu.memory_space<vmem>>
    %dma_start3A_6 = arith.constant 0 : i32
    %dma_start3A_7 = arith.constant 0 : i32
    %dma_start3A_8 = tpu.memref_slice %arg14[%dma_start3A_6, %dma_start3A_7] : memref<10112x64xf32, #tpu.memory_space<vmem_shared>> -> memref<10112x64xf32, #tpu.memory_space<vmem_shared>>
    tpu.enqueue_indirect_dma source(%dma_start3A_8 : memref<10112x64xf32, #tpu.memory_space<vmem_shared>>) target(%arg9 : memref<112x64xf32, #tpu.memory_space<vmem>>) offsets(%dma_start3A_5 : memref<112xi32, #tpu.memory_space<vmem>>) semaphore(%arg15 : memref<!tpu.dma_semaphore, #tpu.memory_space<semaphore_mem>>)
    %dma_start3A_9 = arith.constant 1 : i32
    %dma_start3A_10 = arith.constant 0 : i32
    %dma_start3A_11 = tpu.memref_slice %arg7[%dma_start3A_9, %dma_start3A_10] : memref<92x112xi32, #tpu.memory_space<vmem>> -> memref<1x112xi32, #tpu.memory_space<vmem>>
    %dma_start3A_12 = tpu.memref_squeeze %dma_start3A_11 : memref<1x112xi32, #tpu.memory_space<vmem>> -> memref<112xi32, #tpu.memory_space<vmem>>
    %dma_start3A_13 = arith.constant 0 : i32
    %dma_start3A_14 = arith.constant 0 : i32
    %dma_start3A_15 = tpu.memref_slice %arg14[%dma_start3A_13, %dma_start3A_14] : memref<10112x64xf32, #tpu.memory_space<vmem_shared>> -> memref<10112x64xf32, #tpu.memory_space<vmem_shared>>
    tpu.enqueue_indirect_dma source(%dma_start3A_15 : memref<10112x64xf32, #tpu.memory_space<vmem_shared>>) target(%arg10 : memref<112x64xf32, #tpu.memory_space<vmem>>) offsets(%dma_start3A_12 : memref<112xi32, #tpu.memory_space<vmem>>) semaphore(%arg16 : memref<!tpu.dma_semaphore, #tpu.memory_space<semaphore_mem>>)
    %dma_wait3A = arith.constant 0 : i32
    %dma_wait3A_16 = arith.constant 0 : i32
    %dma_wait3A_17 = tpu.memref_slice %arg7[%dma_wait3A, %dma_wait3A_16] : memref<92x112xi32, #tpu.memory_space<vmem>> -> memref<1x112xi32, #tpu.memory_space<vmem>>
    %dma_wait3A_18 = tpu.memref_squeeze %dma_wait3A_17 : memref<1x112xi32, #tpu.memory_space<vmem>> -> memref<112xi32, #tpu.memory_space<vmem>>
    %dma_wait3A_19 = arith.constant 0 : i32
    %dma_wait3A_20 = arith.constant 0 : i32
    %dma_wait3A_21 = tpu.memref_slice %arg14[%dma_wait3A_19, %dma_wait3A_20] : memref<10112x64xf32, #tpu.memory_space<vmem_shared>> -> memref<10112x64xf32, #tpu.memory_space<vmem_shared>>
    tpu.wait_indirect_dma semaphore(%arg15 : memref<!tpu.dma_semaphore, #tpu.memory_space<semaphore_mem>>) src(%dma_wait3A_21 : memref<10112x64xf32, #tpu.memory_space<vmem_shared>>) dst(%arg9 : memref<112x64xf32, #tpu.memory_space<vmem>>)
    %dma_start3A_22 = arith.constant 0 : i32
    %dma_start3A_23 = arith.constant 0 : i32
    %dma_start3A_24 = tpu.memref_slice %arg8[%dma_start3A_22, %dma_start3A_23] : memref<92x112xi32, #tpu.memory_space<vmem>> -> memref<1x112xi32, #tpu.memory_space<vmem>>
    %dma_start3A_25 = tpu.memref_squeeze %dma_start3A_24 : memref<1x112xi32, #tpu.memory_space<vmem>> -> memref<112xi32, #tpu.memory_space<vmem>>
    %dma_start3A_26 = arith.constant 0 : i32
    %dma_start3A_27 = arith.constant 0 : i32
    %dma_start3A_28 = tpu.memref_slice %arg13[%dma_start3A_26, %dma_start3A_27] : memref<10112x64xf32, #tpu.memory_space<vmem_shared>> -> memref<10112x64xf32, #tpu.memory_space<vmem_shared>>
    tpu.enqueue_indirect_dma source(%arg9 : memref<112x64xf32, #tpu.memory_space<vmem>>) target(%dma_start3A_28 : memref<10112x64xf32, #tpu.memory_space<vmem_shared>>) offsets(%dma_start3A_25 : memref<112xi32, #tpu.memory_space<vmem>>) semaphore(%arg19 : memref<!tpu.dma_semaphore, #tpu.memory_space<semaphore_mem>>) {add = true}
    %dma_start3A_29 = arith.constant 2 : i32
    %dma_start3A_30 = arith.constant 0 : i32
    %dma_start3A_31 = tpu.memref_slice %arg7[%dma_start3A_29, %dma_start3A_30] : memref<92x112xi32, #tpu.memory_space<vmem>> -> memref<1x112xi32, #tpu.memory_space<vmem>>
    %dma_start3A_32 = tpu.memref_squeeze %dma_start3A_31 : memref<1x112xi32, #tpu.memory_space<vmem>> -> memref<112xi32, #tpu.memory_space<vmem>>
    %dma_start3A_33 = arith.constant 0 : i32
    %dma_start3A_34 = arith.constant 0 : i32
    %dma_start3A_35 = tpu.memref_slice %arg14[%dma_start3A_33, %dma_start3A_34] : memref<10112x64xf32, #tpu.memory_space<vmem_shared>> -> memref<10112x64xf32, #tpu.memory_space<vmem_shared>>
    tpu.enqueue_indirect_dma source(%dma_start3A_35 : memref<10112x64xf32, #tpu.memory_space<vmem_shared>>) target(%arg11 : memref<112x64xf32, #tpu.memory_space<vmem>>) offsets(%dma_start3A_32 : memref<112xi32, #tpu.memory_space<vmem>>) semaphore(%arg17 : memref<!tpu.dma_semaphore, #tpu.memory_space<semaphore_mem>>)
    %dma_wait3A_36 = arith.constant 1 : i32
    %dma_wait3A_37 = arith.constant 0 : i32
    %dma_wait3A_38 = tpu.memref_slice %arg7[%dma_wait3A_36, %dma_wait3A_37] : memref<92x112xi32, #tpu.memory_space<vmem>> -> memref<1x112xi32, #tpu.memory_space<vmem>>
    %dma_wait3A_39 = tpu.memref_squeeze %dma_wait3A_38 : memref<1x112xi32, #tpu.memory_space<vmem>> -> memref<112xi32, #tpu.memory_space<vmem>>
    %dma_wait3A_40 = arith.constant 0 : i32
    %dma_wait3A_41 = arith.constant 0 : i32
    %dma_wait3A_42 = tpu.memref_slice %arg14[%dma_wait3A_40, %dma_wait3A_41] : memref<10112x64xf32, #tpu.memory_space<vmem_shared>> -> memref<10112x64xf32, #tpu.memory_space<vmem_shared>>
    tpu.wait_indirect_dma semaphore(%arg16 : memref<!tpu.dma_semaphore, #tpu.memory_space<semaphore_mem>>) src(%dma_wait3A_42 : memref<10112x64xf32, #tpu.memory_space<vmem_shared>>) dst(%arg10 : memref<112x64xf32, #tpu.memory_space<vmem>>)
    %dma_start3A_43 = arith.constant 1 : i32
    %dma_start3A_44 = arith.constant 0 : i32
    %dma_start3A_45 = tpu.memref_slice %arg8[%dma_start3A_43, %dma_start3A_44] : memref<92x112xi32, #tpu.memory_space<vmem>> -> memref<1x112xi32, #tpu.memory_space<vmem>>
    %dma_start3A_46 = tpu.memref_squeeze %dma_start3A_45 : memref<1x112xi32, #tpu.memory_space<vmem>> -> memref<112xi32, #tpu.memory_space<vmem>>
    %dma_start3A_47 = arith.constant 0 : i32
    %dma_start3A_48 = arith.constant 0 : i32
    %dma_start3A_49 = tpu.memref_slice %arg13[%dma_start3A_47, %dma_start3A_48] : memref<10112x64xf32, #tpu.memory_space<vmem_shared>> -> memref<10112x64xf32, #tpu.memory_space<vmem_shared>>
    tpu.enqueue_indirect_dma source(%arg10 : memref<112x64xf32, #tpu.memory_space<vmem>>) target(%dma_start3A_49 : memref<10112x64xf32, #tpu.memory_space<vmem_shared>>) offsets(%dma_start3A_46 : memref<112xi32, #tpu.memory_space<vmem>>) semaphore(%arg20 : memref<!tpu.dma_semaphore, #tpu.memory_space<semaphore_mem>>) {add = true}
    %dma_start3A_50 = arith.constant 3 : i32
    %dma_start3A_51 = arith.constant 0 : i32
    %dma_start3A_52 = tpu.memref_slice %arg7[%dma_start3A_50, %dma_start3A_51] : memref<92x112xi32, #tpu.memory_space<vmem>> -> memref<1x112xi32, #tpu.memory_space<vmem>>
    %dma_start3A_53 = tpu.memref_squeeze %dma_start3A_52 : memref<1x112xi32, #tpu.memory_space<vmem>> -> memref<112xi32, #tpu.memory_space<vmem>>
    %dma_start3A_54 = arith.constant 0 : i32
    %dma_start3A_55 = arith.constant 0 : i32
    %dma_start3A_56 = tpu.memref_slice %arg14[%dma_start3A_54, %dma_start3A_55] : memref<10112x64xf32, #tpu.memory_space<vmem_shared>> -> memref<10112x64xf32, #tpu.memory_space<vmem_shared>>
    tpu.enqueue_indirect_dma source(%dma_start3A_56 : memref<10112x64xf32, #tpu.memory_space<vmem_shared>>) target(%arg12 : memref<112x64xf32, #tpu.memory_space<vmem>>) offsets(%dma_start3A_53 : memref<112xi32, #tpu.memory_space<vmem>>) semaphore(%arg18 : memref<!tpu.dma_semaphore, #tpu.memory_space<semaphore_mem>>)
    %scan3A = arith.constant 0 : i32
    %scan3A_57 = arith.constant 0 : i32
    %scan3A_58 = arith.constant 22 : i32
    %scan3A_59 = arith.addi %scan3A_57, %scan3A_58 : i32
    %scan3A_60 = arith.constant 1 : i32
    scf.for %scan3A_119 = %scan3A_57 to %scan3A_59 step %scan3A_60  : i32 {
      %mul3A_120 = arith.constant 4 : i32
      %mul3A_121 = arith.muli %scan3A_119, %mul3A_120 : i32
      %add3A_122 = arith.constant 2 : i32
      %add3A_123 = arith.addi %add3A_122, %mul3A_121 : i32
      %add3A_124 = arith.constant 0 : i32
      %add3A_125 = arith.addi %add3A_123, %add3A_124 : i32
      %dma_wait3A_126 = arith.constant 0 : i32
      %dma_wait3A_127 = tpu.memref_slice %arg7[%add3A_125, %dma_wait3A_126] : memref<92x112xi32, #tpu.memory_space<vmem>> -> memref<1x112xi32, #tpu.memory_space<vmem>>
      %dma_wait3A_128 = tpu.memref_squeeze %dma_wait3A_127 : memref<1x112xi32, #tpu.memory_space<vmem>> -> memref<112xi32, #tpu.memory_space<vmem>>
      %dma_wait3A_129 = arith.constant 0 : i32
      %dma_wait3A_130 = arith.constant 0 : i32
      %dma_wait3A_131 = tpu.memref_slice %arg14[%dma_wait3A_129, %dma_wait3A_130] : memref<10112x64xf32, #tpu.memory_space<vmem_shared>> -> memref<10112x64xf32, #tpu.memory_space<vmem_shared>>
      tpu.wait_indirect_dma semaphore(%arg17 : memref<!tpu.dma_semaphore, #tpu.memory_space<semaphore_mem>>) src(%dma_wait3A_131 : memref<10112x64xf32, #tpu.memory_space<vmem_shared>>) dst(%arg11 : memref<112x64xf32, #tpu.memory_space<vmem>>)
      %dma_start3A_132 = arith.constant 0 : i32
      %dma_start3A_133 = tpu.memref_slice %arg8[%add3A_125, %dma_start3A_132] : memref<92x112xi32, #tpu.memory_space<vmem>> -> memref<1x112xi32, #tpu.memory_space<vmem>>
      %dma_start3A_134 = tpu.memref_squeeze %dma_start3A_133 : memref<1x112xi32, #tpu.memory_space<vmem>> -> memref<112xi32, #tpu.memory_space<vmem>>
      %dma_start3A_135 = arith.constant 0 : i32
      %dma_start3A_136 = arith.constant 0 : i32
      %dma_start3A_137 = tpu.memref_slice %arg13[%dma_start3A_135, %dma_start3A_136] : memref<10112x64xf32, #tpu.memory_space<vmem_shared>> -> memref<10112x64xf32, #tpu.memory_space<vmem_shared>>
      tpu.enqueue_indirect_dma source(%arg11 : memref<112x64xf32, #tpu.memory_space<vmem>>) target(%dma_start3A_137 : memref<10112x64xf32, #tpu.memory_space<vmem_shared>>) offsets(%dma_start3A_134 : memref<112xi32, #tpu.memory_space<vmem>>) semaphore(%arg21 : memref<!tpu.dma_semaphore, #tpu.memory_space<semaphore_mem>>) {add = true}
      %sub3A = arith.constant 2 : i32
      %sub3A_138 = arith.subi %add3A_125, %sub3A : i32
      %dma_wait3A_139 = arith.constant 0 : i32
      %dma_wait3A_140 = tpu.memref_slice %arg8[%sub3A_138, %dma_wait3A_139] : memref<92x112xi32, #tpu.memory_space<vmem>> -> memref<1x112xi32, #tpu.memory_space<vmem>>
      %dma_wait3A_141 = tpu.memref_squeeze %dma_wait3A_140 : memref<1x112xi32, #tpu.memory_space<vmem>> -> memref<112xi32, #tpu.memory_space<vmem>>
      %dma_wait3A_142 = arith.constant 0 : i32
      %dma_wait3A_143 = arith.constant 0 : i32
      %dma_wait3A_144 = tpu.memref_slice %arg13[%dma_wait3A_142, %dma_wait3A_143] : memref<10112x64xf32, #tpu.memory_space<vmem_shared>> -> memref<10112x64xf32, #tpu.memory_space<vmem_shared>>
      tpu.wait_indirect_dma semaphore(%arg19 : memref<!tpu.dma_semaphore, #tpu.memory_space<semaphore_mem>>) src(%arg9 : memref<112x64xf32, #tpu.memory_space<vmem>>) dst(%dma_wait3A_144 : memref<10112x64xf32, #tpu.memory_space<vmem_shared>>)
      %add3A_145 = arith.constant 2 : i32
      %add3A_146 = arith.addi %add3A_125, %add3A_145 : i32
      %dma_start3A_147 = arith.constant 0 : i32
      %dma_start3A_148 = tpu.memref_slice %arg7[%add3A_146, %dma_start3A_147] : memref<92x112xi32, #tpu.memory_space<vmem>> -> memref<1x112xi32, #tpu.memory_space<vmem>>
      %dma_start3A_149 = tpu.memref_squeeze %dma_start3A_148 : memref<1x112xi32, #tpu.memory_space<vmem>> -> memref<112xi32, #tpu.memory_space<vmem>>
      %dma_start3A_150 = arith.constant 0 : i32
      %dma_start3A_151 = arith.constant 0 : i32
      %dma_start3A_152 = tpu.memref_slice %arg14[%dma_start3A_150, %dma_start3A_151] : memref<10112x64xf32, #tpu.memory_space<vmem_shared>> -> memref<10112x64xf32, #tpu.memory_space<vmem_shared>>
      tpu.enqueue_indirect_dma source(%dma_start3A_152 : memref<10112x64xf32, #tpu.memory_space<vmem_shared>>) target(%arg9 : memref<112x64xf32, #tpu.memory_space<vmem>>) offsets(%dma_start3A_149 : memref<112xi32, #tpu.memory_space<vmem>>) semaphore(%arg15 : memref<!tpu.dma_semaphore, #tpu.memory_space<semaphore_mem>>)
      %add3A_153 = arith.constant 1 : i32
      %add3A_154 = arith.addi %add3A_123, %add3A_153 : i32
      %dma_wait3A_155 = arith.constant 0 : i32
      %dma_wait3A_156 = tpu.memref_slice %arg7[%add3A_154, %dma_wait3A_155] : memref<92x112xi32, #tpu.memory_space<vmem>> -> memref<1x112xi32, #tpu.memory_space<vmem>>
      %dma_wait3A_157 = tpu.memref_squeeze %dma_wait3A_156 : memref<1x112xi32, #tpu.memory_space<vmem>> -> memref<112xi32, #tpu.memory_space<vmem>>
      %dma_wait3A_158 = arith.constant 0 : i32
      %dma_wait3A_159 = arith.constant 0 : i32
      %dma_wait3A_160 = tpu.memref_slice %arg14[%dma_wait3A_158, %dma_wait3A_159] : memref<10112x64xf32, #tpu.memory_space<vmem_shared>> -> memref<10112x64xf32, #tpu.memory_space<vmem_shared>>
      tpu.wait_indirect_dma semaphore(%arg18 : memref<!tpu.dma_semaphore, #tpu.memory_space<semaphore_mem>>) src(%dma_wait3A_160 : memref<10112x64xf32, #tpu.memory_space<vmem_shared>>) dst(%arg12 : memref<112x64xf32, #tpu.memory_space<vmem>>)
      %dma_start3A_161 = arith.constant 0 : i32
      %dma_start3A_162 = tpu.memref_slice %arg8[%add3A_154, %dma_start3A_161] : memref<92x112xi32, #tpu.memory_space<vmem>> -> memref<1x112xi32, #tpu.memory_space<vmem>>
      %dma_start3A_163 = tpu.memref_squeeze %dma_start3A_162 : memref<1x112xi32, #tpu.memory_space<vmem>> -> memref<112xi32, #tpu.memory_space<vmem>>
      %dma_start3A_164 = arith.constant 0 : i32
      %dma_start3A_165 = arith.constant 0 : i32
      %dma_start3A_166 = tpu.memref_slice %arg13[%dma_start3A_164, %dma_start3A_165] : memref<10112x64xf32, #tpu.memory_space<vmem_shared>> -> memref<10112x64xf32, #tpu.memory_space<vmem_shared>>
      tpu.enqueue_indirect_dma source(%arg12 : memref<112x64xf32, #tpu.memory_space<vmem>>) target(%dma_start3A_166 : memref<10112x64xf32, #tpu.memory_space<vmem_shared>>) offsets(%dma_start3A_163 : memref<112xi32, #tpu.memory_space<vmem>>) semaphore(%arg22 : memref<!tpu.dma_semaphore, #tpu.memory_space<semaphore_mem>>) {add = true}
      %sub3A_167 = arith.constant 2 : i32
      %sub3A_168 = arith.subi %add3A_154, %sub3A_167 : i32
      %dma_wait3A_169 = arith.constant 0 : i32
      %dma_wait3A_170 = tpu.memref_slice %arg8[%sub3A_168, %dma_wait3A_169] : memref<92x112xi32, #tpu.memory_space<vmem>> -> memref<1x112xi32, #tpu.memory_space<vmem>>
      %dma_wait3A_171 = tpu.memref_squeeze %dma_wait3A_170 : memref<1x112xi32, #tpu.memory_space<vmem>> -> memref<112xi32, #tpu.memory_space<vmem>>
      %dma_wait3A_172 = arith.constant 0 : i32
      %dma_wait3A_173 = arith.constant 0 : i32
      %dma_wait3A_174 = tpu.memref_slice %arg13[%dma_wait3A_172, %dma_wait3A_173] : memref<10112x64xf32, #tpu.memory_space<vmem_shared>> -> memref<10112x64xf32, #tpu.memory_space<vmem_shared>>
      tpu.wait_indirect_dma semaphore(%arg20 : memref<!tpu.dma_semaphore, #tpu.memory_space<semaphore_mem>>) src(%arg10 : memref<112x64xf32, #tpu.memory_space<vmem>>) dst(%dma_wait3A_174 : memref<10112x64xf32, #tpu.memory_space<vmem_shared>>)
      %add3A_175 = arith.constant 2 : i32
      %add3A_176 = arith.addi %add3A_154, %add3A_175 : i32
      %dma_start3A_177 = arith.constant 0 : i32
      %dma_start3A_178 = tpu.memref_slice %arg7[%add3A_176, %dma_start3A_177] : memref<92x112xi32, #tpu.memory_space<vmem>> -> memref<1x112xi32, #tpu.memory_space<vmem>>
      %dma_start3A_179 = tpu.memref_squeeze %dma_start3A_178 : memref<1x112xi32, #tpu.memory_space<vmem>> -> memref<112xi32, #tpu.memory_space<vmem>>
      %dma_start3A_180 = arith.constant 0 : i32
      %dma_start3A_181 = arith.constant 0 : i32
      %dma_start3A_182 = tpu.memref_slice %arg14[%dma_start3A_180, %dma_start3A_181] : memref<10112x64xf32, #tpu.memory_space<vmem_shared>> -> memref<10112x64xf32, #tpu.memory_space<vmem_shared>>
      tpu.enqueue_indirect_dma source(%dma_start3A_182 : memref<10112x64xf32, #tpu.memory_space<vmem_shared>>) target(%arg10 : memref<112x64xf32, #tpu.memory_space<vmem>>) offsets(%dma_start3A_179 : memref<112xi32, #tpu.memory_space<vmem>>) semaphore(%arg16 : memref<!tpu.dma_semaphore, #tpu.memory_space<semaphore_mem>>)
      %add3A_183 = arith.constant 2 : i32
      %add3A_184 = arith.addi %add3A_123, %add3A_183 : i32
      %dma_wait3A_185 = arith.constant 0 : i32
      %dma_wait3A_186 = tpu.memref_slice %arg7[%add3A_184, %dma_wait3A_185] : memref<92x112xi32, #tpu.memory_space<vmem>> -> memref<1x112xi32, #tpu.memory_space<vmem>>
      %dma_wait3A_187 = tpu.memref_squeeze %dma_wait3A_186 : memref<1x112xi32, #tpu.memory_space<vmem>> -> memref<112xi32, #tpu.memory_space<vmem>>
      %dma_wait3A_188 = arith.constant 0 : i32
      %dma_wait3A_189 = arith.constant 0 : i32
      %dma_wait3A_190 = tpu.memref_slice %arg14[%dma_wait3A_188, %dma_wait3A_189] : memref<10112x64xf32, #tpu.memory_space<vmem_shared>> -> memref<10112x64xf32, #tpu.memory_space<vmem_shared>>
      tpu.wait_indirect_dma semaphore(%arg15 : memref<!tpu.dma_semaphore, #tpu.memory_space<semaphore_mem>>) src(%dma_wait3A_190 : memref<10112x64xf32, #tpu.memory_space<vmem_shared>>) dst(%arg9 : memref<112x64xf32, #tpu.memory_space<vmem>>)
      %dma_start3A_191 = arith.constant 0 : i32
      %dma_start3A_192 = tpu.memref_slice %arg8[%add3A_184, %dma_start3A_191] : memref<92x112xi32, #tpu.memory_space<vmem>> -> memref<1x112xi32, #tpu.memory_space<vmem>>
      %dma_start3A_193 = tpu.memref_squeeze %dma_start3A_192 : memref<1x112xi32, #tpu.memory_space<vmem>> -> memref<112xi32, #tpu.memory_space<vmem>>
      %dma_start3A_194 = arith.constant 0 : i32
      %dma_start3A_195 = arith.constant 0 : i32
      %dma_start3A_196 = tpu.memref_slice %arg13[%dma_start3A_194, %dma_start3A_195] : memref<10112x64xf32, #tpu.memory_space<vmem_shared>> -> memref<10112x64xf32, #tpu.memory_space<vmem_shared>>
      tpu.enqueue_indirect_dma source(%arg9 : memref<112x64xf32, #tpu.memory_space<vmem>>) target(%dma_start3A_196 : memref<10112x64xf32, #tpu.memory_space<vmem_shared>>) offsets(%dma_start3A_193 : memref<112xi32, #tpu.memory_space<vmem>>) semaphore(%arg19 : memref<!tpu.dma_semaphore, #tpu.memory_space<semaphore_mem>>) {add = true}
      %sub3A_197 = arith.constant 2 : i32
      %sub3A_198 = arith.subi %add3A_184, %sub3A_197 : i32
      %dma_wait3A_199 = arith.constant 0 : i32
      %dma_wait3A_200 = tpu.memref_slice %arg8[%sub3A_198, %dma_wait3A_199] : memref<92x112xi32, #tpu.memory_space<vmem>> -> memref<1x112xi32, #tpu.memory_space<vmem>>
      %dma_wait3A_201 = tpu.memref_squeeze %dma_wait3A_200 : memref<1x112xi32, #tpu.memory_space<vmem>> -> memref<112xi32, #tpu.memory_space<vmem>>
      %dma_wait3A_202 = arith.constant 0 : i32
      %dma_wait3A_203 = arith.constant 0 : i32
      %dma_wait3A_204 = tpu.memref_slice %arg13[%dma_wait3A_202, %dma_wait3A_203] : memref<10112x64xf32, #tpu.memory_space<vmem_shared>> -> memref<10112x64xf32, #tpu.memory_space<vmem_shared>>
      tpu.wait_indirect_dma semaphore(%arg21 : memref<!tpu.dma_semaphore, #tpu.memory_space<semaphore_mem>>) src(%arg11 : memref<112x64xf32, #tpu.memory_space<vmem>>) dst(%dma_wait3A_204 : memref<10112x64xf32, #tpu.memory_space<vmem_shared>>)
      %add3A_205 = arith.constant 2 : i32
      %add3A_206 = arith.addi %add3A_184, %add3A_205 : i32
      %dma_start3A_207 = arith.constant 0 : i32
      %dma_start3A_208 = tpu.memref_slice %arg7[%add3A_206, %dma_start3A_207] : memref<92x112xi32, #tpu.memory_space<vmem>> -> memref<1x112xi32, #tpu.memory_space<vmem>>
      %dma_start3A_209 = tpu.memref_squeeze %dma_start3A_208 : memref<1x112xi32, #tpu.memory_space<vmem>> -> memref<112xi32, #tpu.memory_space<vmem>>
      %dma_start3A_210 = arith.constant 0 : i32
      %dma_start3A_211 = arith.constant 0 : i32
      %dma_start3A_212 = tpu.memref_slice %arg14[%dma_start3A_210, %dma_start3A_211] : memref<10112x64xf32, #tpu.memory_space<vmem_shared>> -> memref<10112x64xf32, #tpu.memory_space<vmem_shared>>
      tpu.enqueue_indirect_dma source(%dma_start3A_212 : memref<10112x64xf32, #tpu.memory_space<vmem_shared>>) target(%arg11 : memref<112x64xf32, #tpu.memory_space<vmem>>) offsets(%dma_start3A_209 : memref<112xi32, #tpu.memory_space<vmem>>) semaphore(%arg17 : memref<!tpu.dma_semaphore, #tpu.memory_space<semaphore_mem>>)
      %add3A_213 = arith.constant 3 : i32
      %add3A_214 = arith.addi %add3A_123, %add3A_213 : i32
      %dma_wait3A_215 = arith.constant 0 : i32
      %dma_wait3A_216 = tpu.memref_slice %arg7[%add3A_214, %dma_wait3A_215] : memref<92x112xi32, #tpu.memory_space<vmem>> -> memref<1x112xi32, #tpu.memory_space<vmem>>
      %dma_wait3A_217 = tpu.memref_squeeze %dma_wait3A_216 : memref<1x112xi32, #tpu.memory_space<vmem>> -> memref<112xi32, #tpu.memory_space<vmem>>
      %dma_wait3A_218 = arith.constant 0 : i32
      %dma_wait3A_219 = arith.constant 0 : i32
      %dma_wait3A_220 = tpu.memref_slice %arg14[%dma_wait3A_218, %dma_wait3A_219] : memref<10112x64xf32, #tpu.memory_space<vmem_shared>> -> memref<10112x64xf32, #tpu.memory_space<vmem_shared>>
      tpu.wait_indirect_dma semaphore(%arg16 : memref<!tpu.dma_semaphore, #tpu.memory_space<semaphore_mem>>) src(%dma_wait3A_220 : memref<10112x64xf32, #tpu.memory_space<vmem_shared>>) dst(%arg10 : memref<112x64xf32, #tpu.memory_space<vmem>>)
      %dma_start3A_221 = arith.constant 0 : i32
      %dma_start3A_222 = tpu.memref_slice %arg8[%add3A_214, %dma_start3A_221] : memref<92x112xi32, #tpu.memory_space<vmem>> -> memref<1x112xi32, #tpu.memory_space<vmem>>
      %dma_start3A_223 = tpu.memref_squeeze %dma_start3A_222 : memref<1x112xi32, #tpu.memory_space<vmem>> -> memref<112xi32, #tpu.memory_space<vmem>>
      %dma_start3A_224 = arith.constant 0 : i32
      %dma_start3A_225 = arith.constant 0 : i32
      %dma_start3A_226 = tpu.memref_slice %arg13[%dma_start3A_224, %dma_start3A_225] : memref<10112x64xf32, #tpu.memory_space<vmem_shared>> -> memref<10112x64xf32, #tpu.memory_space<vmem_shared>>
      tpu.enqueue_indirect_dma source(%arg10 : memref<112x64xf32, #tpu.memory_space<vmem>>) target(%dma_start3A_226 : memref<10112x64xf32, #tpu.memory_space<vmem_shared>>) offsets(%dma_start3A_223 : memref<112xi32, #tpu.memory_space<vmem>>) semaphore(%arg20 : memref<!tpu.dma_semaphore, #tpu.memory_space<semaphore_mem>>) {add = true}
      %sub3A_227 = arith.constant 2 : i32
      %sub3A_228 = arith.subi %add3A_214, %sub3A_227 : i32
      %dma_wait3A_229 = arith.constant 0 : i32
      %dma_wait3A_230 = tpu.memref_slice %arg8[%sub3A_228, %dma_wait3A_229] : memref<92x112xi32, #tpu.memory_space<vmem>> -> memref<1x112xi32, #tpu.memory_space<vmem>>
      %dma_wait3A_231 = tpu.memref_squeeze %dma_wait3A_230 : memref<1x112xi32, #tpu.memory_space<vmem>> -> memref<112xi32, #tpu.memory_space<vmem>>
      %dma_wait3A_232 = arith.constant 0 : i32
      %dma_wait3A_233 = arith.constant 0 : i32
      %dma_wait3A_234 = tpu.memref_slice %arg13[%dma_wait3A_232, %dma_wait3A_233] : memref<10112x64xf32, #tpu.memory_space<vmem_shared>> -> memref<10112x64xf32, #tpu.memory_space<vmem_shared>>
      tpu.wait_indirect_dma semaphore(%arg22 : memref<!tpu.dma_semaphore, #tpu.memory_space<semaphore_mem>>) src(%arg12 : memref<112x64xf32, #tpu.memory_space<vmem>>) dst(%dma_wait3A_234 : memref<10112x64xf32, #tpu.memory_space<vmem_shared>>)
      %add3A_235 = arith.constant 2 : i32
      %add3A_236 = arith.addi %add3A_214, %add3A_235 : i32
      %dma_start3A_237 = arith.constant 0 : i32
      %dma_start3A_238 = tpu.memref_slice %arg7[%add3A_236, %dma_start3A_237] : memref<92x112xi32, #tpu.memory_space<vmem>> -> memref<1x112xi32, #tpu.memory_space<vmem>>
      %dma_start3A_239 = tpu.memref_squeeze %dma_start3A_238 : memref<1x112xi32, #tpu.memory_space<vmem>> -> memref<112xi32, #tpu.memory_space<vmem>>
      %dma_start3A_240 = arith.constant 0 : i32
      %dma_start3A_241 = arith.constant 0 : i32
      %dma_start3A_242 = tpu.memref_slice %arg14[%dma_start3A_240, %dma_start3A_241] : memref<10112x64xf32, #tpu.memory_space<vmem_shared>> -> memref<10112x64xf32, #tpu.memory_space<vmem_shared>>
      tpu.enqueue_indirect_dma source(%dma_start3A_242 : memref<10112x64xf32, #tpu.memory_space<vmem_shared>>) target(%arg12 : memref<112x64xf32, #tpu.memory_space<vmem>>) offsets(%dma_start3A_239 : memref<112xi32, #tpu.memory_space<vmem>>) semaphore(%arg18 : memref<!tpu.dma_semaphore, #tpu.memory_space<semaphore_mem>>)
    }
    %scan3A_61 = arith.constant 22 : i32
    %dma_wait3A_62 = arith.constant 90 : i32
    %dma_wait3A_63 = arith.constant 0 : i32
    %dma_wait3A_64 = tpu.memref_slice %arg7[%dma_wait3A_62, %dma_wait3A_63] : memref<92x112xi32, #tpu.memory_space<vmem>> -> memref<1x112xi32, #tpu.memory_space<vmem>>
    %dma_wait3A_65 = tpu.memref_squeeze %dma_wait3A_64 : memref<1x112xi32, #tpu.memory_space<vmem>> -> memref<112xi32, #tpu.memory_space<vmem>>
    %dma_wait3A_66 = arith.constant 0 : i32
    %dma_wait3A_67 = arith.constant 0 : i32
    %dma_wait3A_68 = tpu.memref_slice %arg14[%dma_wait3A_66, %dma_wait3A_67] : memref<10112x64xf32, #tpu.memory_space<vmem_shared>> -> memref<10112x64xf32, #tpu.memory_space<vmem_shared>>
    tpu.wait_indirect_dma semaphore(%arg17 : memref<!tpu.dma_semaphore, #tpu.memory_space<semaphore_mem>>) src(%dma_wait3A_68 : memref<10112x64xf32, #tpu.memory_space<vmem_shared>>) dst(%arg11 : memref<112x64xf32, #tpu.memory_space<vmem>>)
    %dma_start3A_69 = arith.constant 90 : i32
    %dma_start3A_70 = arith.constant 0 : i32
    %dma_start3A_71 = tpu.memref_slice %arg8[%dma_start3A_69, %dma_start3A_70] : memref<92x112xi32, #tpu.memory_space<vmem>> -> memref<1x112xi32, #tpu.memory_space<vmem>>
    %dma_start3A_72 = tpu.memref_squeeze %dma_start3A_71 : memref<1x112xi32, #tpu.memory_space<vmem>> -> memref<112xi32, #tpu.memory_space<vmem>>
    %dma_start3A_73 = arith.constant 0 : i32
    %dma_start3A_74 = arith.constant 0 : i32
    %dma_start3A_75 = tpu.memref_slice %arg13[%dma_start3A_73, %dma_start3A_74] : memref<10112x64xf32, #tpu.memory_space<vmem_shared>> -> memref<10112x64xf32, #tpu.memory_space<vmem_shared>>
    tpu.enqueue_indirect_dma source(%arg11 : memref<112x64xf32, #tpu.memory_space<vmem>>) target(%dma_start3A_75 : memref<10112x64xf32, #tpu.memory_space<vmem_shared>>) offsets(%dma_start3A_72 : memref<112xi32, #tpu.memory_space<vmem>>) semaphore(%arg21 : memref<!tpu.dma_semaphore, #tpu.memory_space<semaphore_mem>>) {add = true}
    %dma_wait3A_76 = arith.constant 88 : i32
    %dma_wait3A_77 = arith.constant 0 : i32
    %dma_wait3A_78 = tpu.memref_slice %arg8[%dma_wait3A_76, %dma_wait3A_77] : memref<92x112xi32, #tpu.memory_space<vmem>> -> memref<1x112xi32, #tpu.memory_space<vmem>>
    %dma_wait3A_79 = tpu.memref_squeeze %dma_wait3A_78 : memref<1x112xi32, #tpu.memory_space<vmem>> -> memref<112xi32, #tpu.memory_space<vmem>>
    %dma_wait3A_80 = arith.constant 0 : i32
    %dma_wait3A_81 = arith.constant 0 : i32
    %dma_wait3A_82 = tpu.memref_slice %arg13[%dma_wait3A_80, %dma_wait3A_81] : memref<10112x64xf32, #tpu.memory_space<vmem_shared>> -> memref<10112x64xf32, #tpu.memory_space<vmem_shared>>
    tpu.wait_indirect_dma semaphore(%arg19 : memref<!tpu.dma_semaphore, #tpu.memory_space<semaphore_mem>>) src(%arg9 : memref<112x64xf32, #tpu.memory_space<vmem>>) dst(%dma_wait3A_82 : memref<10112x64xf32, #tpu.memory_space<vmem_shared>>)
    %dma_wait3A_83 = arith.constant 91 : i32
    %dma_wait3A_84 = arith.constant 0 : i32
    %dma_wait3A_85 = tpu.memref_slice %arg7[%dma_wait3A_83, %dma_wait3A_84] : memref<92x112xi32, #tpu.memory_space<vmem>> -> memref<1x112xi32, #tpu.memory_space<vmem>>
    %dma_wait3A_86 = tpu.memref_squeeze %dma_wait3A_85 : memref<1x112xi32, #tpu.memory_space<vmem>> -> memref<112xi32, #tpu.memory_space<vmem>>
    %dma_wait3A_87 = arith.constant 0 : i32
    %dma_wait3A_88 = arith.constant 0 : i32
    %dma_wait3A_89 = tpu.memref_slice %arg14[%dma_wait3A_87, %dma_wait3A_88] : memref<10112x64xf32, #tpu.memory_space<vmem_shared>> -> memref<10112x64xf32, #tpu.memory_space<vmem_shared>>
    tpu.wait_indirect_dma semaphore(%arg18 : memref<!tpu.dma_semaphore, #tpu.memory_space<semaphore_mem>>) src(%dma_wait3A_89 : memref<10112x64xf32, #tpu.memory_space<vmem_shared>>) dst(%arg12 : memref<112x64xf32, #tpu.memory_space<vmem>>)
    %dma_start3A_90 = arith.constant 91 : i32
    %dma_start3A_91 = arith.constant 0 : i32
    %dma_start3A_92 = tpu.memref_slice %arg8[%dma_start3A_90, %dma_start3A_91] : memref<92x112xi32, #tpu.memory_space<vmem>> -> memref<1x112xi32, #tpu.memory_space<vmem>>
    %dma_start3A_93 = tpu.memref_squeeze %dma_start3A_92 : memref<1x112xi32, #tpu.memory_space<vmem>> -> memref<112xi32, #tpu.memory_space<vmem>>
    %dma_start3A_94 = arith.constant 0 : i32
    %dma_start3A_95 = arith.constant 0 : i32
    %dma_start3A_96 = tpu.memref_slice %arg13[%dma_start3A_94, %dma_start3A_95] : memref<10112x64xf32, #tpu.memory_space<vmem_shared>> -> memref<10112x64xf32, #tpu.memory_space<vmem_shared>>
    tpu.enqueue_indirect_dma source(%arg12 : memref<112x64xf32, #tpu.memory_space<vmem>>) target(%dma_start3A_96 : memref<10112x64xf32, #tpu.memory_space<vmem_shared>>) offsets(%dma_start3A_93 : memref<112xi32, #tpu.memory_space<vmem>>) semaphore(%arg22 : memref<!tpu.dma_semaphore, #tpu.memory_space<semaphore_mem>>) {add = true}
    %dma_wait3A_97 = arith.constant 89 : i32
    %dma_wait3A_98 = arith.constant 0 : i32
    %dma_wait3A_99 = tpu.memref_slice %arg8[%dma_wait3A_97, %dma_wait3A_98] : memref<92x112xi32, #tpu.memory_space<vmem>> -> memref<1x112xi32, #tpu.memory_space<vmem>>
    %dma_wait3A_100 = tpu.memref_squeeze %dma_wait3A_99 : memref<1x112xi32, #tpu.memory_space<vmem>> -> memref<112xi32, #tpu.memory_space<vmem>>
    %dma_wait3A_101 = arith.constant 0 : i32
    %dma_wait3A_102 = arith.constant 0 : i32
    %dma_wait3A_103 = tpu.memref_slice %arg13[%dma_wait3A_101, %dma_wait3A_102] : memref<10112x64xf32, #tpu.memory_space<vmem_shared>> -> memref<10112x64xf32, #tpu.memory_space<vmem_shared>>
    tpu.wait_indirect_dma semaphore(%arg20 : memref<!tpu.dma_semaphore, #tpu.memory_space<semaphore_mem>>) src(%arg10 : memref<112x64xf32, #tpu.memory_space<vmem>>) dst(%dma_wait3A_103 : memref<10112x64xf32, #tpu.memory_space<vmem_shared>>)
    %dma_wait3A_104 = arith.constant 90 : i32
    %dma_wait3A_105 = arith.constant 0 : i32
    %dma_wait3A_106 = tpu.memref_slice %arg8[%dma_wait3A_104, %dma_wait3A_105] : memref<92x112xi32, #tpu.memory_space<vmem>> -> memref<1x112xi32, #tpu.memory_space<vmem>>
    %dma_wait3A_107 = tpu.memref_squeeze %dma_wait3A_106 : memref<1x112xi32, #tpu.memory_space<vmem>> -> memref<112xi32, #tpu.memory_space<vmem>>
    %dma_wait3A_108 = arith.constant 0 : i32
    %dma_wait3A_109 = arith.constant 0 : i32
    %dma_wait3A_110 = tpu.memref_slice %arg13[%dma_wait3A_108, %dma_wait3A_109] : memref<10112x64xf32, #tpu.memory_space<vmem_shared>> -> memref<10112x64xf32, #tpu.memory_space<vmem_shared>>
    tpu.wait_indirect_dma semaphore(%arg21 : memref<!tpu.dma_semaphore, #tpu.memory_space<semaphore_mem>>) src(%arg11 : memref<112x64xf32, #tpu.memory_space<vmem>>) dst(%dma_wait3A_110 : memref<10112x64xf32, #tpu.memory_space<vmem_shared>>)
    %dma_wait3A_111 = arith.constant 91 : i32
    %dma_wait3A_112 = arith.constant 0 : i32
    %dma_wait3A_113 = tpu.memref_slice %arg8[%dma_wait3A_111, %dma_wait3A_112] : memref<92x112xi32, #tpu.memory_space<vmem>> -> memref<1x112xi32, #tpu.memory_space<vmem>>
    %dma_wait3A_114 = tpu.memref_squeeze %dma_wait3A_113 : memref<1x112xi32, #tpu.memory_space<vmem>> -> memref<112xi32, #tpu.memory_space<vmem>>
    %dma_wait3A_115 = arith.constant 0 : i32
    %dma_wait3A_116 = arith.constant 0 : i32
    %dma_wait3A_117 = tpu.memref_slice %arg13[%dma_wait3A_115, %dma_wait3A_116] : memref<10112x64xf32, #tpu.memory_space<vmem_shared>> -> memref<10112x64xf32, #tpu.memory_space<vmem_shared>>
    tpu.wait_indirect_dma semaphore(%arg22 : memref<!tpu.dma_semaphore, #tpu.memory_space<semaphore_mem>>) src(%arg12 : memref<112x64xf32, #tpu.memory_space<vmem>>) dst(%dma_wait3A_117 : memref<10112x64xf32, #tpu.memory_space<vmem_shared>>)
    %barrier3A_118 = arith.constant 0 : index
    tpu.barrier barrier_id(%barrier3A_118)
    %run_scoped3A = arith.constant 0 : i32
    "tpu.region"() ({
      %run_scoped3A_119 = tpu.sem_alloc : memref<!tpu.dma_semaphore, #tpu.memory_space<semaphore_mem>>
      %dma_start3A_120 = arith.constant 0 : i32
      %dma_start3A_121 = tpu.memref_slice %arg6[%run_scoped3A, %arg0, %mul3A_2, %dma_start3A_120] : memref<1x2x10112x64xf32, #tpu.memory_space<hbm>> -> memref<1x1x632x64xf32, #tpu.memory_space<hbm>>
      %dma_start3A_122 = tpu.memref_squeeze %dma_start3A_121 : memref<1x1x632x64xf32, #tpu.memory_space<hbm>> -> memref<632x64xf32, #tpu.memory_space<hbm>>
      %dma_start3A_123 = arith.constant 0 : i32
      %dma_start3A_124 = tpu.memref_slice %arg13[%mul3A_2, %dma_start3A_123] : memref<10112x64xf32, #tpu.memory_space<vmem_shared>> -> memref<632x64xf32, #tpu.memory_space<vmem_shared>>
      tpu.enqueue_dma source(%dma_start3A_124 : memref<632x64xf32, #tpu.memory_space<vmem_shared>>) target(%dma_start3A_122 : memref<632x64xf32, #tpu.memory_space<hbm>>) target_semaphore(%run_scoped3A_119 : memref<!tpu.dma_semaphore, #tpu.memory_space<semaphore_mem>>)
      %dma_wait3A_125 = arith.constant 0 : i32
      %dma_wait3A_126 = tpu.memref_slice %arg6[%run_scoped3A, %arg0, %mul3A_2, %dma_wait3A_125] : memref<1x2x10112x64xf32, #tpu.memory_space<hbm>> -> memref<1x1x632x64xf32, #tpu.memory_space<hbm>>
      %dma_wait3A_127 = tpu.memref_squeeze %dma_wait3A_126 : memref<1x1x632x64xf32, #tpu.memory_space<hbm>> -> memref<632x64xf32, #tpu.memory_space<hbm>>
      %dma_wait3A_128 = arith.constant 0 : i32
      %dma_wait3A_129 = tpu.memref_slice %arg13[%mul3A_2, %dma_wait3A_128] : memref<10112x64xf32, #tpu.memory_space<vmem_shared>> -> memref<632x64xf32, #tpu.memory_space<vmem_shared>>
      tpu.wait_dma2 semaphore(%run_scoped3A_119 : memref<!tpu.dma_semaphore, #tpu.memory_space<semaphore_mem>>) src(%dma_wait3A_129 : memref<632x64xf32, #tpu.memory_space<vmem_shared>>) dst(%dma_wait3A_127 : memref<632x64xf32, #tpu.memory_space<hbm>>)
      tpu.yield
    }) : () -> ()
    return
  }
}

#map = affine_map<(d0, d1) -> (0, 0)>
#map1 = affine_map<(d0, d1) -> (0, 0, 0)>
#map2 = affine_map<(d0, d1) -> (0, 0, 0, 0)>
module attributes {stable_mosaic.version = 14 : i64} {
  func.func @agg_kernel(%arg0: i32, %arg1: i32, %arg2: memref<10112x64xf32, #tpu.memory_space<hbm>>, %arg3: memref<10112x64xf32, #tpu.memory_space<hbm>>, %arg4: memref<32x92x112xi32, #tpu.memory_space<hbm>>, %arg5: memref<32x92x112xi32, #tpu.memory_space<hbm>>, %arg6: memref<10112x64xf32, #tpu.memory_space<hbm>>, %arg7: memref<2x2x10112x64xf32, #tpu.memory_space<hbm>>, %arg8: memref<92x112xi32, #tpu.memory_space<vmem>>, %arg9: memref<92x112xi32, #tpu.memory_space<vmem>>, %arg10: memref<112x64xf32, #tpu.memory_space<vmem>>, %arg11: memref<112x64xf32, #tpu.memory_space<vmem>>, %arg12: memref<112x64xf32, #tpu.memory_space<vmem>>, %arg13: memref<112x64xf32, #tpu.memory_space<vmem>>, %arg14: memref<10112x64xf32, #tpu.memory_space<vmem_shared>>, %arg15: memref<10112x64xf32, #tpu.memory_space<vmem_shared>>, %arg16: memref<!tpu.dma_semaphore, #tpu.memory_space<semaphore_mem>>, %arg17: memref<!tpu.dma_semaphore, #tpu.memory_space<semaphore_mem>>, %arg18: memref<!tpu.dma_semaphore, #tpu.memory_space<semaphore_mem>>, %arg19: memref<!tpu.dma_semaphore, #tpu.memory_space<semaphore_mem>>, %arg20: memref<!tpu.dma_semaphore, #tpu.memory_space<semaphore_mem>>, %arg21: memref<!tpu.dma_semaphore, #tpu.memory_space<semaphore_mem>>, %arg22: memref<!tpu.dma_semaphore, #tpu.memory_space<semaphore_mem>>, %arg23: memref<!tpu.dma_semaphore, #tpu.memory_space<semaphore_mem>>) attributes {dimension_semantics = [#tpu.dimension_semantics<core_parallel>, #tpu.dimension_semantics<subcore_parallel>], iteration_bounds = array<i64: 2, 16>, scalar_prefetch = 0 : i64, scratch_operands = 16 : i64, tpu.core_type = #tpu.core_type<sc_vector_subcore>, window_params = [{transform_indices = #map}, {transform_indices = #map}, {transform_indices = #map1}, {transform_indices = #map1}, {transform_indices = #map}, {transform_indices = #map2}]} {
    %mul3A = arith.constant 16 : i32
    %mul3A_0 = arith.muli %arg0, %mul3A : i32
    %add3A = arith.addi %mul3A_0, %arg1 : i32
    %mul3A_1 = arith.constant 632 : i32
    %mul3A_2 = arith.muli %arg1, %mul3A_1 : i32
    "tpu.region"() ({
      %run_scoped3A_240 = tpu.sem_alloc : memref<!tpu.dma_semaphore, #tpu.memory_space<semaphore_mem>>
      %dma_start3A_241 = arith.constant 0 : i32
      %dma_start3A_242 = arith.constant 0 : i32
      %dma_start3A_243 = tpu.memref_slice %arg4[%add3A, %dma_start3A_241, %dma_start3A_242] : memref<32x92x112xi32, #tpu.memory_space<hbm>> -> memref<1x92x112xi32, #tpu.memory_space<hbm>>
      %dma_start3A_244 = tpu.memref_squeeze %dma_start3A_243 : memref<1x92x112xi32, #tpu.memory_space<hbm>> -> memref<92x112xi32, #tpu.memory_space<hbm>>
      %dma_start3A_245 = arith.constant 0 : i32
      %dma_start3A_246 = arith.constant 0 : i32
      %dma_start3A_247 = tpu.memref_slice %arg4[%add3A, %dma_start3A_245, %dma_start3A_246] : memref<32x92x112xi32, #tpu.memory_space<hbm>> -> memref<1x92x112xi32, #tpu.memory_space<hbm>>
      %dma_start3A_248 = tpu.memref_squeeze %dma_start3A_247 : memref<1x92x112xi32, #tpu.memory_space<hbm>> -> memref<92x112xi32, #tpu.memory_space<hbm>>
      tpu.enqueue_dma source(%dma_start3A_248 : memref<92x112xi32, #tpu.memory_space<hbm>>) target(%arg8 : memref<92x112xi32, #tpu.memory_space<vmem>>) target_semaphore(%run_scoped3A_240 : memref<!tpu.dma_semaphore, #tpu.memory_space<semaphore_mem>>)
      %dma_wait3A_249 = arith.constant 0 : i32
      %dma_wait3A_250 = arith.constant 0 : i32
      %dma_wait3A_251 = tpu.memref_slice %arg4[%add3A, %dma_wait3A_249, %dma_wait3A_250] : memref<32x92x112xi32, #tpu.memory_space<hbm>> -> memref<1x92x112xi32, #tpu.memory_space<hbm>>
      %dma_wait3A_252 = tpu.memref_squeeze %dma_wait3A_251 : memref<1x92x112xi32, #tpu.memory_space<hbm>> -> memref<92x112xi32, #tpu.memory_space<hbm>>
      %dma_wait3A_253 = arith.constant 0 : i32
      %dma_wait3A_254 = arith.constant 0 : i32
      %dma_wait3A_255 = tpu.memref_slice %arg4[%add3A, %dma_wait3A_253, %dma_wait3A_254] : memref<32x92x112xi32, #tpu.memory_space<hbm>> -> memref<1x92x112xi32, #tpu.memory_space<hbm>>
      %dma_wait3A_256 = tpu.memref_squeeze %dma_wait3A_255 : memref<1x92x112xi32, #tpu.memory_space<hbm>> -> memref<92x112xi32, #tpu.memory_space<hbm>>
      tpu.wait_dma2 semaphore(%run_scoped3A_240 : memref<!tpu.dma_semaphore, #tpu.memory_space<semaphore_mem>>) src(%dma_wait3A_256 : memref<92x112xi32, #tpu.memory_space<hbm>>) dst(%arg8 : memref<92x112xi32, #tpu.memory_space<vmem>>)
      tpu.yield
    }) : () -> ()
    "tpu.region"() ({
      %run_scoped3A_240 = tpu.sem_alloc : memref<!tpu.dma_semaphore, #tpu.memory_space<semaphore_mem>>
      %dma_start3A_241 = arith.constant 0 : i32
      %dma_start3A_242 = arith.constant 0 : i32
      %dma_start3A_243 = tpu.memref_slice %arg5[%add3A, %dma_start3A_241, %dma_start3A_242] : memref<32x92x112xi32, #tpu.memory_space<hbm>> -> memref<1x92x112xi32, #tpu.memory_space<hbm>>
      %dma_start3A_244 = tpu.memref_squeeze %dma_start3A_243 : memref<1x92x112xi32, #tpu.memory_space<hbm>> -> memref<92x112xi32, #tpu.memory_space<hbm>>
      %dma_start3A_245 = arith.constant 0 : i32
      %dma_start3A_246 = arith.constant 0 : i32
      %dma_start3A_247 = tpu.memref_slice %arg5[%add3A, %dma_start3A_245, %dma_start3A_246] : memref<32x92x112xi32, #tpu.memory_space<hbm>> -> memref<1x92x112xi32, #tpu.memory_space<hbm>>
      %dma_start3A_248 = tpu.memref_squeeze %dma_start3A_247 : memref<1x92x112xi32, #tpu.memory_space<hbm>> -> memref<92x112xi32, #tpu.memory_space<hbm>>
      tpu.enqueue_dma source(%dma_start3A_248 : memref<92x112xi32, #tpu.memory_space<hbm>>) target(%arg9 : memref<92x112xi32, #tpu.memory_space<vmem>>) target_semaphore(%run_scoped3A_240 : memref<!tpu.dma_semaphore, #tpu.memory_space<semaphore_mem>>)
      %dma_wait3A_249 = arith.constant 0 : i32
      %dma_wait3A_250 = arith.constant 0 : i32
      %dma_wait3A_251 = tpu.memref_slice %arg5[%add3A, %dma_wait3A_249, %dma_wait3A_250] : memref<32x92x112xi32, #tpu.memory_space<hbm>> -> memref<1x92x112xi32, #tpu.memory_space<hbm>>
      %dma_wait3A_252 = tpu.memref_squeeze %dma_wait3A_251 : memref<1x92x112xi32, #tpu.memory_space<hbm>> -> memref<92x112xi32, #tpu.memory_space<hbm>>
      %dma_wait3A_253 = arith.constant 0 : i32
      %dma_wait3A_254 = arith.constant 0 : i32
      %dma_wait3A_255 = tpu.memref_slice %arg5[%add3A, %dma_wait3A_253, %dma_wait3A_254] : memref<32x92x112xi32, #tpu.memory_space<hbm>> -> memref<1x92x112xi32, #tpu.memory_space<hbm>>
      %dma_wait3A_256 = tpu.memref_squeeze %dma_wait3A_255 : memref<1x92x112xi32, #tpu.memory_space<hbm>> -> memref<92x112xi32, #tpu.memory_space<hbm>>
      tpu.wait_dma2 semaphore(%run_scoped3A_240 : memref<!tpu.dma_semaphore, #tpu.memory_space<semaphore_mem>>) src(%dma_wait3A_256 : memref<92x112xi32, #tpu.memory_space<hbm>>) dst(%arg9 : memref<92x112xi32, #tpu.memory_space<vmem>>)
      tpu.yield
    }) : () -> ()
    "tpu.region"() ({
      %run_scoped3A_240 = tpu.sem_alloc : memref<!tpu.dma_semaphore, #tpu.memory_space<semaphore_mem>>
      %dma_start3A_241 = arith.constant 0 : i32
      %dma_start3A_242 = tpu.memref_slice %arg15[%mul3A_2, %dma_start3A_241] : memref<10112x64xf32, #tpu.memory_space<vmem_shared>> -> memref<632x64xf32, #tpu.memory_space<vmem_shared>>
      %dma_start3A_243 = arith.constant 0 : i32
      %dma_start3A_244 = tpu.memref_slice %arg2[%mul3A_2, %dma_start3A_243] : memref<10112x64xf32, #tpu.memory_space<hbm>> -> memref<632x64xf32, #tpu.memory_space<hbm>>
      tpu.enqueue_dma source(%dma_start3A_244 : memref<632x64xf32, #tpu.memory_space<hbm>>) target(%dma_start3A_242 : memref<632x64xf32, #tpu.memory_space<vmem_shared>>) target_semaphore(%run_scoped3A_240 : memref<!tpu.dma_semaphore, #tpu.memory_space<semaphore_mem>>)
      %dma_wait3A_245 = arith.constant 0 : i32
      %dma_wait3A_246 = tpu.memref_slice %arg15[%mul3A_2, %dma_wait3A_245] : memref<10112x64xf32, #tpu.memory_space<vmem_shared>> -> memref<632x64xf32, #tpu.memory_space<vmem_shared>>
      %dma_wait3A_247 = arith.constant 0 : i32
      %dma_wait3A_248 = tpu.memref_slice %arg2[%mul3A_2, %dma_wait3A_247] : memref<10112x64xf32, #tpu.memory_space<hbm>> -> memref<632x64xf32, #tpu.memory_space<hbm>>
      tpu.wait_dma2 semaphore(%run_scoped3A_240 : memref<!tpu.dma_semaphore, #tpu.memory_space<semaphore_mem>>) src(%dma_wait3A_248 : memref<632x64xf32, #tpu.memory_space<hbm>>) dst(%dma_wait3A_246 : memref<632x64xf32, #tpu.memory_space<vmem_shared>>)
      tpu.yield
    }) : () -> ()
    "tpu.region"() ({
      %run_scoped3A_240 = tpu.sem_alloc : memref<!tpu.dma_semaphore, #tpu.memory_space<semaphore_mem>>
      %dma_start3A_241 = arith.constant 0 : i32
      %dma_start3A_242 = tpu.memref_slice %arg14[%mul3A_2, %dma_start3A_241] : memref<10112x64xf32, #tpu.memory_space<vmem_shared>> -> memref<632x64xf32, #tpu.memory_space<vmem_shared>>
      %dma_start3A_243 = arith.constant 0 : i32
      %dma_start3A_244 = tpu.memref_slice %arg6[%mul3A_2, %dma_start3A_243] : memref<10112x64xf32, #tpu.memory_space<hbm>> -> memref<632x64xf32, #tpu.memory_space<hbm>>
      tpu.enqueue_dma source(%dma_start3A_244 : memref<632x64xf32, #tpu.memory_space<hbm>>) target(%dma_start3A_242 : memref<632x64xf32, #tpu.memory_space<vmem_shared>>) target_semaphore(%run_scoped3A_240 : memref<!tpu.dma_semaphore, #tpu.memory_space<semaphore_mem>>)
      %dma_wait3A_245 = arith.constant 0 : i32
      %dma_wait3A_246 = tpu.memref_slice %arg14[%mul3A_2, %dma_wait3A_245] : memref<10112x64xf32, #tpu.memory_space<vmem_shared>> -> memref<632x64xf32, #tpu.memory_space<vmem_shared>>
      %dma_wait3A_247 = arith.constant 0 : i32
      %dma_wait3A_248 = tpu.memref_slice %arg6[%mul3A_2, %dma_wait3A_247] : memref<10112x64xf32, #tpu.memory_space<hbm>> -> memref<632x64xf32, #tpu.memory_space<hbm>>
      tpu.wait_dma2 semaphore(%run_scoped3A_240 : memref<!tpu.dma_semaphore, #tpu.memory_space<semaphore_mem>>) src(%dma_wait3A_248 : memref<632x64xf32, #tpu.memory_space<hbm>>) dst(%dma_wait3A_246 : memref<632x64xf32, #tpu.memory_space<vmem_shared>>)
      tpu.yield
    }) : () -> ()
    %barrier3A = arith.constant 0 : index
    tpu.barrier barrier_id(%barrier3A)
    %dma_start3A = arith.constant 0 : i32
    %dma_start3A_3 = arith.constant 0 : i32
    %dma_start3A_4 = tpu.memref_slice %arg8[%dma_start3A, %dma_start3A_3] : memref<92x112xi32, #tpu.memory_space<vmem>> -> memref<1x112xi32, #tpu.memory_space<vmem>>
    %dma_start3A_5 = tpu.memref_squeeze %dma_start3A_4 : memref<1x112xi32, #tpu.memory_space<vmem>> -> memref<112xi32, #tpu.memory_space<vmem>>
    %dma_start3A_6 = arith.constant 0 : i32
    %dma_start3A_7 = arith.constant 0 : i32
    %dma_start3A_8 = tpu.memref_slice %arg15[%dma_start3A_6, %dma_start3A_7] : memref<10112x64xf32, #tpu.memory_space<vmem_shared>> -> memref<10112x64xf32, #tpu.memory_space<vmem_shared>>
    tpu.enqueue_indirect_dma source(%dma_start3A_8 : memref<10112x64xf32, #tpu.memory_space<vmem_shared>>) target(%arg10 : memref<112x64xf32, #tpu.memory_space<vmem>>) offsets(%dma_start3A_5 : memref<112xi32, #tpu.memory_space<vmem>>) semaphore(%arg16 : memref<!tpu.dma_semaphore, #tpu.memory_space<semaphore_mem>>)
    %dma_start3A_9 = arith.constant 1 : i32
    %dma_start3A_10 = arith.constant 0 : i32
    %dma_start3A_11 = tpu.memref_slice %arg8[%dma_start3A_9, %dma_start3A_10] : memref<92x112xi32, #tpu.memory_space<vmem>> -> memref<1x112xi32, #tpu.memory_space<vmem>>
    %dma_start3A_12 = tpu.memref_squeeze %dma_start3A_11 : memref<1x112xi32, #tpu.memory_space<vmem>> -> memref<112xi32, #tpu.memory_space<vmem>>
    %dma_start3A_13 = arith.constant 0 : i32
    %dma_start3A_14 = arith.constant 0 : i32
    %dma_start3A_15 = tpu.memref_slice %arg15[%dma_start3A_13, %dma_start3A_14] : memref<10112x64xf32, #tpu.memory_space<vmem_shared>> -> memref<10112x64xf32, #tpu.memory_space<vmem_shared>>
    tpu.enqueue_indirect_dma source(%dma_start3A_15 : memref<10112x64xf32, #tpu.memory_space<vmem_shared>>) target(%arg11 : memref<112x64xf32, #tpu.memory_space<vmem>>) offsets(%dma_start3A_12 : memref<112xi32, #tpu.memory_space<vmem>>) semaphore(%arg17 : memref<!tpu.dma_semaphore, #tpu.memory_space<semaphore_mem>>)
    %dma_wait3A = arith.constant 0 : i32
    %dma_wait3A_16 = arith.constant 0 : i32
    %dma_wait3A_17 = tpu.memref_slice %arg8[%dma_wait3A, %dma_wait3A_16] : memref<92x112xi32, #tpu.memory_space<vmem>> -> memref<1x112xi32, #tpu.memory_space<vmem>>
    %dma_wait3A_18 = tpu.memref_squeeze %dma_wait3A_17 : memref<1x112xi32, #tpu.memory_space<vmem>> -> memref<112xi32, #tpu.memory_space<vmem>>
    %dma_wait3A_19 = arith.constant 0 : i32
    %dma_wait3A_20 = arith.constant 0 : i32
    %dma_wait3A_21 = tpu.memref_slice %arg15[%dma_wait3A_19, %dma_wait3A_20] : memref<10112x64xf32, #tpu.memory_space<vmem_shared>> -> memref<10112x64xf32, #tpu.memory_space<vmem_shared>>
    tpu.wait_indirect_dma semaphore(%arg16 : memref<!tpu.dma_semaphore, #tpu.memory_space<semaphore_mem>>) src(%dma_wait3A_21 : memref<10112x64xf32, #tpu.memory_space<vmem_shared>>) dst(%arg10 : memref<112x64xf32, #tpu.memory_space<vmem>>)
    %dma_start3A_22 = arith.constant 0 : i32
    %dma_start3A_23 = arith.constant 0 : i32
    %dma_start3A_24 = tpu.memref_slice %arg9[%dma_start3A_22, %dma_start3A_23] : memref<92x112xi32, #tpu.memory_space<vmem>> -> memref<1x112xi32, #tpu.memory_space<vmem>>
    %dma_start3A_25 = tpu.memref_squeeze %dma_start3A_24 : memref<1x112xi32, #tpu.memory_space<vmem>> -> memref<112xi32, #tpu.memory_space<vmem>>
    %dma_start3A_26 = arith.constant 0 : i32
    %dma_start3A_27 = arith.constant 0 : i32
    %dma_start3A_28 = tpu.memref_slice %arg14[%dma_start3A_26, %dma_start3A_27] : memref<10112x64xf32, #tpu.memory_space<vmem_shared>> -> memref<10112x64xf32, #tpu.memory_space<vmem_shared>>
    tpu.enqueue_indirect_dma source(%arg10 : memref<112x64xf32, #tpu.memory_space<vmem>>) target(%dma_start3A_28 : memref<10112x64xf32, #tpu.memory_space<vmem_shared>>) offsets(%dma_start3A_25 : memref<112xi32, #tpu.memory_space<vmem>>) semaphore(%arg20 : memref<!tpu.dma_semaphore, #tpu.memory_space<semaphore_mem>>) {add = true}
    %dma_start3A_29 = arith.constant 2 : i32
    %dma_start3A_30 = arith.constant 0 : i32
    %dma_start3A_31 = tpu.memref_slice %arg8[%dma_start3A_29, %dma_start3A_30] : memref<92x112xi32, #tpu.memory_space<vmem>> -> memref<1x112xi32, #tpu.memory_space<vmem>>
    %dma_start3A_32 = tpu.memref_squeeze %dma_start3A_31 : memref<1x112xi32, #tpu.memory_space<vmem>> -> memref<112xi32, #tpu.memory_space<vmem>>
    %dma_start3A_33 = arith.constant 0 : i32
    %dma_start3A_34 = arith.constant 0 : i32
    %dma_start3A_35 = tpu.memref_slice %arg15[%dma_start3A_33, %dma_start3A_34] : memref<10112x64xf32, #tpu.memory_space<vmem_shared>> -> memref<10112x64xf32, #tpu.memory_space<vmem_shared>>
    tpu.enqueue_indirect_dma source(%dma_start3A_35 : memref<10112x64xf32, #tpu.memory_space<vmem_shared>>) target(%arg12 : memref<112x64xf32, #tpu.memory_space<vmem>>) offsets(%dma_start3A_32 : memref<112xi32, #tpu.memory_space<vmem>>) semaphore(%arg18 : memref<!tpu.dma_semaphore, #tpu.memory_space<semaphore_mem>>)
    %dma_wait3A_36 = arith.constant 1 : i32
    %dma_wait3A_37 = arith.constant 0 : i32
    %dma_wait3A_38 = tpu.memref_slice %arg8[%dma_wait3A_36, %dma_wait3A_37] : memref<92x112xi32, #tpu.memory_space<vmem>> -> memref<1x112xi32, #tpu.memory_space<vmem>>
    %dma_wait3A_39 = tpu.memref_squeeze %dma_wait3A_38 : memref<1x112xi32, #tpu.memory_space<vmem>> -> memref<112xi32, #tpu.memory_space<vmem>>
    %dma_wait3A_40 = arith.constant 0 : i32
    %dma_wait3A_41 = arith.constant 0 : i32
    %dma_wait3A_42 = tpu.memref_slice %arg15[%dma_wait3A_40, %dma_wait3A_41] : memref<10112x64xf32, #tpu.memory_space<vmem_shared>> -> memref<10112x64xf32, #tpu.memory_space<vmem_shared>>
    tpu.wait_indirect_dma semaphore(%arg17 : memref<!tpu.dma_semaphore, #tpu.memory_space<semaphore_mem>>) src(%dma_wait3A_42 : memref<10112x64xf32, #tpu.memory_space<vmem_shared>>) dst(%arg11 : memref<112x64xf32, #tpu.memory_space<vmem>>)
    %dma_start3A_43 = arith.constant 1 : i32
    %dma_start3A_44 = arith.constant 0 : i32
    %dma_start3A_45 = tpu.memref_slice %arg9[%dma_start3A_43, %dma_start3A_44] : memref<92x112xi32, #tpu.memory_space<vmem>> -> memref<1x112xi32, #tpu.memory_space<vmem>>
    %dma_start3A_46 = tpu.memref_squeeze %dma_start3A_45 : memref<1x112xi32, #tpu.memory_space<vmem>> -> memref<112xi32, #tpu.memory_space<vmem>>
    %dma_start3A_47 = arith.constant 0 : i32
    %dma_start3A_48 = arith.constant 0 : i32
    %dma_start3A_49 = tpu.memref_slice %arg14[%dma_start3A_47, %dma_start3A_48] : memref<10112x64xf32, #tpu.memory_space<vmem_shared>> -> memref<10112x64xf32, #tpu.memory_space<vmem_shared>>
    tpu.enqueue_indirect_dma source(%arg11 : memref<112x64xf32, #tpu.memory_space<vmem>>) target(%dma_start3A_49 : memref<10112x64xf32, #tpu.memory_space<vmem_shared>>) offsets(%dma_start3A_46 : memref<112xi32, #tpu.memory_space<vmem>>) semaphore(%arg21 : memref<!tpu.dma_semaphore, #tpu.memory_space<semaphore_mem>>) {add = true}
    %dma_start3A_50 = arith.constant 3 : i32
    %dma_start3A_51 = arith.constant 0 : i32
    %dma_start3A_52 = tpu.memref_slice %arg8[%dma_start3A_50, %dma_start3A_51] : memref<92x112xi32, #tpu.memory_space<vmem>> -> memref<1x112xi32, #tpu.memory_space<vmem>>
    %dma_start3A_53 = tpu.memref_squeeze %dma_start3A_52 : memref<1x112xi32, #tpu.memory_space<vmem>> -> memref<112xi32, #tpu.memory_space<vmem>>
    %dma_start3A_54 = arith.constant 0 : i32
    %dma_start3A_55 = arith.constant 0 : i32
    %dma_start3A_56 = tpu.memref_slice %arg15[%dma_start3A_54, %dma_start3A_55] : memref<10112x64xf32, #tpu.memory_space<vmem_shared>> -> memref<10112x64xf32, #tpu.memory_space<vmem_shared>>
    tpu.enqueue_indirect_dma source(%dma_start3A_56 : memref<10112x64xf32, #tpu.memory_space<vmem_shared>>) target(%arg13 : memref<112x64xf32, #tpu.memory_space<vmem>>) offsets(%dma_start3A_53 : memref<112xi32, #tpu.memory_space<vmem>>) semaphore(%arg19 : memref<!tpu.dma_semaphore, #tpu.memory_space<semaphore_mem>>)
    %scan3A = arith.constant 0 : i32
    %scan3A_57 = arith.constant 0 : i32
    %scan3A_58 = arith.constant 22 : i32
    %scan3A_59 = arith.addi %scan3A_57, %scan3A_58 : i32
    %scan3A_60 = arith.constant 1 : i32
    scf.for %scan3A_240 = %scan3A_57 to %scan3A_59 step %scan3A_60  : i32 {
      %mul3A_241 = arith.constant 4 : i32
      %mul3A_242 = arith.muli %scan3A_240, %mul3A_241 : i32
      %add3A_243 = arith.constant 2 : i32
      %add3A_244 = arith.addi %add3A_243, %mul3A_242 : i32
      %add3A_245 = arith.constant 0 : i32
      %add3A_246 = arith.addi %add3A_244, %add3A_245 : i32
      %dma_wait3A_247 = arith.constant 0 : i32
      %dma_wait3A_248 = tpu.memref_slice %arg8[%add3A_246, %dma_wait3A_247] : memref<92x112xi32, #tpu.memory_space<vmem>> -> memref<1x112xi32, #tpu.memory_space<vmem>>
      %dma_wait3A_249 = tpu.memref_squeeze %dma_wait3A_248 : memref<1x112xi32, #tpu.memory_space<vmem>> -> memref<112xi32, #tpu.memory_space<vmem>>
      %dma_wait3A_250 = arith.constant 0 : i32
      %dma_wait3A_251 = arith.constant 0 : i32
      %dma_wait3A_252 = tpu.memref_slice %arg15[%dma_wait3A_250, %dma_wait3A_251] : memref<10112x64xf32, #tpu.memory_space<vmem_shared>> -> memref<10112x64xf32, #tpu.memory_space<vmem_shared>>
      tpu.wait_indirect_dma semaphore(%arg18 : memref<!tpu.dma_semaphore, #tpu.memory_space<semaphore_mem>>) src(%dma_wait3A_252 : memref<10112x64xf32, #tpu.memory_space<vmem_shared>>) dst(%arg12 : memref<112x64xf32, #tpu.memory_space<vmem>>)
      %dma_start3A_253 = arith.constant 0 : i32
      %dma_start3A_254 = tpu.memref_slice %arg9[%add3A_246, %dma_start3A_253] : memref<92x112xi32, #tpu.memory_space<vmem>> -> memref<1x112xi32, #tpu.memory_space<vmem>>
      %dma_start3A_255 = tpu.memref_squeeze %dma_start3A_254 : memref<1x112xi32, #tpu.memory_space<vmem>> -> memref<112xi32, #tpu.memory_space<vmem>>
      %dma_start3A_256 = arith.constant 0 : i32
      %dma_start3A_257 = arith.constant 0 : i32
      %dma_start3A_258 = tpu.memref_slice %arg14[%dma_start3A_256, %dma_start3A_257] : memref<10112x64xf32, #tpu.memory_space<vmem_shared>> -> memref<10112x64xf32, #tpu.memory_space<vmem_shared>>
      tpu.enqueue_indirect_dma source(%arg12 : memref<112x64xf32, #tpu.memory_space<vmem>>) target(%dma_start3A_258 : memref<10112x64xf32, #tpu.memory_space<vmem_shared>>) offsets(%dma_start3A_255 : memref<112xi32, #tpu.memory_space<vmem>>) semaphore(%arg22 : memref<!tpu.dma_semaphore, #tpu.memory_space<semaphore_mem>>) {add = true}
      %sub3A = arith.constant 2 : i32
      %sub3A_259 = arith.subi %add3A_246, %sub3A : i32
      %dma_wait3A_260 = arith.constant 0 : i32
      %dma_wait3A_261 = tpu.memref_slice %arg9[%sub3A_259, %dma_wait3A_260] : memref<92x112xi32, #tpu.memory_space<vmem>> -> memref<1x112xi32, #tpu.memory_space<vmem>>
      %dma_wait3A_262 = tpu.memref_squeeze %dma_wait3A_261 : memref<1x112xi32, #tpu.memory_space<vmem>> -> memref<112xi32, #tpu.memory_space<vmem>>
      %dma_wait3A_263 = arith.constant 0 : i32
      %dma_wait3A_264 = arith.constant 0 : i32
      %dma_wait3A_265 = tpu.memref_slice %arg14[%dma_wait3A_263, %dma_wait3A_264] : memref<10112x64xf32, #tpu.memory_space<vmem_shared>> -> memref<10112x64xf32, #tpu.memory_space<vmem_shared>>
      tpu.wait_indirect_dma semaphore(%arg20 : memref<!tpu.dma_semaphore, #tpu.memory_space<semaphore_mem>>) src(%arg10 : memref<112x64xf32, #tpu.memory_space<vmem>>) dst(%dma_wait3A_265 : memref<10112x64xf32, #tpu.memory_space<vmem_shared>>)
      %add3A_266 = arith.constant 2 : i32
      %add3A_267 = arith.addi %add3A_246, %add3A_266 : i32
      %dma_start3A_268 = arith.constant 0 : i32
      %dma_start3A_269 = tpu.memref_slice %arg8[%add3A_267, %dma_start3A_268] : memref<92x112xi32, #tpu.memory_space<vmem>> -> memref<1x112xi32, #tpu.memory_space<vmem>>
      %dma_start3A_270 = tpu.memref_squeeze %dma_start3A_269 : memref<1x112xi32, #tpu.memory_space<vmem>> -> memref<112xi32, #tpu.memory_space<vmem>>
      %dma_start3A_271 = arith.constant 0 : i32
      %dma_start3A_272 = arith.constant 0 : i32
      %dma_start3A_273 = tpu.memref_slice %arg15[%dma_start3A_271, %dma_start3A_272] : memref<10112x64xf32, #tpu.memory_space<vmem_shared>> -> memref<10112x64xf32, #tpu.memory_space<vmem_shared>>
      tpu.enqueue_indirect_dma source(%dma_start3A_273 : memref<10112x64xf32, #tpu.memory_space<vmem_shared>>) target(%arg10 : memref<112x64xf32, #tpu.memory_space<vmem>>) offsets(%dma_start3A_270 : memref<112xi32, #tpu.memory_space<vmem>>) semaphore(%arg16 : memref<!tpu.dma_semaphore, #tpu.memory_space<semaphore_mem>>)
      %add3A_274 = arith.constant 1 : i32
      %add3A_275 = arith.addi %add3A_244, %add3A_274 : i32
      %dma_wait3A_276 = arith.constant 0 : i32
      %dma_wait3A_277 = tpu.memref_slice %arg8[%add3A_275, %dma_wait3A_276] : memref<92x112xi32, #tpu.memory_space<vmem>> -> memref<1x112xi32, #tpu.memory_space<vmem>>
      %dma_wait3A_278 = tpu.memref_squeeze %dma_wait3A_277 : memref<1x112xi32, #tpu.memory_space<vmem>> -> memref<112xi32, #tpu.memory_space<vmem>>
      %dma_wait3A_279 = arith.constant 0 : i32
      %dma_wait3A_280 = arith.constant 0 : i32
      %dma_wait3A_281 = tpu.memref_slice %arg15[%dma_wait3A_279, %dma_wait3A_280] : memref<10112x64xf32, #tpu.memory_space<vmem_shared>> -> memref<10112x64xf32, #tpu.memory_space<vmem_shared>>
      tpu.wait_indirect_dma semaphore(%arg19 : memref<!tpu.dma_semaphore, #tpu.memory_space<semaphore_mem>>) src(%dma_wait3A_281 : memref<10112x64xf32, #tpu.memory_space<vmem_shared>>) dst(%arg13 : memref<112x64xf32, #tpu.memory_space<vmem>>)
      %dma_start3A_282 = arith.constant 0 : i32
      %dma_start3A_283 = tpu.memref_slice %arg9[%add3A_275, %dma_start3A_282] : memref<92x112xi32, #tpu.memory_space<vmem>> -> memref<1x112xi32, #tpu.memory_space<vmem>>
      %dma_start3A_284 = tpu.memref_squeeze %dma_start3A_283 : memref<1x112xi32, #tpu.memory_space<vmem>> -> memref<112xi32, #tpu.memory_space<vmem>>
      %dma_start3A_285 = arith.constant 0 : i32
      %dma_start3A_286 = arith.constant 0 : i32
      %dma_start3A_287 = tpu.memref_slice %arg14[%dma_start3A_285, %dma_start3A_286] : memref<10112x64xf32, #tpu.memory_space<vmem_shared>> -> memref<10112x64xf32, #tpu.memory_space<vmem_shared>>
      tpu.enqueue_indirect_dma source(%arg13 : memref<112x64xf32, #tpu.memory_space<vmem>>) target(%dma_start3A_287 : memref<10112x64xf32, #tpu.memory_space<vmem_shared>>) offsets(%dma_start3A_284 : memref<112xi32, #tpu.memory_space<vmem>>) semaphore(%arg23 : memref<!tpu.dma_semaphore, #tpu.memory_space<semaphore_mem>>) {add = true}
      %sub3A_288 = arith.constant 2 : i32
      %sub3A_289 = arith.subi %add3A_275, %sub3A_288 : i32
      %dma_wait3A_290 = arith.constant 0 : i32
      %dma_wait3A_291 = tpu.memref_slice %arg9[%sub3A_289, %dma_wait3A_290] : memref<92x112xi32, #tpu.memory_space<vmem>> -> memref<1x112xi32, #tpu.memory_space<vmem>>
      %dma_wait3A_292 = tpu.memref_squeeze %dma_wait3A_291 : memref<1x112xi32, #tpu.memory_space<vmem>> -> memref<112xi32, #tpu.memory_space<vmem>>
      %dma_wait3A_293 = arith.constant 0 : i32
      %dma_wait3A_294 = arith.constant 0 : i32
      %dma_wait3A_295 = tpu.memref_slice %arg14[%dma_wait3A_293, %dma_wait3A_294] : memref<10112x64xf32, #tpu.memory_space<vmem_shared>> -> memref<10112x64xf32, #tpu.memory_space<vmem_shared>>
      tpu.wait_indirect_dma semaphore(%arg21 : memref<!tpu.dma_semaphore, #tpu.memory_space<semaphore_mem>>) src(%arg11 : memref<112x64xf32, #tpu.memory_space<vmem>>) dst(%dma_wait3A_295 : memref<10112x64xf32, #tpu.memory_space<vmem_shared>>)
      %add3A_296 = arith.constant 2 : i32
      %add3A_297 = arith.addi %add3A_275, %add3A_296 : i32
      %dma_start3A_298 = arith.constant 0 : i32
      %dma_start3A_299 = tpu.memref_slice %arg8[%add3A_297, %dma_start3A_298] : memref<92x112xi32, #tpu.memory_space<vmem>> -> memref<1x112xi32, #tpu.memory_space<vmem>>
      %dma_start3A_300 = tpu.memref_squeeze %dma_start3A_299 : memref<1x112xi32, #tpu.memory_space<vmem>> -> memref<112xi32, #tpu.memory_space<vmem>>
      %dma_start3A_301 = arith.constant 0 : i32
      %dma_start3A_302 = arith.constant 0 : i32
      %dma_start3A_303 = tpu.memref_slice %arg15[%dma_start3A_301, %dma_start3A_302] : memref<10112x64xf32, #tpu.memory_space<vmem_shared>> -> memref<10112x64xf32, #tpu.memory_space<vmem_shared>>
      tpu.enqueue_indirect_dma source(%dma_start3A_303 : memref<10112x64xf32, #tpu.memory_space<vmem_shared>>) target(%arg11 : memref<112x64xf32, #tpu.memory_space<vmem>>) offsets(%dma_start3A_300 : memref<112xi32, #tpu.memory_space<vmem>>) semaphore(%arg17 : memref<!tpu.dma_semaphore, #tpu.memory_space<semaphore_mem>>)
      %add3A_304 = arith.constant 2 : i32
      %add3A_305 = arith.addi %add3A_244, %add3A_304 : i32
      %dma_wait3A_306 = arith.constant 0 : i32
      %dma_wait3A_307 = tpu.memref_slice %arg8[%add3A_305, %dma_wait3A_306] : memref<92x112xi32, #tpu.memory_space<vmem>> -> memref<1x112xi32, #tpu.memory_space<vmem>>
      %dma_wait3A_308 = tpu.memref_squeeze %dma_wait3A_307 : memref<1x112xi32, #tpu.memory_space<vmem>> -> memref<112xi32, #tpu.memory_space<vmem>>
      %dma_wait3A_309 = arith.constant 0 : i32
      %dma_wait3A_310 = arith.constant 0 : i32
      %dma_wait3A_311 = tpu.memref_slice %arg15[%dma_wait3A_309, %dma_wait3A_310] : memref<10112x64xf32, #tpu.memory_space<vmem_shared>> -> memref<10112x64xf32, #tpu.memory_space<vmem_shared>>
      tpu.wait_indirect_dma semaphore(%arg16 : memref<!tpu.dma_semaphore, #tpu.memory_space<semaphore_mem>>) src(%dma_wait3A_311 : memref<10112x64xf32, #tpu.memory_space<vmem_shared>>) dst(%arg10 : memref<112x64xf32, #tpu.memory_space<vmem>>)
      %dma_start3A_312 = arith.constant 0 : i32
      %dma_start3A_313 = tpu.memref_slice %arg9[%add3A_305, %dma_start3A_312] : memref<92x112xi32, #tpu.memory_space<vmem>> -> memref<1x112xi32, #tpu.memory_space<vmem>>
      %dma_start3A_314 = tpu.memref_squeeze %dma_start3A_313 : memref<1x112xi32, #tpu.memory_space<vmem>> -> memref<112xi32, #tpu.memory_space<vmem>>
      %dma_start3A_315 = arith.constant 0 : i32
      %dma_start3A_316 = arith.constant 0 : i32
      %dma_start3A_317 = tpu.memref_slice %arg14[%dma_start3A_315, %dma_start3A_316] : memref<10112x64xf32, #tpu.memory_space<vmem_shared>> -> memref<10112x64xf32, #tpu.memory_space<vmem_shared>>
      tpu.enqueue_indirect_dma source(%arg10 : memref<112x64xf32, #tpu.memory_space<vmem>>) target(%dma_start3A_317 : memref<10112x64xf32, #tpu.memory_space<vmem_shared>>) offsets(%dma_start3A_314 : memref<112xi32, #tpu.memory_space<vmem>>) semaphore(%arg20 : memref<!tpu.dma_semaphore, #tpu.memory_space<semaphore_mem>>) {add = true}
      %sub3A_318 = arith.constant 2 : i32
      %sub3A_319 = arith.subi %add3A_305, %sub3A_318 : i32
      %dma_wait3A_320 = arith.constant 0 : i32
      %dma_wait3A_321 = tpu.memref_slice %arg9[%sub3A_319, %dma_wait3A_320] : memref<92x112xi32, #tpu.memory_space<vmem>> -> memref<1x112xi32, #tpu.memory_space<vmem>>
      %dma_wait3A_322 = tpu.memref_squeeze %dma_wait3A_321 : memref<1x112xi32, #tpu.memory_space<vmem>> -> memref<112xi32, #tpu.memory_space<vmem>>
      %dma_wait3A_323 = arith.constant 0 : i32
      %dma_wait3A_324 = arith.constant 0 : i32
      %dma_wait3A_325 = tpu.memref_slice %arg14[%dma_wait3A_323, %dma_wait3A_324] : memref<10112x64xf32, #tpu.memory_space<vmem_shared>> -> memref<10112x64xf32, #tpu.memory_space<vmem_shared>>
      tpu.wait_indirect_dma semaphore(%arg22 : memref<!tpu.dma_semaphore, #tpu.memory_space<semaphore_mem>>) src(%arg12 : memref<112x64xf32, #tpu.memory_space<vmem>>) dst(%dma_wait3A_325 : memref<10112x64xf32, #tpu.memory_space<vmem_shared>>)
      %add3A_326 = arith.constant 2 : i32
      %add3A_327 = arith.addi %add3A_305, %add3A_326 : i32
      %dma_start3A_328 = arith.constant 0 : i32
      %dma_start3A_329 = tpu.memref_slice %arg8[%add3A_327, %dma_start3A_328] : memref<92x112xi32, #tpu.memory_space<vmem>> -> memref<1x112xi32, #tpu.memory_space<vmem>>
      %dma_start3A_330 = tpu.memref_squeeze %dma_start3A_329 : memref<1x112xi32, #tpu.memory_space<vmem>> -> memref<112xi32, #tpu.memory_space<vmem>>
      %dma_start3A_331 = arith.constant 0 : i32
      %dma_start3A_332 = arith.constant 0 : i32
      %dma_start3A_333 = tpu.memref_slice %arg15[%dma_start3A_331, %dma_start3A_332] : memref<10112x64xf32, #tpu.memory_space<vmem_shared>> -> memref<10112x64xf32, #tpu.memory_space<vmem_shared>>
      tpu.enqueue_indirect_dma source(%dma_start3A_333 : memref<10112x64xf32, #tpu.memory_space<vmem_shared>>) target(%arg12 : memref<112x64xf32, #tpu.memory_space<vmem>>) offsets(%dma_start3A_330 : memref<112xi32, #tpu.memory_space<vmem>>) semaphore(%arg18 : memref<!tpu.dma_semaphore, #tpu.memory_space<semaphore_mem>>)
      %add3A_334 = arith.constant 3 : i32
      %add3A_335 = arith.addi %add3A_244, %add3A_334 : i32
      %dma_wait3A_336 = arith.constant 0 : i32
      %dma_wait3A_337 = tpu.memref_slice %arg8[%add3A_335, %dma_wait3A_336] : memref<92x112xi32, #tpu.memory_space<vmem>> -> memref<1x112xi32, #tpu.memory_space<vmem>>
      %dma_wait3A_338 = tpu.memref_squeeze %dma_wait3A_337 : memref<1x112xi32, #tpu.memory_space<vmem>> -> memref<112xi32, #tpu.memory_space<vmem>>
      %dma_wait3A_339 = arith.constant 0 : i32
      %dma_wait3A_340 = arith.constant 0 : i32
      %dma_wait3A_341 = tpu.memref_slice %arg15[%dma_wait3A_339, %dma_wait3A_340] : memref<10112x64xf32, #tpu.memory_space<vmem_shared>> -> memref<10112x64xf32, #tpu.memory_space<vmem_shared>>
      tpu.wait_indirect_dma semaphore(%arg17 : memref<!tpu.dma_semaphore, #tpu.memory_space<semaphore_mem>>) src(%dma_wait3A_341 : memref<10112x64xf32, #tpu.memory_space<vmem_shared>>) dst(%arg11 : memref<112x64xf32, #tpu.memory_space<vmem>>)
      %dma_start3A_342 = arith.constant 0 : i32
      %dma_start3A_343 = tpu.memref_slice %arg9[%add3A_335, %dma_start3A_342] : memref<92x112xi32, #tpu.memory_space<vmem>> -> memref<1x112xi32, #tpu.memory_space<vmem>>
      %dma_start3A_344 = tpu.memref_squeeze %dma_start3A_343 : memref<1x112xi32, #tpu.memory_space<vmem>> -> memref<112xi32, #tpu.memory_space<vmem>>
      %dma_start3A_345 = arith.constant 0 : i32
      %dma_start3A_346 = arith.constant 0 : i32
      %dma_start3A_347 = tpu.memref_slice %arg14[%dma_start3A_345, %dma_start3A_346] : memref<10112x64xf32, #tpu.memory_space<vmem_shared>> -> memref<10112x64xf32, #tpu.memory_space<vmem_shared>>
      tpu.enqueue_indirect_dma source(%arg11 : memref<112x64xf32, #tpu.memory_space<vmem>>) target(%dma_start3A_347 : memref<10112x64xf32, #tpu.memory_space<vmem_shared>>) offsets(%dma_start3A_344 : memref<112xi32, #tpu.memory_space<vmem>>) semaphore(%arg21 : memref<!tpu.dma_semaphore, #tpu.memory_space<semaphore_mem>>) {add = true}
      %sub3A_348 = arith.constant 2 : i32
      %sub3A_349 = arith.subi %add3A_335, %sub3A_348 : i32
      %dma_wait3A_350 = arith.constant 0 : i32
      %dma_wait3A_351 = tpu.memref_slice %arg9[%sub3A_349, %dma_wait3A_350] : memref<92x112xi32, #tpu.memory_space<vmem>> -> memref<1x112xi32, #tpu.memory_space<vmem>>
      %dma_wait3A_352 = tpu.memref_squeeze %dma_wait3A_351 : memref<1x112xi32, #tpu.memory_space<vmem>> -> memref<112xi32, #tpu.memory_space<vmem>>
      %dma_wait3A_353 = arith.constant 0 : i32
      %dma_wait3A_354 = arith.constant 0 : i32
      %dma_wait3A_355 = tpu.memref_slice %arg14[%dma_wait3A_353, %dma_wait3A_354] : memref<10112x64xf32, #tpu.memory_space<vmem_shared>> -> memref<10112x64xf32, #tpu.memory_space<vmem_shared>>
      tpu.wait_indirect_dma semaphore(%arg23 : memref<!tpu.dma_semaphore, #tpu.memory_space<semaphore_mem>>) src(%arg13 : memref<112x64xf32, #tpu.memory_space<vmem>>) dst(%dma_wait3A_355 : memref<10112x64xf32, #tpu.memory_space<vmem_shared>>)
      %add3A_356 = arith.constant 2 : i32
      %add3A_357 = arith.addi %add3A_335, %add3A_356 : i32
      %dma_start3A_358 = arith.constant 0 : i32
      %dma_start3A_359 = tpu.memref_slice %arg8[%add3A_357, %dma_start3A_358] : memref<92x112xi32, #tpu.memory_space<vmem>> -> memref<1x112xi32, #tpu.memory_space<vmem>>
      %dma_start3A_360 = tpu.memref_squeeze %dma_start3A_359 : memref<1x112xi32, #tpu.memory_space<vmem>> -> memref<112xi32, #tpu.memory_space<vmem>>
      %dma_start3A_361 = arith.constant 0 : i32
      %dma_start3A_362 = arith.constant 0 : i32
      %dma_start3A_363 = tpu.memref_slice %arg15[%dma_start3A_361, %dma_start3A_362] : memref<10112x64xf32, #tpu.memory_space<vmem_shared>> -> memref<10112x64xf32, #tpu.memory_space<vmem_shared>>
      tpu.enqueue_indirect_dma source(%dma_start3A_363 : memref<10112x64xf32, #tpu.memory_space<vmem_shared>>) target(%arg13 : memref<112x64xf32, #tpu.memory_space<vmem>>) offsets(%dma_start3A_360 : memref<112xi32, #tpu.memory_space<vmem>>) semaphore(%arg19 : memref<!tpu.dma_semaphore, #tpu.memory_space<semaphore_mem>>)
    }
    %scan3A_61 = arith.constant 22 : i32
    %dma_wait3A_62 = arith.constant 90 : i32
    %dma_wait3A_63 = arith.constant 0 : i32
    %dma_wait3A_64 = tpu.memref_slice %arg8[%dma_wait3A_62, %dma_wait3A_63] : memref<92x112xi32, #tpu.memory_space<vmem>> -> memref<1x112xi32, #tpu.memory_space<vmem>>
    %dma_wait3A_65 = tpu.memref_squeeze %dma_wait3A_64 : memref<1x112xi32, #tpu.memory_space<vmem>> -> memref<112xi32, #tpu.memory_space<vmem>>
    %dma_wait3A_66 = arith.constant 0 : i32
    %dma_wait3A_67 = arith.constant 0 : i32
    %dma_wait3A_68 = tpu.memref_slice %arg15[%dma_wait3A_66, %dma_wait3A_67] : memref<10112x64xf32, #tpu.memory_space<vmem_shared>> -> memref<10112x64xf32, #tpu.memory_space<vmem_shared>>
    tpu.wait_indirect_dma semaphore(%arg18 : memref<!tpu.dma_semaphore, #tpu.memory_space<semaphore_mem>>) src(%dma_wait3A_68 : memref<10112x64xf32, #tpu.memory_space<vmem_shared>>) dst(%arg12 : memref<112x64xf32, #tpu.memory_space<vmem>>)
    %dma_start3A_69 = arith.constant 90 : i32
    %dma_start3A_70 = arith.constant 0 : i32
    %dma_start3A_71 = tpu.memref_slice %arg9[%dma_start3A_69, %dma_start3A_70] : memref<92x112xi32, #tpu.memory_space<vmem>> -> memref<1x112xi32, #tpu.memory_space<vmem>>
    %dma_start3A_72 = tpu.memref_squeeze %dma_start3A_71 : memref<1x112xi32, #tpu.memory_space<vmem>> -> memref<112xi32, #tpu.memory_space<vmem>>
    %dma_start3A_73 = arith.constant 0 : i32
    %dma_start3A_74 = arith.constant 0 : i32
    %dma_start3A_75 = tpu.memref_slice %arg14[%dma_start3A_73, %dma_start3A_74] : memref<10112x64xf32, #tpu.memory_space<vmem_shared>> -> memref<10112x64xf32, #tpu.memory_space<vmem_shared>>
    tpu.enqueue_indirect_dma source(%arg12 : memref<112x64xf32, #tpu.memory_space<vmem>>) target(%dma_start3A_75 : memref<10112x64xf32, #tpu.memory_space<vmem_shared>>) offsets(%dma_start3A_72 : memref<112xi32, #tpu.memory_space<vmem>>) semaphore(%arg22 : memref<!tpu.dma_semaphore, #tpu.memory_space<semaphore_mem>>) {add = true}
    %dma_wait3A_76 = arith.constant 88 : i32
    %dma_wait3A_77 = arith.constant 0 : i32
    %dma_wait3A_78 = tpu.memref_slice %arg9[%dma_wait3A_76, %dma_wait3A_77] : memref<92x112xi32, #tpu.memory_space<vmem>> -> memref<1x112xi32, #tpu.memory_space<vmem>>
    %dma_wait3A_79 = tpu.memref_squeeze %dma_wait3A_78 : memref<1x112xi32, #tpu.memory_space<vmem>> -> memref<112xi32, #tpu.memory_space<vmem>>
    %dma_wait3A_80 = arith.constant 0 : i32
    %dma_wait3A_81 = arith.constant 0 : i32
    %dma_wait3A_82 = tpu.memref_slice %arg14[%dma_wait3A_80, %dma_wait3A_81] : memref<10112x64xf32, #tpu.memory_space<vmem_shared>> -> memref<10112x64xf32, #tpu.memory_space<vmem_shared>>
    tpu.wait_indirect_dma semaphore(%arg20 : memref<!tpu.dma_semaphore, #tpu.memory_space<semaphore_mem>>) src(%arg10 : memref<112x64xf32, #tpu.memory_space<vmem>>) dst(%dma_wait3A_82 : memref<10112x64xf32, #tpu.memory_space<vmem_shared>>)
    %dma_wait3A_83 = arith.constant 91 : i32
    %dma_wait3A_84 = arith.constant 0 : i32
    %dma_wait3A_85 = tpu.memref_slice %arg8[%dma_wait3A_83, %dma_wait3A_84] : memref<92x112xi32, #tpu.memory_space<vmem>> -> memref<1x112xi32, #tpu.memory_space<vmem>>
    %dma_wait3A_86 = tpu.memref_squeeze %dma_wait3A_85 : memref<1x112xi32, #tpu.memory_space<vmem>> -> memref<112xi32, #tpu.memory_space<vmem>>
    %dma_wait3A_87 = arith.constant 0 : i32
    %dma_wait3A_88 = arith.constant 0 : i32
    %dma_wait3A_89 = tpu.memref_slice %arg15[%dma_wait3A_87, %dma_wait3A_88] : memref<10112x64xf32, #tpu.memory_space<vmem_shared>> -> memref<10112x64xf32, #tpu.memory_space<vmem_shared>>
    tpu.wait_indirect_dma semaphore(%arg19 : memref<!tpu.dma_semaphore, #tpu.memory_space<semaphore_mem>>) src(%dma_wait3A_89 : memref<10112x64xf32, #tpu.memory_space<vmem_shared>>) dst(%arg13 : memref<112x64xf32, #tpu.memory_space<vmem>>)
    %dma_start3A_90 = arith.constant 91 : i32
    %dma_start3A_91 = arith.constant 0 : i32
    %dma_start3A_92 = tpu.memref_slice %arg9[%dma_start3A_90, %dma_start3A_91] : memref<92x112xi32, #tpu.memory_space<vmem>> -> memref<1x112xi32, #tpu.memory_space<vmem>>
    %dma_start3A_93 = tpu.memref_squeeze %dma_start3A_92 : memref<1x112xi32, #tpu.memory_space<vmem>> -> memref<112xi32, #tpu.memory_space<vmem>>
    %dma_start3A_94 = arith.constant 0 : i32
    %dma_start3A_95 = arith.constant 0 : i32
    %dma_start3A_96 = tpu.memref_slice %arg14[%dma_start3A_94, %dma_start3A_95] : memref<10112x64xf32, #tpu.memory_space<vmem_shared>> -> memref<10112x64xf32, #tpu.memory_space<vmem_shared>>
    tpu.enqueue_indirect_dma source(%arg13 : memref<112x64xf32, #tpu.memory_space<vmem>>) target(%dma_start3A_96 : memref<10112x64xf32, #tpu.memory_space<vmem_shared>>) offsets(%dma_start3A_93 : memref<112xi32, #tpu.memory_space<vmem>>) semaphore(%arg23 : memref<!tpu.dma_semaphore, #tpu.memory_space<semaphore_mem>>) {add = true}
    %dma_wait3A_97 = arith.constant 89 : i32
    %dma_wait3A_98 = arith.constant 0 : i32
    %dma_wait3A_99 = tpu.memref_slice %arg9[%dma_wait3A_97, %dma_wait3A_98] : memref<92x112xi32, #tpu.memory_space<vmem>> -> memref<1x112xi32, #tpu.memory_space<vmem>>
    %dma_wait3A_100 = tpu.memref_squeeze %dma_wait3A_99 : memref<1x112xi32, #tpu.memory_space<vmem>> -> memref<112xi32, #tpu.memory_space<vmem>>
    %dma_wait3A_101 = arith.constant 0 : i32
    %dma_wait3A_102 = arith.constant 0 : i32
    %dma_wait3A_103 = tpu.memref_slice %arg14[%dma_wait3A_101, %dma_wait3A_102] : memref<10112x64xf32, #tpu.memory_space<vmem_shared>> -> memref<10112x64xf32, #tpu.memory_space<vmem_shared>>
    tpu.wait_indirect_dma semaphore(%arg21 : memref<!tpu.dma_semaphore, #tpu.memory_space<semaphore_mem>>) src(%arg11 : memref<112x64xf32, #tpu.memory_space<vmem>>) dst(%dma_wait3A_103 : memref<10112x64xf32, #tpu.memory_space<vmem_shared>>)
    %dma_wait3A_104 = arith.constant 90 : i32
    %dma_wait3A_105 = arith.constant 0 : i32
    %dma_wait3A_106 = tpu.memref_slice %arg9[%dma_wait3A_104, %dma_wait3A_105] : memref<92x112xi32, #tpu.memory_space<vmem>> -> memref<1x112xi32, #tpu.memory_space<vmem>>
    %dma_wait3A_107 = tpu.memref_squeeze %dma_wait3A_106 : memref<1x112xi32, #tpu.memory_space<vmem>> -> memref<112xi32, #tpu.memory_space<vmem>>
    %dma_wait3A_108 = arith.constant 0 : i32
    %dma_wait3A_109 = arith.constant 0 : i32
    %dma_wait3A_110 = tpu.memref_slice %arg14[%dma_wait3A_108, %dma_wait3A_109] : memref<10112x64xf32, #tpu.memory_space<vmem_shared>> -> memref<10112x64xf32, #tpu.memory_space<vmem_shared>>
    tpu.wait_indirect_dma semaphore(%arg22 : memref<!tpu.dma_semaphore, #tpu.memory_space<semaphore_mem>>) src(%arg12 : memref<112x64xf32, #tpu.memory_space<vmem>>) dst(%dma_wait3A_110 : memref<10112x64xf32, #tpu.memory_space<vmem_shared>>)
    %dma_wait3A_111 = arith.constant 91 : i32
    %dma_wait3A_112 = arith.constant 0 : i32
    %dma_wait3A_113 = tpu.memref_slice %arg9[%dma_wait3A_111, %dma_wait3A_112] : memref<92x112xi32, #tpu.memory_space<vmem>> -> memref<1x112xi32, #tpu.memory_space<vmem>>
    %dma_wait3A_114 = tpu.memref_squeeze %dma_wait3A_113 : memref<1x112xi32, #tpu.memory_space<vmem>> -> memref<112xi32, #tpu.memory_space<vmem>>
    %dma_wait3A_115 = arith.constant 0 : i32
    %dma_wait3A_116 = arith.constant 0 : i32
    %dma_wait3A_117 = tpu.memref_slice %arg14[%dma_wait3A_115, %dma_wait3A_116] : memref<10112x64xf32, #tpu.memory_space<vmem_shared>> -> memref<10112x64xf32, #tpu.memory_space<vmem_shared>>
    tpu.wait_indirect_dma semaphore(%arg23 : memref<!tpu.dma_semaphore, #tpu.memory_space<semaphore_mem>>) src(%arg13 : memref<112x64xf32, #tpu.memory_space<vmem>>) dst(%dma_wait3A_117 : memref<10112x64xf32, #tpu.memory_space<vmem_shared>>)
    %barrier3A_118 = arith.constant 0 : index
    tpu.barrier barrier_id(%barrier3A_118)
    %run_scoped3A = arith.constant 0 : i32
    "tpu.region"() ({
      %run_scoped3A_240 = tpu.sem_alloc : memref<!tpu.dma_semaphore, #tpu.memory_space<semaphore_mem>>
      %dma_start3A_241 = arith.constant 0 : i32
      %dma_start3A_242 = tpu.memref_slice %arg7[%run_scoped3A, %arg0, %mul3A_2, %dma_start3A_241] : memref<2x2x10112x64xf32, #tpu.memory_space<hbm>> -> memref<1x1x632x64xf32, #tpu.memory_space<hbm>>
      %dma_start3A_243 = tpu.memref_squeeze %dma_start3A_242 : memref<1x1x632x64xf32, #tpu.memory_space<hbm>> -> memref<632x64xf32, #tpu.memory_space<hbm>>
      %dma_start3A_244 = arith.constant 0 : i32
      %dma_start3A_245 = tpu.memref_slice %arg14[%mul3A_2, %dma_start3A_244] : memref<10112x64xf32, #tpu.memory_space<vmem_shared>> -> memref<632x64xf32, #tpu.memory_space<vmem_shared>>
      tpu.enqueue_dma source(%dma_start3A_245 : memref<632x64xf32, #tpu.memory_space<vmem_shared>>) target(%dma_start3A_243 : memref<632x64xf32, #tpu.memory_space<hbm>>) target_semaphore(%run_scoped3A_240 : memref<!tpu.dma_semaphore, #tpu.memory_space<semaphore_mem>>)
      %dma_wait3A_246 = arith.constant 0 : i32
      %dma_wait3A_247 = tpu.memref_slice %arg7[%run_scoped3A, %arg0, %mul3A_2, %dma_wait3A_246] : memref<2x2x10112x64xf32, #tpu.memory_space<hbm>> -> memref<1x1x632x64xf32, #tpu.memory_space<hbm>>
      %dma_wait3A_248 = tpu.memref_squeeze %dma_wait3A_247 : memref<1x1x632x64xf32, #tpu.memory_space<hbm>> -> memref<632x64xf32, #tpu.memory_space<hbm>>
      %dma_wait3A_249 = arith.constant 0 : i32
      %dma_wait3A_250 = tpu.memref_slice %arg14[%mul3A_2, %dma_wait3A_249] : memref<10112x64xf32, #tpu.memory_space<vmem_shared>> -> memref<632x64xf32, #tpu.memory_space<vmem_shared>>
      tpu.wait_dma2 semaphore(%run_scoped3A_240 : memref<!tpu.dma_semaphore, #tpu.memory_space<semaphore_mem>>) src(%dma_wait3A_250 : memref<632x64xf32, #tpu.memory_space<vmem_shared>>) dst(%dma_wait3A_248 : memref<632x64xf32, #tpu.memory_space<hbm>>)
      tpu.yield
    }) : () -> ()
    "tpu.region"() ({
      %run_scoped3A_240 = tpu.sem_alloc : memref<!tpu.dma_semaphore, #tpu.memory_space<semaphore_mem>>
      %dma_start3A_241 = arith.constant 0 : i32
      %dma_start3A_242 = tpu.memref_slice %arg15[%mul3A_2, %dma_start3A_241] : memref<10112x64xf32, #tpu.memory_space<vmem_shared>> -> memref<632x64xf32, #tpu.memory_space<vmem_shared>>
      %dma_start3A_243 = arith.constant 0 : i32
      %dma_start3A_244 = tpu.memref_slice %arg3[%mul3A_2, %dma_start3A_243] : memref<10112x64xf32, #tpu.memory_space<hbm>> -> memref<632x64xf32, #tpu.memory_space<hbm>>
      tpu.enqueue_dma source(%dma_start3A_244 : memref<632x64xf32, #tpu.memory_space<hbm>>) target(%dma_start3A_242 : memref<632x64xf32, #tpu.memory_space<vmem_shared>>) target_semaphore(%run_scoped3A_240 : memref<!tpu.dma_semaphore, #tpu.memory_space<semaphore_mem>>)
      %dma_wait3A_245 = arith.constant 0 : i32
      %dma_wait3A_246 = tpu.memref_slice %arg15[%mul3A_2, %dma_wait3A_245] : memref<10112x64xf32, #tpu.memory_space<vmem_shared>> -> memref<632x64xf32, #tpu.memory_space<vmem_shared>>
      %dma_wait3A_247 = arith.constant 0 : i32
      %dma_wait3A_248 = tpu.memref_slice %arg3[%mul3A_2, %dma_wait3A_247] : memref<10112x64xf32, #tpu.memory_space<hbm>> -> memref<632x64xf32, #tpu.memory_space<hbm>>
      tpu.wait_dma2 semaphore(%run_scoped3A_240 : memref<!tpu.dma_semaphore, #tpu.memory_space<semaphore_mem>>) src(%dma_wait3A_248 : memref<632x64xf32, #tpu.memory_space<hbm>>) dst(%dma_wait3A_246 : memref<632x64xf32, #tpu.memory_space<vmem_shared>>)
      tpu.yield
    }) : () -> ()
    "tpu.region"() ({
      %run_scoped3A_240 = tpu.sem_alloc : memref<!tpu.dma_semaphore, #tpu.memory_space<semaphore_mem>>
      %dma_start3A_241 = arith.constant 0 : i32
      %dma_start3A_242 = tpu.memref_slice %arg14[%mul3A_2, %dma_start3A_241] : memref<10112x64xf32, #tpu.memory_space<vmem_shared>> -> memref<632x64xf32, #tpu.memory_space<vmem_shared>>
      %dma_start3A_243 = arith.constant 0 : i32
      %dma_start3A_244 = tpu.memref_slice %arg6[%mul3A_2, %dma_start3A_243] : memref<10112x64xf32, #tpu.memory_space<hbm>> -> memref<632x64xf32, #tpu.memory_space<hbm>>
      tpu.enqueue_dma source(%dma_start3A_244 : memref<632x64xf32, #tpu.memory_space<hbm>>) target(%dma_start3A_242 : memref<632x64xf32, #tpu.memory_space<vmem_shared>>) target_semaphore(%run_scoped3A_240 : memref<!tpu.dma_semaphore, #tpu.memory_space<semaphore_mem>>)
      %dma_wait3A_245 = arith.constant 0 : i32
      %dma_wait3A_246 = tpu.memref_slice %arg14[%mul3A_2, %dma_wait3A_245] : memref<10112x64xf32, #tpu.memory_space<vmem_shared>> -> memref<632x64xf32, #tpu.memory_space<vmem_shared>>
      %dma_wait3A_247 = arith.constant 0 : i32
      %dma_wait3A_248 = tpu.memref_slice %arg6[%mul3A_2, %dma_wait3A_247] : memref<10112x64xf32, #tpu.memory_space<hbm>> -> memref<632x64xf32, #tpu.memory_space<hbm>>
      tpu.wait_dma2 semaphore(%run_scoped3A_240 : memref<!tpu.dma_semaphore, #tpu.memory_space<semaphore_mem>>) src(%dma_wait3A_248 : memref<632x64xf32, #tpu.memory_space<hbm>>) dst(%dma_wait3A_246 : memref<632x64xf32, #tpu.memory_space<vmem_shared>>)
      tpu.yield
    }) : () -> ()
    %barrier3A_119 = arith.constant 0 : index
    tpu.barrier barrier_id(%barrier3A_119)
    %dma_start3A_120 = arith.constant 0 : i32
    %dma_start3A_121 = arith.constant 0 : i32
    %dma_start3A_122 = tpu.memref_slice %arg8[%dma_start3A_120, %dma_start3A_121] : memref<92x112xi32, #tpu.memory_space<vmem>> -> memref<1x112xi32, #tpu.memory_space<vmem>>
    %dma_start3A_123 = tpu.memref_squeeze %dma_start3A_122 : memref<1x112xi32, #tpu.memory_space<vmem>> -> memref<112xi32, #tpu.memory_space<vmem>>
    %dma_start3A_124 = arith.constant 0 : i32
    %dma_start3A_125 = arith.constant 0 : i32
    %dma_start3A_126 = tpu.memref_slice %arg15[%dma_start3A_124, %dma_start3A_125] : memref<10112x64xf32, #tpu.memory_space<vmem_shared>> -> memref<10112x64xf32, #tpu.memory_space<vmem_shared>>
    tpu.enqueue_indirect_dma source(%dma_start3A_126 : memref<10112x64xf32, #tpu.memory_space<vmem_shared>>) target(%arg10 : memref<112x64xf32, #tpu.memory_space<vmem>>) offsets(%dma_start3A_123 : memref<112xi32, #tpu.memory_space<vmem>>) semaphore(%arg16 : memref<!tpu.dma_semaphore, #tpu.memory_space<semaphore_mem>>)
    %dma_start3A_127 = arith.constant 1 : i32
    %dma_start3A_128 = arith.constant 0 : i32
    %dma_start3A_129 = tpu.memref_slice %arg8[%dma_start3A_127, %dma_start3A_128] : memref<92x112xi32, #tpu.memory_space<vmem>> -> memref<1x112xi32, #tpu.memory_space<vmem>>
    %dma_start3A_130 = tpu.memref_squeeze %dma_start3A_129 : memref<1x112xi32, #tpu.memory_space<vmem>> -> memref<112xi32, #tpu.memory_space<vmem>>
    %dma_start3A_131 = arith.constant 0 : i32
    %dma_start3A_132 = arith.constant 0 : i32
    %dma_start3A_133 = tpu.memref_slice %arg15[%dma_start3A_131, %dma_start3A_132] : memref<10112x64xf32, #tpu.memory_space<vmem_shared>> -> memref<10112x64xf32, #tpu.memory_space<vmem_shared>>
    tpu.enqueue_indirect_dma source(%dma_start3A_133 : memref<10112x64xf32, #tpu.memory_space<vmem_shared>>) target(%arg11 : memref<112x64xf32, #tpu.memory_space<vmem>>) offsets(%dma_start3A_130 : memref<112xi32, #tpu.memory_space<vmem>>) semaphore(%arg17 : memref<!tpu.dma_semaphore, #tpu.memory_space<semaphore_mem>>)
    %dma_wait3A_134 = arith.constant 0 : i32
    %dma_wait3A_135 = arith.constant 0 : i32
    %dma_wait3A_136 = tpu.memref_slice %arg8[%dma_wait3A_134, %dma_wait3A_135] : memref<92x112xi32, #tpu.memory_space<vmem>> -> memref<1x112xi32, #tpu.memory_space<vmem>>
    %dma_wait3A_137 = tpu.memref_squeeze %dma_wait3A_136 : memref<1x112xi32, #tpu.memory_space<vmem>> -> memref<112xi32, #tpu.memory_space<vmem>>
    %dma_wait3A_138 = arith.constant 0 : i32
    %dma_wait3A_139 = arith.constant 0 : i32
    %dma_wait3A_140 = tpu.memref_slice %arg15[%dma_wait3A_138, %dma_wait3A_139] : memref<10112x64xf32, #tpu.memory_space<vmem_shared>> -> memref<10112x64xf32, #tpu.memory_space<vmem_shared>>
    tpu.wait_indirect_dma semaphore(%arg16 : memref<!tpu.dma_semaphore, #tpu.memory_space<semaphore_mem>>) src(%dma_wait3A_140 : memref<10112x64xf32, #tpu.memory_space<vmem_shared>>) dst(%arg10 : memref<112x64xf32, #tpu.memory_space<vmem>>)
    %dma_start3A_141 = arith.constant 0 : i32
    %dma_start3A_142 = arith.constant 0 : i32
    %dma_start3A_143 = tpu.memref_slice %arg9[%dma_start3A_141, %dma_start3A_142] : memref<92x112xi32, #tpu.memory_space<vmem>> -> memref<1x112xi32, #tpu.memory_space<vmem>>
    %dma_start3A_144 = tpu.memref_squeeze %dma_start3A_143 : memref<1x112xi32, #tpu.memory_space<vmem>> -> memref<112xi32, #tpu.memory_space<vmem>>
    %dma_start3A_145 = arith.constant 0 : i32
    %dma_start3A_146 = arith.constant 0 : i32
    %dma_start3A_147 = tpu.memref_slice %arg14[%dma_start3A_145, %dma_start3A_146] : memref<10112x64xf32, #tpu.memory_space<vmem_shared>> -> memref<10112x64xf32, #tpu.memory_space<vmem_shared>>
    tpu.enqueue_indirect_dma source(%arg10 : memref<112x64xf32, #tpu.memory_space<vmem>>) target(%dma_start3A_147 : memref<10112x64xf32, #tpu.memory_space<vmem_shared>>) offsets(%dma_start3A_144 : memref<112xi32, #tpu.memory_space<vmem>>) semaphore(%arg20 : memref<!tpu.dma_semaphore, #tpu.memory_space<semaphore_mem>>) {add = true}
    %dma_start3A_148 = arith.constant 2 : i32
    %dma_start3A_149 = arith.constant 0 : i32
    %dma_start3A_150 = tpu.memref_slice %arg8[%dma_start3A_148, %dma_start3A_149] : memref<92x112xi32, #tpu.memory_space<vmem>> -> memref<1x112xi32, #tpu.memory_space<vmem>>
    %dma_start3A_151 = tpu.memref_squeeze %dma_start3A_150 : memref<1x112xi32, #tpu.memory_space<vmem>> -> memref<112xi32, #tpu.memory_space<vmem>>
    %dma_start3A_152 = arith.constant 0 : i32
    %dma_start3A_153 = arith.constant 0 : i32
    %dma_start3A_154 = tpu.memref_slice %arg15[%dma_start3A_152, %dma_start3A_153] : memref<10112x64xf32, #tpu.memory_space<vmem_shared>> -> memref<10112x64xf32, #tpu.memory_space<vmem_shared>>
    tpu.enqueue_indirect_dma source(%dma_start3A_154 : memref<10112x64xf32, #tpu.memory_space<vmem_shared>>) target(%arg12 : memref<112x64xf32, #tpu.memory_space<vmem>>) offsets(%dma_start3A_151 : memref<112xi32, #tpu.memory_space<vmem>>) semaphore(%arg18 : memref<!tpu.dma_semaphore, #tpu.memory_space<semaphore_mem>>)
    %dma_wait3A_155 = arith.constant 1 : i32
    %dma_wait3A_156 = arith.constant 0 : i32
    %dma_wait3A_157 = tpu.memref_slice %arg8[%dma_wait3A_155, %dma_wait3A_156] : memref<92x112xi32, #tpu.memory_space<vmem>> -> memref<1x112xi32, #tpu.memory_space<vmem>>
    %dma_wait3A_158 = tpu.memref_squeeze %dma_wait3A_157 : memref<1x112xi32, #tpu.memory_space<vmem>> -> memref<112xi32, #tpu.memory_space<vmem>>
    %dma_wait3A_159 = arith.constant 0 : i32
    %dma_wait3A_160 = arith.constant 0 : i32
    %dma_wait3A_161 = tpu.memref_slice %arg15[%dma_wait3A_159, %dma_wait3A_160] : memref<10112x64xf32, #tpu.memory_space<vmem_shared>> -> memref<10112x64xf32, #tpu.memory_space<vmem_shared>>
    tpu.wait_indirect_dma semaphore(%arg17 : memref<!tpu.dma_semaphore, #tpu.memory_space<semaphore_mem>>) src(%dma_wait3A_161 : memref<10112x64xf32, #tpu.memory_space<vmem_shared>>) dst(%arg11 : memref<112x64xf32, #tpu.memory_space<vmem>>)
    %dma_start3A_162 = arith.constant 1 : i32
    %dma_start3A_163 = arith.constant 0 : i32
    %dma_start3A_164 = tpu.memref_slice %arg9[%dma_start3A_162, %dma_start3A_163] : memref<92x112xi32, #tpu.memory_space<vmem>> -> memref<1x112xi32, #tpu.memory_space<vmem>>
    %dma_start3A_165 = tpu.memref_squeeze %dma_start3A_164 : memref<1x112xi32, #tpu.memory_space<vmem>> -> memref<112xi32, #tpu.memory_space<vmem>>
    %dma_start3A_166 = arith.constant 0 : i32
    %dma_start3A_167 = arith.constant 0 : i32
    %dma_start3A_168 = tpu.memref_slice %arg14[%dma_start3A_166, %dma_start3A_167] : memref<10112x64xf32, #tpu.memory_space<vmem_shared>> -> memref<10112x64xf32, #tpu.memory_space<vmem_shared>>
    tpu.enqueue_indirect_dma source(%arg11 : memref<112x64xf32, #tpu.memory_space<vmem>>) target(%dma_start3A_168 : memref<10112x64xf32, #tpu.memory_space<vmem_shared>>) offsets(%dma_start3A_165 : memref<112xi32, #tpu.memory_space<vmem>>) semaphore(%arg21 : memref<!tpu.dma_semaphore, #tpu.memory_space<semaphore_mem>>) {add = true}
    %dma_start3A_169 = arith.constant 3 : i32
    %dma_start3A_170 = arith.constant 0 : i32
    %dma_start3A_171 = tpu.memref_slice %arg8[%dma_start3A_169, %dma_start3A_170] : memref<92x112xi32, #tpu.memory_space<vmem>> -> memref<1x112xi32, #tpu.memory_space<vmem>>
    %dma_start3A_172 = tpu.memref_squeeze %dma_start3A_171 : memref<1x112xi32, #tpu.memory_space<vmem>> -> memref<112xi32, #tpu.memory_space<vmem>>
    %dma_start3A_173 = arith.constant 0 : i32
    %dma_start3A_174 = arith.constant 0 : i32
    %dma_start3A_175 = tpu.memref_slice %arg15[%dma_start3A_173, %dma_start3A_174] : memref<10112x64xf32, #tpu.memory_space<vmem_shared>> -> memref<10112x64xf32, #tpu.memory_space<vmem_shared>>
    tpu.enqueue_indirect_dma source(%dma_start3A_175 : memref<10112x64xf32, #tpu.memory_space<vmem_shared>>) target(%arg13 : memref<112x64xf32, #tpu.memory_space<vmem>>) offsets(%dma_start3A_172 : memref<112xi32, #tpu.memory_space<vmem>>) semaphore(%arg19 : memref<!tpu.dma_semaphore, #tpu.memory_space<semaphore_mem>>)
    %scan3A_176 = arith.constant 0 : i32
    %scan3A_177 = arith.constant 0 : i32
    %scan3A_178 = arith.constant 22 : i32
    %scan3A_179 = arith.addi %scan3A_177, %scan3A_178 : i32
    %scan3A_180 = arith.constant 1 : i32
    scf.for %scan3A_240 = %scan3A_177 to %scan3A_179 step %scan3A_180  : i32 {
      %mul3A_241 = arith.constant 4 : i32
      %mul3A_242 = arith.muli %scan3A_240, %mul3A_241 : i32
      %add3A_243 = arith.constant 2 : i32
      %add3A_244 = arith.addi %add3A_243, %mul3A_242 : i32
      %add3A_245 = arith.constant 0 : i32
      %add3A_246 = arith.addi %add3A_244, %add3A_245 : i32
      %dma_wait3A_247 = arith.constant 0 : i32
      %dma_wait3A_248 = tpu.memref_slice %arg8[%add3A_246, %dma_wait3A_247] : memref<92x112xi32, #tpu.memory_space<vmem>> -> memref<1x112xi32, #tpu.memory_space<vmem>>
      %dma_wait3A_249 = tpu.memref_squeeze %dma_wait3A_248 : memref<1x112xi32, #tpu.memory_space<vmem>> -> memref<112xi32, #tpu.memory_space<vmem>>
      %dma_wait3A_250 = arith.constant 0 : i32
      %dma_wait3A_251 = arith.constant 0 : i32
      %dma_wait3A_252 = tpu.memref_slice %arg15[%dma_wait3A_250, %dma_wait3A_251] : memref<10112x64xf32, #tpu.memory_space<vmem_shared>> -> memref<10112x64xf32, #tpu.memory_space<vmem_shared>>
      tpu.wait_indirect_dma semaphore(%arg18 : memref<!tpu.dma_semaphore, #tpu.memory_space<semaphore_mem>>) src(%dma_wait3A_252 : memref<10112x64xf32, #tpu.memory_space<vmem_shared>>) dst(%arg12 : memref<112x64xf32, #tpu.memory_space<vmem>>)
      %dma_start3A_253 = arith.constant 0 : i32
      %dma_start3A_254 = tpu.memref_slice %arg9[%add3A_246, %dma_start3A_253] : memref<92x112xi32, #tpu.memory_space<vmem>> -> memref<1x112xi32, #tpu.memory_space<vmem>>
      %dma_start3A_255 = tpu.memref_squeeze %dma_start3A_254 : memref<1x112xi32, #tpu.memory_space<vmem>> -> memref<112xi32, #tpu.memory_space<vmem>>
      %dma_start3A_256 = arith.constant 0 : i32
      %dma_start3A_257 = arith.constant 0 : i32
      %dma_start3A_258 = tpu.memref_slice %arg14[%dma_start3A_256, %dma_start3A_257] : memref<10112x64xf32, #tpu.memory_space<vmem_shared>> -> memref<10112x64xf32, #tpu.memory_space<vmem_shared>>
      tpu.enqueue_indirect_dma source(%arg12 : memref<112x64xf32, #tpu.memory_space<vmem>>) target(%dma_start3A_258 : memref<10112x64xf32, #tpu.memory_space<vmem_shared>>) offsets(%dma_start3A_255 : memref<112xi32, #tpu.memory_space<vmem>>) semaphore(%arg22 : memref<!tpu.dma_semaphore, #tpu.memory_space<semaphore_mem>>) {add = true}
      %sub3A = arith.constant 2 : i32
      %sub3A_259 = arith.subi %add3A_246, %sub3A : i32
      %dma_wait3A_260 = arith.constant 0 : i32
      %dma_wait3A_261 = tpu.memref_slice %arg9[%sub3A_259, %dma_wait3A_260] : memref<92x112xi32, #tpu.memory_space<vmem>> -> memref<1x112xi32, #tpu.memory_space<vmem>>
      %dma_wait3A_262 = tpu.memref_squeeze %dma_wait3A_261 : memref<1x112xi32, #tpu.memory_space<vmem>> -> memref<112xi32, #tpu.memory_space<vmem>>
      %dma_wait3A_263 = arith.constant 0 : i32
      %dma_wait3A_264 = arith.constant 0 : i32
      %dma_wait3A_265 = tpu.memref_slice %arg14[%dma_wait3A_263, %dma_wait3A_264] : memref<10112x64xf32, #tpu.memory_space<vmem_shared>> -> memref<10112x64xf32, #tpu.memory_space<vmem_shared>>
      tpu.wait_indirect_dma semaphore(%arg20 : memref<!tpu.dma_semaphore, #tpu.memory_space<semaphore_mem>>) src(%arg10 : memref<112x64xf32, #tpu.memory_space<vmem>>) dst(%dma_wait3A_265 : memref<10112x64xf32, #tpu.memory_space<vmem_shared>>)
      %add3A_266 = arith.constant 2 : i32
      %add3A_267 = arith.addi %add3A_246, %add3A_266 : i32
      %dma_start3A_268 = arith.constant 0 : i32
      %dma_start3A_269 = tpu.memref_slice %arg8[%add3A_267, %dma_start3A_268] : memref<92x112xi32, #tpu.memory_space<vmem>> -> memref<1x112xi32, #tpu.memory_space<vmem>>
      %dma_start3A_270 = tpu.memref_squeeze %dma_start3A_269 : memref<1x112xi32, #tpu.memory_space<vmem>> -> memref<112xi32, #tpu.memory_space<vmem>>
      %dma_start3A_271 = arith.constant 0 : i32
      %dma_start3A_272 = arith.constant 0 : i32
      %dma_start3A_273 = tpu.memref_slice %arg15[%dma_start3A_271, %dma_start3A_272] : memref<10112x64xf32, #tpu.memory_space<vmem_shared>> -> memref<10112x64xf32, #tpu.memory_space<vmem_shared>>
      tpu.enqueue_indirect_dma source(%dma_start3A_273 : memref<10112x64xf32, #tpu.memory_space<vmem_shared>>) target(%arg10 : memref<112x64xf32, #tpu.memory_space<vmem>>) offsets(%dma_start3A_270 : memref<112xi32, #tpu.memory_space<vmem>>) semaphore(%arg16 : memref<!tpu.dma_semaphore, #tpu.memory_space<semaphore_mem>>)
      %add3A_274 = arith.constant 1 : i32
      %add3A_275 = arith.addi %add3A_244, %add3A_274 : i32
      %dma_wait3A_276 = arith.constant 0 : i32
      %dma_wait3A_277 = tpu.memref_slice %arg8[%add3A_275, %dma_wait3A_276] : memref<92x112xi32, #tpu.memory_space<vmem>> -> memref<1x112xi32, #tpu.memory_space<vmem>>
      %dma_wait3A_278 = tpu.memref_squeeze %dma_wait3A_277 : memref<1x112xi32, #tpu.memory_space<vmem>> -> memref<112xi32, #tpu.memory_space<vmem>>
      %dma_wait3A_279 = arith.constant 0 : i32
      %dma_wait3A_280 = arith.constant 0 : i32
      %dma_wait3A_281 = tpu.memref_slice %arg15[%dma_wait3A_279, %dma_wait3A_280] : memref<10112x64xf32, #tpu.memory_space<vmem_shared>> -> memref<10112x64xf32, #tpu.memory_space<vmem_shared>>
      tpu.wait_indirect_dma semaphore(%arg19 : memref<!tpu.dma_semaphore, #tpu.memory_space<semaphore_mem>>) src(%dma_wait3A_281 : memref<10112x64xf32, #tpu.memory_space<vmem_shared>>) dst(%arg13 : memref<112x64xf32, #tpu.memory_space<vmem>>)
      %dma_start3A_282 = arith.constant 0 : i32
      %dma_start3A_283 = tpu.memref_slice %arg9[%add3A_275, %dma_start3A_282] : memref<92x112xi32, #tpu.memory_space<vmem>> -> memref<1x112xi32, #tpu.memory_space<vmem>>
      %dma_start3A_284 = tpu.memref_squeeze %dma_start3A_283 : memref<1x112xi32, #tpu.memory_space<vmem>> -> memref<112xi32, #tpu.memory_space<vmem>>
      %dma_start3A_285 = arith.constant 0 : i32
      %dma_start3A_286 = arith.constant 0 : i32
      %dma_start3A_287 = tpu.memref_slice %arg14[%dma_start3A_285, %dma_start3A_286] : memref<10112x64xf32, #tpu.memory_space<vmem_shared>> -> memref<10112x64xf32, #tpu.memory_space<vmem_shared>>
      tpu.enqueue_indirect_dma source(%arg13 : memref<112x64xf32, #tpu.memory_space<vmem>>) target(%dma_start3A_287 : memref<10112x64xf32, #tpu.memory_space<vmem_shared>>) offsets(%dma_start3A_284 : memref<112xi32, #tpu.memory_space<vmem>>) semaphore(%arg23 : memref<!tpu.dma_semaphore, #tpu.memory_space<semaphore_mem>>) {add = true}
      %sub3A_288 = arith.constant 2 : i32
      %sub3A_289 = arith.subi %add3A_275, %sub3A_288 : i32
      %dma_wait3A_290 = arith.constant 0 : i32
      %dma_wait3A_291 = tpu.memref_slice %arg9[%sub3A_289, %dma_wait3A_290] : memref<92x112xi32, #tpu.memory_space<vmem>> -> memref<1x112xi32, #tpu.memory_space<vmem>>
      %dma_wait3A_292 = tpu.memref_squeeze %dma_wait3A_291 : memref<1x112xi32, #tpu.memory_space<vmem>> -> memref<112xi32, #tpu.memory_space<vmem>>
      %dma_wait3A_293 = arith.constant 0 : i32
      %dma_wait3A_294 = arith.constant 0 : i32
      %dma_wait3A_295 = tpu.memref_slice %arg14[%dma_wait3A_293, %dma_wait3A_294] : memref<10112x64xf32, #tpu.memory_space<vmem_shared>> -> memref<10112x64xf32, #tpu.memory_space<vmem_shared>>
      tpu.wait_indirect_dma semaphore(%arg21 : memref<!tpu.dma_semaphore, #tpu.memory_space<semaphore_mem>>) src(%arg11 : memref<112x64xf32, #tpu.memory_space<vmem>>) dst(%dma_wait3A_295 : memref<10112x64xf32, #tpu.memory_space<vmem_shared>>)
      %add3A_296 = arith.constant 2 : i32
      %add3A_297 = arith.addi %add3A_275, %add3A_296 : i32
      %dma_start3A_298 = arith.constant 0 : i32
      %dma_start3A_299 = tpu.memref_slice %arg8[%add3A_297, %dma_start3A_298] : memref<92x112xi32, #tpu.memory_space<vmem>> -> memref<1x112xi32, #tpu.memory_space<vmem>>
      %dma_start3A_300 = tpu.memref_squeeze %dma_start3A_299 : memref<1x112xi32, #tpu.memory_space<vmem>> -> memref<112xi32, #tpu.memory_space<vmem>>
      %dma_start3A_301 = arith.constant 0 : i32
      %dma_start3A_302 = arith.constant 0 : i32
      %dma_start3A_303 = tpu.memref_slice %arg15[%dma_start3A_301, %dma_start3A_302] : memref<10112x64xf32, #tpu.memory_space<vmem_shared>> -> memref<10112x64xf32, #tpu.memory_space<vmem_shared>>
      tpu.enqueue_indirect_dma source(%dma_start3A_303 : memref<10112x64xf32, #tpu.memory_space<vmem_shared>>) target(%arg11 : memref<112x64xf32, #tpu.memory_space<vmem>>) offsets(%dma_start3A_300 : memref<112xi32, #tpu.memory_space<vmem>>) semaphore(%arg17 : memref<!tpu.dma_semaphore, #tpu.memory_space<semaphore_mem>>)
      %add3A_304 = arith.constant 2 : i32
      %add3A_305 = arith.addi %add3A_244, %add3A_304 : i32
      %dma_wait3A_306 = arith.constant 0 : i32
      %dma_wait3A_307 = tpu.memref_slice %arg8[%add3A_305, %dma_wait3A_306] : memref<92x112xi32, #tpu.memory_space<vmem>> -> memref<1x112xi32, #tpu.memory_space<vmem>>
      %dma_wait3A_308 = tpu.memref_squeeze %dma_wait3A_307 : memref<1x112xi32, #tpu.memory_space<vmem>> -> memref<112xi32, #tpu.memory_space<vmem>>
      %dma_wait3A_309 = arith.constant 0 : i32
      %dma_wait3A_310 = arith.constant 0 : i32
      %dma_wait3A_311 = tpu.memref_slice %arg15[%dma_wait3A_309, %dma_wait3A_310] : memref<10112x64xf32, #tpu.memory_space<vmem_shared>> -> memref<10112x64xf32, #tpu.memory_space<vmem_shared>>
      tpu.wait_indirect_dma semaphore(%arg16 : memref<!tpu.dma_semaphore, #tpu.memory_space<semaphore_mem>>) src(%dma_wait3A_311 : memref<10112x64xf32, #tpu.memory_space<vmem_shared>>) dst(%arg10 : memref<112x64xf32, #tpu.memory_space<vmem>>)
      %dma_start3A_312 = arith.constant 0 : i32
      %dma_start3A_313 = tpu.memref_slice %arg9[%add3A_305, %dma_start3A_312] : memref<92x112xi32, #tpu.memory_space<vmem>> -> memref<1x112xi32, #tpu.memory_space<vmem>>
      %dma_start3A_314 = tpu.memref_squeeze %dma_start3A_313 : memref<1x112xi32, #tpu.memory_space<vmem>> -> memref<112xi32, #tpu.memory_space<vmem>>
      %dma_start3A_315 = arith.constant 0 : i32
      %dma_start3A_316 = arith.constant 0 : i32
      %dma_start3A_317 = tpu.memref_slice %arg14[%dma_start3A_315, %dma_start3A_316] : memref<10112x64xf32, #tpu.memory_space<vmem_shared>> -> memref<10112x64xf32, #tpu.memory_space<vmem_shared>>
      tpu.enqueue_indirect_dma source(%arg10 : memref<112x64xf32, #tpu.memory_space<vmem>>) target(%dma_start3A_317 : memref<10112x64xf32, #tpu.memory_space<vmem_shared>>) offsets(%dma_start3A_314 : memref<112xi32, #tpu.memory_space<vmem>>) semaphore(%arg20 : memref<!tpu.dma_semaphore, #tpu.memory_space<semaphore_mem>>) {add = true}
      %sub3A_318 = arith.constant 2 : i32
      %sub3A_319 = arith.subi %add3A_305, %sub3A_318 : i32
      %dma_wait3A_320 = arith.constant 0 : i32
      %dma_wait3A_321 = tpu.memref_slice %arg9[%sub3A_319, %dma_wait3A_320] : memref<92x112xi32, #tpu.memory_space<vmem>> -> memref<1x112xi32, #tpu.memory_space<vmem>>
      %dma_wait3A_322 = tpu.memref_squeeze %dma_wait3A_321 : memref<1x112xi32, #tpu.memory_space<vmem>> -> memref<112xi32, #tpu.memory_space<vmem>>
      %dma_wait3A_323 = arith.constant 0 : i32
      %dma_wait3A_324 = arith.constant 0 : i32
      %dma_wait3A_325 = tpu.memref_slice %arg14[%dma_wait3A_323, %dma_wait3A_324] : memref<10112x64xf32, #tpu.memory_space<vmem_shared>> -> memref<10112x64xf32, #tpu.memory_space<vmem_shared>>
      tpu.wait_indirect_dma semaphore(%arg22 : memref<!tpu.dma_semaphore, #tpu.memory_space<semaphore_mem>>) src(%arg12 : memref<112x64xf32, #tpu.memory_space<vmem>>) dst(%dma_wait3A_325 : memref<10112x64xf32, #tpu.memory_space<vmem_shared>>)
      %add3A_326 = arith.constant 2 : i32
      %add3A_327 = arith.addi %add3A_305, %add3A_326 : i32
      %dma_start3A_328 = arith.constant 0 : i32
      %dma_start3A_329 = tpu.memref_slice %arg8[%add3A_327, %dma_start3A_328] : memref<92x112xi32, #tpu.memory_space<vmem>> -> memref<1x112xi32, #tpu.memory_space<vmem>>
      %dma_start3A_330 = tpu.memref_squeeze %dma_start3A_329 : memref<1x112xi32, #tpu.memory_space<vmem>> -> memref<112xi32, #tpu.memory_space<vmem>>
      %dma_start3A_331 = arith.constant 0 : i32
      %dma_start3A_332 = arith.constant 0 : i32
      %dma_start3A_333 = tpu.memref_slice %arg15[%dma_start3A_331, %dma_start3A_332] : memref<10112x64xf32, #tpu.memory_space<vmem_shared>> -> memref<10112x64xf32, #tpu.memory_space<vmem_shared>>
      tpu.enqueue_indirect_dma source(%dma_start3A_333 : memref<10112x64xf32, #tpu.memory_space<vmem_shared>>) target(%arg12 : memref<112x64xf32, #tpu.memory_space<vmem>>) offsets(%dma_start3A_330 : memref<112xi32, #tpu.memory_space<vmem>>) semaphore(%arg18 : memref<!tpu.dma_semaphore, #tpu.memory_space<semaphore_mem>>)
      %add3A_334 = arith.constant 3 : i32
      %add3A_335 = arith.addi %add3A_244, %add3A_334 : i32
      %dma_wait3A_336 = arith.constant 0 : i32
      %dma_wait3A_337 = tpu.memref_slice %arg8[%add3A_335, %dma_wait3A_336] : memref<92x112xi32, #tpu.memory_space<vmem>> -> memref<1x112xi32, #tpu.memory_space<vmem>>
      %dma_wait3A_338 = tpu.memref_squeeze %dma_wait3A_337 : memref<1x112xi32, #tpu.memory_space<vmem>> -> memref<112xi32, #tpu.memory_space<vmem>>
      %dma_wait3A_339 = arith.constant 0 : i32
      %dma_wait3A_340 = arith.constant 0 : i32
      %dma_wait3A_341 = tpu.memref_slice %arg15[%dma_wait3A_339, %dma_wait3A_340] : memref<10112x64xf32, #tpu.memory_space<vmem_shared>> -> memref<10112x64xf32, #tpu.memory_space<vmem_shared>>
      tpu.wait_indirect_dma semaphore(%arg17 : memref<!tpu.dma_semaphore, #tpu.memory_space<semaphore_mem>>) src(%dma_wait3A_341 : memref<10112x64xf32, #tpu.memory_space<vmem_shared>>) dst(%arg11 : memref<112x64xf32, #tpu.memory_space<vmem>>)
      %dma_start3A_342 = arith.constant 0 : i32
      %dma_start3A_343 = tpu.memref_slice %arg9[%add3A_335, %dma_start3A_342] : memref<92x112xi32, #tpu.memory_space<vmem>> -> memref<1x112xi32, #tpu.memory_space<vmem>>
      %dma_start3A_344 = tpu.memref_squeeze %dma_start3A_343 : memref<1x112xi32, #tpu.memory_space<vmem>> -> memref<112xi32, #tpu.memory_space<vmem>>
      %dma_start3A_345 = arith.constant 0 : i32
      %dma_start3A_346 = arith.constant 0 : i32
      %dma_start3A_347 = tpu.memref_slice %arg14[%dma_start3A_345, %dma_start3A_346] : memref<10112x64xf32, #tpu.memory_space<vmem_shared>> -> memref<10112x64xf32, #tpu.memory_space<vmem_shared>>
      tpu.enqueue_indirect_dma source(%arg11 : memref<112x64xf32, #tpu.memory_space<vmem>>) target(%dma_start3A_347 : memref<10112x64xf32, #tpu.memory_space<vmem_shared>>) offsets(%dma_start3A_344 : memref<112xi32, #tpu.memory_space<vmem>>) semaphore(%arg21 : memref<!tpu.dma_semaphore, #tpu.memory_space<semaphore_mem>>) {add = true}
      %sub3A_348 = arith.constant 2 : i32
      %sub3A_349 = arith.subi %add3A_335, %sub3A_348 : i32
      %dma_wait3A_350 = arith.constant 0 : i32
      %dma_wait3A_351 = tpu.memref_slice %arg9[%sub3A_349, %dma_wait3A_350] : memref<92x112xi32, #tpu.memory_space<vmem>> -> memref<1x112xi32, #tpu.memory_space<vmem>>
      %dma_wait3A_352 = tpu.memref_squeeze %dma_wait3A_351 : memref<1x112xi32, #tpu.memory_space<vmem>> -> memref<112xi32, #tpu.memory_space<vmem>>
      %dma_wait3A_353 = arith.constant 0 : i32
      %dma_wait3A_354 = arith.constant 0 : i32
      %dma_wait3A_355 = tpu.memref_slice %arg14[%dma_wait3A_353, %dma_wait3A_354] : memref<10112x64xf32, #tpu.memory_space<vmem_shared>> -> memref<10112x64xf32, #tpu.memory_space<vmem_shared>>
      tpu.wait_indirect_dma semaphore(%arg23 : memref<!tpu.dma_semaphore, #tpu.memory_space<semaphore_mem>>) src(%arg13 : memref<112x64xf32, #tpu.memory_space<vmem>>) dst(%dma_wait3A_355 : memref<10112x64xf32, #tpu.memory_space<vmem_shared>>)
      %add3A_356 = arith.constant 2 : i32
      %add3A_357 = arith.addi %add3A_335, %add3A_356 : i32
      %dma_start3A_358 = arith.constant 0 : i32
      %dma_start3A_359 = tpu.memref_slice %arg8[%add3A_357, %dma_start3A_358] : memref<92x112xi32, #tpu.memory_space<vmem>> -> memref<1x112xi32, #tpu.memory_space<vmem>>
      %dma_start3A_360 = tpu.memref_squeeze %dma_start3A_359 : memref<1x112xi32, #tpu.memory_space<vmem>> -> memref<112xi32, #tpu.memory_space<vmem>>
      %dma_start3A_361 = arith.constant 0 : i32
      %dma_start3A_362 = arith.constant 0 : i32
      %dma_start3A_363 = tpu.memref_slice %arg15[%dma_start3A_361, %dma_start3A_362] : memref<10112x64xf32, #tpu.memory_space<vmem_shared>> -> memref<10112x64xf32, #tpu.memory_space<vmem_shared>>
      tpu.enqueue_indirect_dma source(%dma_start3A_363 : memref<10112x64xf32, #tpu.memory_space<vmem_shared>>) target(%arg13 : memref<112x64xf32, #tpu.memory_space<vmem>>) offsets(%dma_start3A_360 : memref<112xi32, #tpu.memory_space<vmem>>) semaphore(%arg19 : memref<!tpu.dma_semaphore, #tpu.memory_space<semaphore_mem>>)
    }
    %scan3A_181 = arith.constant 22 : i32
    %dma_wait3A_182 = arith.constant 90 : i32
    %dma_wait3A_183 = arith.constant 0 : i32
    %dma_wait3A_184 = tpu.memref_slice %arg8[%dma_wait3A_182, %dma_wait3A_183] : memref<92x112xi32, #tpu.memory_space<vmem>> -> memref<1x112xi32, #tpu.memory_space<vmem>>
    %dma_wait3A_185 = tpu.memref_squeeze %dma_wait3A_184 : memref<1x112xi32, #tpu.memory_space<vmem>> -> memref<112xi32, #tpu.memory_space<vmem>>
    %dma_wait3A_186 = arith.constant 0 : i32
    %dma_wait3A_187 = arith.constant 0 : i32
    %dma_wait3A_188 = tpu.memref_slice %arg15[%dma_wait3A_186, %dma_wait3A_187] : memref<10112x64xf32, #tpu.memory_space<vmem_shared>> -> memref<10112x64xf32, #tpu.memory_space<vmem_shared>>
    tpu.wait_indirect_dma semaphore(%arg18 : memref<!tpu.dma_semaphore, #tpu.memory_space<semaphore_mem>>) src(%dma_wait3A_188 : memref<10112x64xf32, #tpu.memory_space<vmem_shared>>) dst(%arg12 : memref<112x64xf32, #tpu.memory_space<vmem>>)
    %dma_start3A_189 = arith.constant 90 : i32
    %dma_start3A_190 = arith.constant 0 : i32
    %dma_start3A_191 = tpu.memref_slice %arg9[%dma_start3A_189, %dma_start3A_190] : memref<92x112xi32, #tpu.memory_space<vmem>> -> memref<1x112xi32, #tpu.memory_space<vmem>>
    %dma_start3A_192 = tpu.memref_squeeze %dma_start3A_191 : memref<1x112xi32, #tpu.memory_space<vmem>> -> memref<112xi32, #tpu.memory_space<vmem>>
    %dma_start3A_193 = arith.constant 0 : i32
    %dma_start3A_194 = arith.constant 0 : i32
    %dma_start3A_195 = tpu.memref_slice %arg14[%dma_start3A_193, %dma_start3A_194] : memref<10112x64xf32, #tpu.memory_space<vmem_shared>> -> memref<10112x64xf32, #tpu.memory_space<vmem_shared>>
    tpu.enqueue_indirect_dma source(%arg12 : memref<112x64xf32, #tpu.memory_space<vmem>>) target(%dma_start3A_195 : memref<10112x64xf32, #tpu.memory_space<vmem_shared>>) offsets(%dma_start3A_192 : memref<112xi32, #tpu.memory_space<vmem>>) semaphore(%arg22 : memref<!tpu.dma_semaphore, #tpu.memory_space<semaphore_mem>>) {add = true}
    %dma_wait3A_196 = arith.constant 88 : i32
    %dma_wait3A_197 = arith.constant 0 : i32
    %dma_wait3A_198 = tpu.memref_slice %arg9[%dma_wait3A_196, %dma_wait3A_197] : memref<92x112xi32, #tpu.memory_space<vmem>> -> memref<1x112xi32, #tpu.memory_space<vmem>>
    %dma_wait3A_199 = tpu.memref_squeeze %dma_wait3A_198 : memref<1x112xi32, #tpu.memory_space<vmem>> -> memref<112xi32, #tpu.memory_space<vmem>>
    %dma_wait3A_200 = arith.constant 0 : i32
    %dma_wait3A_201 = arith.constant 0 : i32
    %dma_wait3A_202 = tpu.memref_slice %arg14[%dma_wait3A_200, %dma_wait3A_201] : memref<10112x64xf32, #tpu.memory_space<vmem_shared>> -> memref<10112x64xf32, #tpu.memory_space<vmem_shared>>
    tpu.wait_indirect_dma semaphore(%arg20 : memref<!tpu.dma_semaphore, #tpu.memory_space<semaphore_mem>>) src(%arg10 : memref<112x64xf32, #tpu.memory_space<vmem>>) dst(%dma_wait3A_202 : memref<10112x64xf32, #tpu.memory_space<vmem_shared>>)
    %dma_wait3A_203 = arith.constant 91 : i32
    %dma_wait3A_204 = arith.constant 0 : i32
    %dma_wait3A_205 = tpu.memref_slice %arg8[%dma_wait3A_203, %dma_wait3A_204] : memref<92x112xi32, #tpu.memory_space<vmem>> -> memref<1x112xi32, #tpu.memory_space<vmem>>
    %dma_wait3A_206 = tpu.memref_squeeze %dma_wait3A_205 : memref<1x112xi32, #tpu.memory_space<vmem>> -> memref<112xi32, #tpu.memory_space<vmem>>
    %dma_wait3A_207 = arith.constant 0 : i32
    %dma_wait3A_208 = arith.constant 0 : i32
    %dma_wait3A_209 = tpu.memref_slice %arg15[%dma_wait3A_207, %dma_wait3A_208] : memref<10112x64xf32, #tpu.memory_space<vmem_shared>> -> memref<10112x64xf32, #tpu.memory_space<vmem_shared>>
    tpu.wait_indirect_dma semaphore(%arg19 : memref<!tpu.dma_semaphore, #tpu.memory_space<semaphore_mem>>) src(%dma_wait3A_209 : memref<10112x64xf32, #tpu.memory_space<vmem_shared>>) dst(%arg13 : memref<112x64xf32, #tpu.memory_space<vmem>>)
    %dma_start3A_210 = arith.constant 91 : i32
    %dma_start3A_211 = arith.constant 0 : i32
    %dma_start3A_212 = tpu.memref_slice %arg9[%dma_start3A_210, %dma_start3A_211] : memref<92x112xi32, #tpu.memory_space<vmem>> -> memref<1x112xi32, #tpu.memory_space<vmem>>
    %dma_start3A_213 = tpu.memref_squeeze %dma_start3A_212 : memref<1x112xi32, #tpu.memory_space<vmem>> -> memref<112xi32, #tpu.memory_space<vmem>>
    %dma_start3A_214 = arith.constant 0 : i32
    %dma_start3A_215 = arith.constant 0 : i32
    %dma_start3A_216 = tpu.memref_slice %arg14[%dma_start3A_214, %dma_start3A_215] : memref<10112x64xf32, #tpu.memory_space<vmem_shared>> -> memref<10112x64xf32, #tpu.memory_space<vmem_shared>>
    tpu.enqueue_indirect_dma source(%arg13 : memref<112x64xf32, #tpu.memory_space<vmem>>) target(%dma_start3A_216 : memref<10112x64xf32, #tpu.memory_space<vmem_shared>>) offsets(%dma_start3A_213 : memref<112xi32, #tpu.memory_space<vmem>>) semaphore(%arg23 : memref<!tpu.dma_semaphore, #tpu.memory_space<semaphore_mem>>) {add = true}
    %dma_wait3A_217 = arith.constant 89 : i32
    %dma_wait3A_218 = arith.constant 0 : i32
    %dma_wait3A_219 = tpu.memref_slice %arg9[%dma_wait3A_217, %dma_wait3A_218] : memref<92x112xi32, #tpu.memory_space<vmem>> -> memref<1x112xi32, #tpu.memory_space<vmem>>
    %dma_wait3A_220 = tpu.memref_squeeze %dma_wait3A_219 : memref<1x112xi32, #tpu.memory_space<vmem>> -> memref<112xi32, #tpu.memory_space<vmem>>
    %dma_wait3A_221 = arith.constant 0 : i32
    %dma_wait3A_222 = arith.constant 0 : i32
    %dma_wait3A_223 = tpu.memref_slice %arg14[%dma_wait3A_221, %dma_wait3A_222] : memref<10112x64xf32, #tpu.memory_space<vmem_shared>> -> memref<10112x64xf32, #tpu.memory_space<vmem_shared>>
    tpu.wait_indirect_dma semaphore(%arg21 : memref<!tpu.dma_semaphore, #tpu.memory_space<semaphore_mem>>) src(%arg11 : memref<112x64xf32, #tpu.memory_space<vmem>>) dst(%dma_wait3A_223 : memref<10112x64xf32, #tpu.memory_space<vmem_shared>>)
    %dma_wait3A_224 = arith.constant 90 : i32
    %dma_wait3A_225 = arith.constant 0 : i32
    %dma_wait3A_226 = tpu.memref_slice %arg9[%dma_wait3A_224, %dma_wait3A_225] : memref<92x112xi32, #tpu.memory_space<vmem>> -> memref<1x112xi32, #tpu.memory_space<vmem>>
    %dma_wait3A_227 = tpu.memref_squeeze %dma_wait3A_226 : memref<1x112xi32, #tpu.memory_space<vmem>> -> memref<112xi32, #tpu.memory_space<vmem>>
    %dma_wait3A_228 = arith.constant 0 : i32
    %dma_wait3A_229 = arith.constant 0 : i32
    %dma_wait3A_230 = tpu.memref_slice %arg14[%dma_wait3A_228, %dma_wait3A_229] : memref<10112x64xf32, #tpu.memory_space<vmem_shared>> -> memref<10112x64xf32, #tpu.memory_space<vmem_shared>>
    tpu.wait_indirect_dma semaphore(%arg22 : memref<!tpu.dma_semaphore, #tpu.memory_space<semaphore_mem>>) src(%arg12 : memref<112x64xf32, #tpu.memory_space<vmem>>) dst(%dma_wait3A_230 : memref<10112x64xf32, #tpu.memory_space<vmem_shared>>)
    %dma_wait3A_231 = arith.constant 91 : i32
    %dma_wait3A_232 = arith.constant 0 : i32
    %dma_wait3A_233 = tpu.memref_slice %arg9[%dma_wait3A_231, %dma_wait3A_232] : memref<92x112xi32, #tpu.memory_space<vmem>> -> memref<1x112xi32, #tpu.memory_space<vmem>>
    %dma_wait3A_234 = tpu.memref_squeeze %dma_wait3A_233 : memref<1x112xi32, #tpu.memory_space<vmem>> -> memref<112xi32, #tpu.memory_space<vmem>>
    %dma_wait3A_235 = arith.constant 0 : i32
    %dma_wait3A_236 = arith.constant 0 : i32
    %dma_wait3A_237 = tpu.memref_slice %arg14[%dma_wait3A_235, %dma_wait3A_236] : memref<10112x64xf32, #tpu.memory_space<vmem_shared>> -> memref<10112x64xf32, #tpu.memory_space<vmem_shared>>
    tpu.wait_indirect_dma semaphore(%arg23 : memref<!tpu.dma_semaphore, #tpu.memory_space<semaphore_mem>>) src(%arg13 : memref<112x64xf32, #tpu.memory_space<vmem>>) dst(%dma_wait3A_237 : memref<10112x64xf32, #tpu.memory_space<vmem_shared>>)
    %barrier3A_238 = arith.constant 0 : index
    tpu.barrier barrier_id(%barrier3A_238)
    %run_scoped3A_239 = arith.constant 1 : i32
    "tpu.region"() ({
      %run_scoped3A_240 = tpu.sem_alloc : memref<!tpu.dma_semaphore, #tpu.memory_space<semaphore_mem>>
      %dma_start3A_241 = arith.constant 0 : i32
      %dma_start3A_242 = tpu.memref_slice %arg7[%run_scoped3A_239, %arg0, %mul3A_2, %dma_start3A_241] : memref<2x2x10112x64xf32, #tpu.memory_space<hbm>> -> memref<1x1x632x64xf32, #tpu.memory_space<hbm>>
      %dma_start3A_243 = tpu.memref_squeeze %dma_start3A_242 : memref<1x1x632x64xf32, #tpu.memory_space<hbm>> -> memref<632x64xf32, #tpu.memory_space<hbm>>
      %dma_start3A_244 = arith.constant 0 : i32
      %dma_start3A_245 = tpu.memref_slice %arg14[%mul3A_2, %dma_start3A_244] : memref<10112x64xf32, #tpu.memory_space<vmem_shared>> -> memref<632x64xf32, #tpu.memory_space<vmem_shared>>
      tpu.enqueue_dma source(%dma_start3A_245 : memref<632x64xf32, #tpu.memory_space<vmem_shared>>) target(%dma_start3A_243 : memref<632x64xf32, #tpu.memory_space<hbm>>) target_semaphore(%run_scoped3A_240 : memref<!tpu.dma_semaphore, #tpu.memory_space<semaphore_mem>>)
      %dma_wait3A_246 = arith.constant 0 : i32
      %dma_wait3A_247 = tpu.memref_slice %arg7[%run_scoped3A_239, %arg0, %mul3A_2, %dma_wait3A_246] : memref<2x2x10112x64xf32, #tpu.memory_space<hbm>> -> memref<1x1x632x64xf32, #tpu.memory_space<hbm>>
      %dma_wait3A_248 = tpu.memref_squeeze %dma_wait3A_247 : memref<1x1x632x64xf32, #tpu.memory_space<hbm>> -> memref<632x64xf32, #tpu.memory_space<hbm>>
      %dma_wait3A_249 = arith.constant 0 : i32
      %dma_wait3A_250 = tpu.memref_slice %arg14[%mul3A_2, %dma_wait3A_249] : memref<10112x64xf32, #tpu.memory_space<vmem_shared>> -> memref<632x64xf32, #tpu.memory_space<vmem_shared>>
      tpu.wait_dma2 semaphore(%run_scoped3A_240 : memref<!tpu.dma_semaphore, #tpu.memory_space<semaphore_mem>>) src(%dma_wait3A_250 : memref<632x64xf32, #tpu.memory_space<vmem_shared>>) dst(%dma_wait3A_248 : memref<632x64xf32, #tpu.memory_space<hbm>>)
      tpu.yield
    }) : () -> ()
    return
  }
}

module attributes {stable_mosaic.version = 14 : i64} {
  func.func @body(%arg0: i32, %arg1: memref<2048x128xf32, #tpu.memory_space<vmem>>, %arg2: memref<128x128xf32, #tpu.memory_space<vmem>>, %arg3: memref<2048x64xf32, #tpu.memory_space<vmem>>, %arg4: memref<2048x64xf32, #tpu.memory_space<vmem>>) attributes {dimension_semantics = [#tpu.dimension_semantics<arbitrary>], iteration_bounds = array<i64: 5>, scalar_prefetch = 0 : i64, scratch_operands = 0 : i64, tpu.core_type = #tpu.core_type<tc>, window_params = [{transform_indices = @transform_0, window_bounds = array<i64: 2048, 128>}, {pipeline_mode = #tpu.pipeline_mode<synchronous>, transform_indices = @transform_1, window_bounds = array<i64: 128, 128>}, {transform_indices = @transform_2, window_bounds = array<i64: 2048, 64>}, {transform_indices = @transform_3, window_bounds = array<i64: 2048, 64>}]} {
    %get3A = arith.constant 0 : index
    %get3A_0 = arith.constant 0 : index
    %get3A_1 = vector.load %arg1[%get3A, %get3A_0] : memref<2048x128xf32, #tpu.memory_space<vmem>>, vector<2048x128xf32>
    %get3A_2 = arith.constant 0 : index
    %get3A_3 = arith.constant 0 : index
    %get3A_4 = vector.load %arg2[%get3A_2, %get3A_3] : memref<128x128xf32, #tpu.memory_space<vmem>>, vector<128x128xf32>
    %dot_general3A = arith.constant dense<0.000000e+00> : vector<2048x128xf32>
    %dot_general3A_5 = tpu.matmul %get3A_1, %get3A_4, %dot_general3A {dimension_numbers = #tpu.dot_dimension_numbers<[1], [0], [0], [1], [0, 0, 1, 1], [], []>, transpose_lhs_hint = false} : vector<2048x128xf32>, vector<128x128xf32>, vector<2048x128xf32> -> vector<2048x128xf32>
    %slice3A = vector.extract_strided_slice %dot_general3A_5 {offsets = [0, 0], sizes = [2048, 64], strides = [1, 1]} : vector<2048x128xf32> to vector<2048x64xf32>
    %swap3A = arith.constant 0 : index
    %swap3A_6 = arith.constant 0 : index
    %swap3A_7 = vector.load %arg3[%swap3A, %swap3A_6] : memref<2048x64xf32, #tpu.memory_space<vmem>>, vector<2048x64xf32>
    tpu.vector_store %arg3[%swap3A, %swap3A_6], %slice3A {strides = array<i32>} : memref<2048x64xf32, #tpu.memory_space<vmem>>, vector<2048x64xf32>,
    %slice3A_8 = vector.extract_strided_slice %dot_general3A_5 {offsets = [0, 64], sizes = [2048, 64], strides = [1, 1]} : vector<2048x128xf32> to vector<2048x64xf32>
    %swap3A_9 = arith.constant 0 : index
    %swap3A_10 = arith.constant 0 : index
    %swap3A_11 = vector.load %arg4[%swap3A_9, %swap3A_10] : memref<2048x64xf32, #tpu.memory_space<vmem>>, vector<2048x64xf32>
    tpu.vector_store %arg4[%swap3A_9, %swap3A_10], %slice3A_8 {strides = array<i32>} : memref<2048x64xf32, #tpu.memory_space<vmem>>, vector<2048x64xf32>,
    return
  }
  func.func @transform_0(%arg0: i32) -> (i32, i32) {
    %c0_i32 = arith.constant 0 : i32
    %c0_i32_0 = arith.constant 0 : i32
    return %arg0, %c0_i32 : i32, i32
  }
  func.func @transform_1(%arg0: i32) -> (i32, i32) {
    %c0_i32 = arith.constant 0 : i32
    %c0_i32_0 = arith.constant 0 : i32
    %c0_i32_1 = arith.constant 0 : i32
    return %c0_i32, %c0_i32_0 : i32, i32
  }
  func.func @transform_2(%arg0: i32) -> (i32, i32) {
    %c0_i32 = arith.constant 0 : i32
    %c0_i32_0 = arith.constant 0 : i32
    return %arg0, %c0_i32 : i32, i32
  }
  func.func @transform_3(%arg0: i32) -> (i32, i32) {
    %c0_i32 = arith.constant 0 : i32
    %c0_i32_0 = arith.constant 0 : i32
    return %arg0, %c0_i32 : i32, i32
  }
}

module attributes {stable_mosaic.version = 14 : i64} {
  func.func @body(%arg0: i32, %arg1: memref<2048x64xf32, #tpu.memory_space<vmem>>, %arg2: memref<2048x64xf32, #tpu.memory_space<vmem>>, %arg3: memref<2x2048x16xf32, #tpu.memory_space<vmem>>, %arg4: memref<2048x64xf32, #tpu.memory_space<vmem>>, %arg5: memref<2048x64xf32, #tpu.memory_space<vmem>>) attributes {dimension_semantics = [#tpu.dimension_semantics<arbitrary>], iteration_bounds = array<i64: 5>, scalar_prefetch = 0 : i64, scratch_operands = 0 : i64, tpu.core_type = #tpu.core_type<tc>, window_params = [{transform_indices = @transform_0, window_bounds = array<i64: 2048, 64>}, {transform_indices = @transform_1, window_bounds = array<i64: 2048, 64>}, {transform_indices = @transform_2, window_bounds = array<i64: 2, 2048, 16>}, {transform_indices = @transform_3, window_bounds = array<i64: 2048, 64>}, {transform_indices = @transform_4, window_bounds = array<i64: 2048, 64>}]} {
    %get3A = arith.constant 0 : index
    %get3A_0 = arith.constant 0 : index
    %get3A_1 = arith.constant 0 : index
    %get3A_2 = vector.load %arg3[%get3A, %get3A_0, %get3A_1] : memref<2x2048x16xf32, #tpu.memory_space<vmem>>, vector<1x2048x1xf32>
    %get3A_3 = vector.shape_cast %get3A_2 : vector<1x2048x1xf32> to vector<2048x1xf32>
    %get3A_4 = arith.constant 1 : index
    %get3A_5 = arith.constant 0 : index
    %get3A_6 = arith.constant 0 : index
    %get3A_7 = vector.load %arg3[%get3A_4, %get3A_5, %get3A_6] : memref<2x2048x16xf32, #tpu.memory_space<vmem>>, vector<1x2048x1xf32>
    %get3A_8 = vector.shape_cast %get3A_7 : vector<1x2048x1xf32> to vector<2048x1xf32>
    %add3A = arith.addf %get3A_3, %get3A_8 : vector<2048x1xf32>
    %add3A_9 = arith.constant 1.000000e+00 : f32
    %add3A_10 = vector.broadcast %add3A_9 : f32 to vector<2048x1xf32>
    %add3A_11 = arith.addf %add3A, %add3A_10 : vector<2048x1xf32>
    %rsqrt3A = math.rsqrt %add3A_11 : vector<2048x1xf32>
    %get3A_12 = arith.constant 0 : index
    %get3A_13 = arith.constant 0 : index
    %get3A_14 = vector.load %arg1[%get3A_12, %get3A_13] : memref<2048x64xf32, #tpu.memory_space<vmem>>, vector<2048x64xf32>
    %mul3A = vector.broadcast %rsqrt3A : vector<2048x1xf32> to vector<2048x64xf32>
    %mul3A_15 = arith.mulf %get3A_14, %mul3A : vector<2048x64xf32>
    %swap3A = arith.constant 0 : index
    %swap3A_16 = arith.constant 0 : index
    %swap3A_17 = vector.load %arg4[%swap3A, %swap3A_16] : memref<2048x64xf32, #tpu.memory_space<vmem>>, vector<2048x64xf32>
    tpu.vector_store %arg4[%swap3A, %swap3A_16], %mul3A_15 {strides = array<i32>} : memref<2048x64xf32, #tpu.memory_space<vmem>>, vector<2048x64xf32>,
    %get3A_18 = arith.constant 0 : index
    %get3A_19 = arith.constant 0 : index
    %get3A_20 = vector.load %arg2[%get3A_18, %get3A_19] : memref<2048x64xf32, #tpu.memory_space<vmem>>, vector<2048x64xf32>
    %mul3A_21 = vector.broadcast %rsqrt3A : vector<2048x1xf32> to vector<2048x64xf32>
    %mul3A_22 = arith.mulf %get3A_20, %mul3A_21 : vector<2048x64xf32>
    %swap3A_23 = arith.constant 0 : index
    %swap3A_24 = arith.constant 0 : index
    %swap3A_25 = vector.load %arg5[%swap3A_23, %swap3A_24] : memref<2048x64xf32, #tpu.memory_space<vmem>>, vector<2048x64xf32>
    tpu.vector_store %arg5[%swap3A_23, %swap3A_24], %mul3A_22 {strides = array<i32>} : memref<2048x64xf32, #tpu.memory_space<vmem>>, vector<2048x64xf32>,
    return
  }
  func.func @transform_0(%arg0: i32) -> (i32, i32) {
    %c0_i32 = arith.constant 0 : i32
    %c0_i32_0 = arith.constant 0 : i32
    return %arg0, %c0_i32 : i32, i32
  }
  func.func @transform_1(%arg0: i32) -> (i32, i32) {
    %c0_i32 = arith.constant 0 : i32
    %c0_i32_0 = arith.constant 0 : i32
    return %arg0, %c0_i32 : i32, i32
  }
  func.func @transform_2(%arg0: i32) -> (i32, i32, i32) {
    %c0_i32 = arith.constant 0 : i32
    %c0_i32_0 = arith.constant 0 : i32
    %c0_i32_1 = arith.constant 0 : i32
    return %c0_i32, %arg0, %c0_i32_0 : i32, i32, i32
  }
  func.func @transform_3(%arg0: i32) -> (i32, i32) {
    %c0_i32 = arith.constant 0 : i32
    %c0_i32_0 = arith.constant 0 : i32
    return %arg0, %c0_i32 : i32, i32
  }
  func.func @transform_4(%arg0: i32) -> (i32, i32) {
    %c0_i32 = arith.constant 0 : i32
    %c0_i32_0 = arith.constant 0 : i32
    return %arg0, %c0_i32 : i32, i32
  }
}

module attributes {stable_mosaic.version = 14 : i64} {
  func.func @body(%arg0: i32, %arg1: memref<2x2x2048x64xf32, #tpu.memory_space<vmem>>, %arg2: memref<2048x64xf32, #tpu.memory_space<vmem>>, %arg3: memref<2048x64xf32, #tpu.memory_space<vmem>>, %arg4: memref<2x2048x16xf32, #tpu.memory_space<vmem>>, %arg5: memref<128x64xf32, #tpu.memory_space<vmem>>, %arg6: memref<1x128xf32, #tpu.memory_space<vmem>>, %arg7: memref<2048x64xf32, #tpu.memory_space<vmem>>) attributes {dimension_semantics = [#tpu.dimension_semantics<arbitrary>], iteration_bounds = array<i64: 5>, scalar_prefetch = 0 : i64, scratch_operands = 0 : i64, tpu.core_type = #tpu.core_type<tc>, window_params = [{transform_indices = @transform_0, window_bounds = array<i64: 2, 2, 2048, 64>}, {transform_indices = @transform_1, window_bounds = array<i64: 2048, 64>}, {transform_indices = @transform_2, window_bounds = array<i64: 2048, 64>}, {transform_indices = @transform_3, window_bounds = array<i64: 2, 2048, 16>}, {pipeline_mode = #tpu.pipeline_mode<synchronous>, transform_indices = @transform_4, window_bounds = array<i64: 128, 64>}, {pipeline_mode = #tpu.pipeline_mode<synchronous>, transform_indices = @transform_5, window_bounds = array<i64: 1, 128>}, {transform_indices = @transform_6, window_bounds = array<i64: 2048, 64>}]} {
    %get3A = arith.constant 0 : index
    %get3A_0 = arith.constant 0 : index
    %get3A_1 = arith.constant 0 : index
    %get3A_2 = vector.load %arg4[%get3A, %get3A_0, %get3A_1] : memref<2x2048x16xf32, #tpu.memory_space<vmem>>, vector<1x2048x1xf32>
    %get3A_3 = vector.shape_cast %get3A_2 : vector<1x2048x1xf32> to vector<2048x1xf32>
    %get3A_4 = arith.constant 1 : index
    %get3A_5 = arith.constant 0 : index
    %get3A_6 = arith.constant 0 : index
    %get3A_7 = vector.load %arg4[%get3A_4, %get3A_5, %get3A_6] : memref<2x2048x16xf32, #tpu.memory_space<vmem>>, vector<1x2048x1xf32>
    %get3A_8 = vector.shape_cast %get3A_7 : vector<1x2048x1xf32> to vector<2048x1xf32>
    %add3A = arith.addf %get3A_3, %get3A_8 : vector<2048x1xf32>
    %add3A_9 = arith.constant 1.000000e+00 : f32
    %add3A_10 = vector.broadcast %add3A_9 : f32 to vector<2048x1xf32>
    %add3A_11 = arith.addf %add3A, %add3A_10 : vector<2048x1xf32>
    %rsqrt3A = math.rsqrt %add3A_11 : vector<2048x1xf32>
    %get3A_12 = arith.constant 0 : index
    %get3A_13 = arith.constant 0 : index
    %get3A_14 = arith.constant 0 : index
    %get3A_15 = arith.constant 0 : index
    %get3A_16 = vector.load %arg1[%get3A_12, %get3A_13, %get3A_14, %get3A_15] : memref<2x2x2048x64xf32, #tpu.memory_space<vmem>>, vector<1x1x2048x64xf32>
    %get3A_17 = vector.shape_cast %get3A_16 : vector<1x1x2048x64xf32> to vector<2048x64xf32>
    %get3A_18 = arith.constant 0 : index
    %get3A_19 = arith.constant 1 : index
    %get3A_20 = arith.constant 0 : index
    %get3A_21 = arith.constant 0 : index
    %get3A_22 = vector.load %arg1[%get3A_18, %get3A_19, %get3A_20, %get3A_21] : memref<2x2x2048x64xf32, #tpu.memory_space<vmem>>, vector<1x1x2048x64xf32>
    %get3A_23 = vector.shape_cast %get3A_22 : vector<1x1x2048x64xf32> to vector<2048x64xf32>
    %add3A_24 = arith.addf %get3A_17, %get3A_23 : vector<2048x64xf32>
    %get3A_25 = arith.constant 0 : index
    %get3A_26 = arith.constant 0 : index
    %get3A_27 = vector.load %arg2[%get3A_25, %get3A_26] : memref<2048x64xf32, #tpu.memory_space<vmem>>, vector<2048x64xf32>
    %add3A_28 = arith.addf %add3A_24, %get3A_27 : vector<2048x64xf32>
    %get3A_29 = arith.constant 1 : index
    %get3A_30 = arith.constant 0 : index
    %get3A_31 = arith.constant 0 : index
    %get3A_32 = arith.constant 0 : index
    %get3A_33 = vector.load %arg1[%get3A_29, %get3A_30, %get3A_31, %get3A_32] : memref<2x2x2048x64xf32, #tpu.memory_space<vmem>>, vector<1x1x2048x64xf32>
    %get3A_34 = vector.shape_cast %get3A_33 : vector<1x1x2048x64xf32> to vector<2048x64xf32>
    %get3A_35 = arith.constant 1 : index
    %get3A_36 = arith.constant 1 : index
    %get3A_37 = arith.constant 0 : index
    %get3A_38 = arith.constant 0 : index
    %get3A_39 = vector.load %arg1[%get3A_35, %get3A_36, %get3A_37, %get3A_38] : memref<2x2x2048x64xf32, #tpu.memory_space<vmem>>, vector<1x1x2048x64xf32>
    %get3A_40 = vector.shape_cast %get3A_39 : vector<1x1x2048x64xf32> to vector<2048x64xf32>
    %add3A_41 = arith.addf %get3A_34, %get3A_40 : vector<2048x64xf32>
    %get3A_42 = arith.constant 0 : index
    %get3A_43 = arith.constant 0 : index
    %get3A_44 = vector.load %arg3[%get3A_42, %get3A_43] : memref<2048x64xf32, #tpu.memory_space<vmem>>, vector<2048x64xf32>
    %add3A_45 = arith.addf %add3A_41, %get3A_44 : vector<2048x64xf32>
    %concatenate3A = tpu.concatenate %add3A_28, %add3A_45 in 1 : vector<2048x64xf32>, vector<2048x64xf32> -> vector<2048x128xf32>
    %mul3A = vector.broadcast %rsqrt3A : vector<2048x1xf32> to vector<2048x128xf32>
    %mul3A_46 = arith.mulf %concatenate3A, %mul3A : vector<2048x128xf32>
    %get3A_47 = arith.constant 0 : index
    %get3A_48 = arith.constant 0 : index
    %get3A_49 = vector.load %arg6[%get3A_47, %get3A_48] : memref<1x128xf32, #tpu.memory_space<vmem>>, vector<1x128xf32>
    %add3A_50 = vector.broadcast %get3A_49 : vector<1x128xf32> to vector<2048x128xf32>
    %add3A_51 = arith.addf %mul3A_46, %add3A_50 : vector<2048x128xf32>
    %max3A = arith.constant 0.000000e+00 : f32
    %max3A_52 = vector.broadcast %max3A : f32 to vector<2048x128xf32>
    %max3A_53 = arith.maximumf %add3A_51, %max3A_52 : vector<2048x128xf32>
    %get3A_54 = arith.constant 0 : index
    %get3A_55 = arith.constant 0 : index
    %get3A_56 = vector.load %arg5[%get3A_54, %get3A_55] : memref<128x64xf32, #tpu.memory_space<vmem>>, vector<128x64xf32>
    %dot_general3A = arith.constant dense<0.000000e+00> : vector<2048x64xf32>
    %dot_general3A_57 = tpu.matmul %max3A_53, %get3A_56, %dot_general3A {dimension_numbers = #tpu.dot_dimension_numbers<[1], [0], [0], [1], [0, 0, 1, 1], [], []>, transpose_lhs_hint = false} : vector<2048x128xf32>, vector<128x64xf32>, vector<2048x64xf32> -> vector<2048x64xf32>
    %mul3A_58 = vector.broadcast %rsqrt3A : vector<2048x1xf32> to vector<2048x64xf32>
    %mul3A_59 = arith.mulf %dot_general3A_57, %mul3A_58 : vector<2048x64xf32>
    %swap3A = arith.constant 0 : index
    %swap3A_60 = arith.constant 0 : index
    %swap3A_61 = vector.load %arg7[%swap3A, %swap3A_60] : memref<2048x64xf32, #tpu.memory_space<vmem>>, vector<2048x64xf32>
    tpu.vector_store %arg7[%swap3A, %swap3A_60], %mul3A_59 {strides = array<i32>} : memref<2048x64xf32, #tpu.memory_space<vmem>>, vector<2048x64xf32>,
    return
  }
  func.func @transform_0(%arg0: i32) -> (i32, i32, i32, i32) {
    %c0_i32 = arith.constant 0 : i32
    %c0_i32_0 = arith.constant 0 : i32
    %c0_i32_1 = arith.constant 0 : i32
    %c0_i32_2 = arith.constant 0 : i32
    return %c0_i32, %c0_i32_0, %arg0, %c0_i32_1 : i32, i32, i32, i32
  }
  func.func @transform_1(%arg0: i32) -> (i32, i32) {
    %c0_i32 = arith.constant 0 : i32
    %c0_i32_0 = arith.constant 0 : i32
    return %arg0, %c0_i32 : i32, i32
  }
  func.func @transform_2(%arg0: i32) -> (i32, i32) {
    %c0_i32 = arith.constant 0 : i32
    %c0_i32_0 = arith.constant 0 : i32
    return %arg0, %c0_i32 : i32, i32
  }
  func.func @transform_3(%arg0: i32) -> (i32, i32, i32) {
    %c0_i32 = arith.constant 0 : i32
    %c0_i32_0 = arith.constant 0 : i32
    %c0_i32_1 = arith.constant 0 : i32
    return %c0_i32, %arg0, %c0_i32_0 : i32, i32, i32
  }
  func.func @transform_4(%arg0: i32) -> (i32, i32) {
    %c0_i32 = arith.constant 0 : i32
    %c0_i32_0 = arith.constant 0 : i32
    %c0_i32_1 = arith.constant 0 : i32
    return %c0_i32, %c0_i32_0 : i32, i32
  }
  func.func @transform_5(%arg0: i32) -> (i32, i32) {
    %c0_i32 = arith.constant 0 : i32
    %c0_i32_0 = arith.constant 0 : i32
    %c0_i32_1 = arith.constant 0 : i32
    return %c0_i32, %c0_i32_0 : i32, i32
  }
  func.func @transform_6(%arg0: i32) -> (i32, i32) {
    %c0_i32 = arith.constant 0 : i32
    %c0_i32_0 = arith.constant 0 : i32
    return %arg0, %c0_i32 : i32, i32
  }
}

module attributes {stable_mosaic.version = 14 : i64} {
  func.func @body(%arg0: i32, %arg1: memref<1x2x2048x64xf32, #tpu.memory_space<vmem>>, %arg2: memref<2048x64xf32, #tpu.memory_space<vmem>>, %arg3: memref<2x2048x16xf32, #tpu.memory_space<vmem>>, %arg4: memref<1x64xf32, #tpu.memory_space<vmem>>, %arg5: memref<2048x64xf32, #tpu.memory_space<vmem>>) attributes {dimension_semantics = [#tpu.dimension_semantics<arbitrary>], iteration_bounds = array<i64: 5>, scalar_prefetch = 0 : i64, scratch_operands = 0 : i64, tpu.core_type = #tpu.core_type<tc>, window_params = [{transform_indices = @transform_0, window_bounds = array<i64: 1, 2, 2048, 64>}, {transform_indices = @transform_1, window_bounds = array<i64: 2048, 64>}, {transform_indices = @transform_2, window_bounds = array<i64: 2, 2048, 16>}, {pipeline_mode = #tpu.pipeline_mode<synchronous>, transform_indices = @transform_3, window_bounds = array<i64: 1, 64>}, {transform_indices = @transform_4, window_bounds = array<i64: 2048, 64>}]} {
    %get3A = arith.constant 0 : index
    %get3A_0 = arith.constant 0 : index
    %get3A_1 = arith.constant 0 : index
    %get3A_2 = vector.load %arg3[%get3A, %get3A_0, %get3A_1] : memref<2x2048x16xf32, #tpu.memory_space<vmem>>, vector<1x2048x1xf32>
    %get3A_3 = vector.shape_cast %get3A_2 : vector<1x2048x1xf32> to vector<2048x1xf32>
    %get3A_4 = arith.constant 1 : index
    %get3A_5 = arith.constant 0 : index
    %get3A_6 = arith.constant 0 : index
    %get3A_7 = vector.load %arg3[%get3A_4, %get3A_5, %get3A_6] : memref<2x2048x16xf32, #tpu.memory_space<vmem>>, vector<1x2048x1xf32>
    %get3A_8 = vector.shape_cast %get3A_7 : vector<1x2048x1xf32> to vector<2048x1xf32>
    %add3A = arith.addf %get3A_3, %get3A_8 : vector<2048x1xf32>
    %add3A_9 = arith.constant 1.000000e+00 : f32
    %add3A_10 = vector.broadcast %add3A_9 : f32 to vector<2048x1xf32>
    %add3A_11 = arith.addf %add3A, %add3A_10 : vector<2048x1xf32>
    %rsqrt3A = math.rsqrt %add3A_11 : vector<2048x1xf32>
    %get3A_12 = arith.constant 0 : index
    %get3A_13 = arith.constant 0 : index
    %get3A_14 = arith.constant 0 : index
    %get3A_15 = arith.constant 0 : index
    %get3A_16 = vector.load %arg1[%get3A_12, %get3A_13, %get3A_14, %get3A_15] : memref<1x2x2048x64xf32, #tpu.memory_space<vmem>>, vector<1x1x2048x64xf32>
    %get3A_17 = vector.shape_cast %get3A_16 : vector<1x1x2048x64xf32> to vector<2048x64xf32>
    %get3A_18 = arith.constant 0 : index
    %get3A_19 = arith.constant 1 : index
    %get3A_20 = arith.constant 0 : index
    %get3A_21 = arith.constant 0 : index
    %get3A_22 = vector.load %arg1[%get3A_18, %get3A_19, %get3A_20, %get3A_21] : memref<1x2x2048x64xf32, #tpu.memory_space<vmem>>, vector<1x1x2048x64xf32>
    %get3A_23 = vector.shape_cast %get3A_22 : vector<1x1x2048x64xf32> to vector<2048x64xf32>
    %add3A_24 = arith.addf %get3A_17, %get3A_23 : vector<2048x64xf32>
    %get3A_25 = arith.constant 0 : index
    %get3A_26 = arith.constant 0 : index
    %get3A_27 = vector.load %arg2[%get3A_25, %get3A_26] : memref<2048x64xf32, #tpu.memory_space<vmem>>, vector<2048x64xf32>
    %add3A_28 = arith.addf %add3A_24, %get3A_27 : vector<2048x64xf32>
    %mul3A = vector.broadcast %rsqrt3A : vector<2048x1xf32> to vector<2048x64xf32>
    %mul3A_29 = arith.mulf %add3A_28, %mul3A : vector<2048x64xf32>
    %get3A_30 = arith.constant 0 : index
    %get3A_31 = arith.constant 0 : index
    %get3A_32 = vector.load %arg4[%get3A_30, %get3A_31] : memref<1x64xf32, #tpu.memory_space<vmem>>, vector<1x64xf32>
    %add3A_33 = vector.broadcast %get3A_32 : vector<1x64xf32> to vector<2048x64xf32>
    %add3A_34 = arith.addf %mul3A_29, %add3A_33 : vector<2048x64xf32>
    %swap3A = arith.constant 0 : index
    %swap3A_35 = arith.constant 0 : index
    %swap3A_36 = vector.load %arg5[%swap3A, %swap3A_35] : memref<2048x64xf32, #tpu.memory_space<vmem>>, vector<2048x64xf32>
    tpu.vector_store %arg5[%swap3A, %swap3A_35], %add3A_34 {strides = array<i32>} : memref<2048x64xf32, #tpu.memory_space<vmem>>, vector<2048x64xf32>,
    return
  }
  func.func @transform_0(%arg0: i32) -> (i32, i32, i32, i32) {
    %c0_i32 = arith.constant 0 : i32
    %c0_i32_0 = arith.constant 0 : i32
    %c0_i32_1 = arith.constant 0 : i32
    %c0_i32_2 = arith.constant 0 : i32
    return %c0_i32, %c0_i32_0, %arg0, %c0_i32_1 : i32, i32, i32, i32
  }
  func.func @transform_1(%arg0: i32) -> (i32, i32) {
    %c0_i32 = arith.constant 0 : i32
    %c0_i32_0 = arith.constant 0 : i32
    return %arg0, %c0_i32 : i32, i32
  }
  func.func @transform_2(%arg0: i32) -> (i32, i32, i32) {
    %c0_i32 = arith.constant 0 : i32
    %c0_i32_0 = arith.constant 0 : i32
    %c0_i32_1 = arith.constant 0 : i32
    return %c0_i32, %arg0, %c0_i32_0 : i32, i32, i32
  }
  func.func @transform_3(%arg0: i32) -> (i32, i32) {
    %c0_i32 = arith.constant 0 : i32
    %c0_i32_0 = arith.constant 0 : i32
    %c0_i32_1 = arith.constant 0 : i32
    return %c0_i32, %c0_i32_0 : i32, i32
  }
  func.func @transform_4(%arg0: i32) -> (i32, i32) {
    %c0_i32 = arith.constant 0 : i32
    %c0_i32_0 = arith.constant 0 : i32
    return %arg0, %c0_i32 : i32, i32
  }
}

</mosaic_0001>

<sc_bundles>
// kernel: kernel.12.cloned.1.call-start
scs
__scs_entry_jumppad:
0x0: {  	(pc) =	sbr.rel $0x88, $3  }
0x1: {  	(tag) =	ssettag $0x0;
	lr =	simm.s32 $0x1  }
0x2: {  	[smem:$0x3F9B] =	sst lr;
	_ =	strace $0xD0000000  }
0x3: {  	_ = 	snop  }
0x4: {  	_ = 	snop  }
0x5: {  	_ = 	snop  }
0x6: {  	_ = 	snop  }
0x7: {  	_ = 	snop  }
__scs_overlays_trampoline_lowered:
0x8: {  	[smem:$0x3FAA] =	sst s0  }
0x9: {  	[smem:$0x3FAB] =	sst s1  }
0xa: {  	[smem:$0x3FAC] =	sst s2  }
0xb: {  	[smem:$0x3FAD] =	sst s3  }
0xc: {  	[smem:$0x3FAE] =	sst s4  }
0xd: {  	[smem:$0x3FAF] =	sst s5  }
0xe: {  	[smem:$0x3FB0] =	sst s6  }
0xf: {  	[smem:$0x3FB1] =	sst s7  }
0x10: {  	[smem:$0x3FB2] =	sst s8  }
0x11: {  	[smem:$0x3FB3] =	sst s9;
	s0 =	simm.s32 @!p0 $0x0  }
0x12: {  	s1 =	sld [smem:$0x3F99];
	s0 =	simm.s32 @p0 $0x1  }
0x13: {  	[smem:$0x3FB4] =	sst s0;
	s0 =	simm.s32 @!p1 $0x0  }
0x14: {  	s2 =	sld [smem:$0x3F98];
	s0 =	simm.s32 @p1 $0x1  }
0x15: {  	[smem:$0x3FB5] =	sst s0;
	s0 =	simm.s32 @!p2 $0x0  }
0x16: {  	s3 =	sld [smem:$0x3FDB];
	s0 =	simm.s32 @p2 $0x1  }
0x17: {  	s4 =	simm.s32 $0x1BF5;
	[smem:$0x3FB7] =	sst s0  }
0x18: {  	s0 =	sld [smem:$0x3F9A];
	_ =	swait.ge [sflag:s4], $0x0  }
0x19: {  	s7 =	sld [smem:$0x3F9B]  }
0x1a: {  	s8 =	sadd.s32 $0xFFFFE003, lr  }
0x1b: {  	s9 =	sadd.s32 $0xFFFFFEF7, lr;
	s5 =	simm.s32 $0xFFFFFFFF;
	p2 =	slt.u32 s8, $0xFFFFF086  }
0x1c: {  	p1 =	slt.u32 s9, $0xF7A;
	s5 =	simm.s32 @!p2 $0x0  }
0x1d: {  	s5 =	simm.s32 @p1 $0x1;
	p0 =	seq.s32 s7, s2  }
0x1e: {  	s7 =	smul.u32 @!p0 $0xF7A, s2;
	p2 =	seq.s32 @!p0 s5, $0x0  }
0x1f: {  	s9 =	smul.u32 $0xF7A, s1;
	s8 =	simm.s32 @!p0 $0x1BF5;
	p2 =	por !p2, p0  }
0x20: {  	[sflag:s8] =	ssyncset.s32 @!p0 $0xFFFFF086;
	s6 =	sadd.s32 @!p0 s3, s7;
	s7 =	simm.s32 @!p0 $0x108  }
0x21: {  	s3 =	sadd.s32 s3, s9;
	s6 =	sadd.s32 @!p0 $0x88, s6;
	s7 =	simm.s32 @p2 $0x1082  }
0x22: {  	[simem:s7], [sflag:s8] =	dma.local @!p0 [hbm:s6], $0xF7A  }
0x23: {  	s9 =	sor.u32 $0xD0000000, s2;
	s6 =	simm.s32 $0x108;
	_ =	swait.ge @!p0 [sflag:s8], $0x0  }
0x24: {  	s3 =	sadd.s32 $0x88, s3;
	s6 =	simm.s32 @!p1 $0x1082;
	[sflag:s4] =	ssyncset.s32 $0xFFFFF086  }
0x25: {  	[simem:s6], [sflag:s4] =	dma.local [hbm:s3], $0xF7A  }
0x26: {  	[smem:$0x3F9B] =	sst s1;
	(tag) =	ssettag s2;
	_ =	strace s9  }
0x27: {  	s1 =	sld [smem:$0x3FAB]  }
0x28: {  	s2 =	sld [smem:$0x3FAC]  }
0x29: {  	s4 =	sld [smem:$0x3FAE]  }
0x2a: {  	p0 =	seq.s32 s5, $0x0;
	s5 =	sld [smem:$0x3FAF]  }
0x2b: {  	s6 =	sld [smem:$0x3FB0]  }
0x2c: {  	s7 =	sld [smem:$0x3FB1]  }
0x2d: {  	s3 =	simm.s32 $0x108;
	s8 =	sld [smem:$0x3FB2]  }
0x2e: {  	s3 =	simm.s32 @!p0 $0x1082;
	s9 =	sld [smem:$0x3FB3]  }
0x2f: {  	lr =	sadd.s32 s0, s3;
	s0 =	sld [smem:$0x3FAA]  }
0x30: {  	s3 =	sld [smem:$0x3FAD]  }
0x31: {  	[smem:$0x3FB6] =	sst s10  }
0x32: {  	s10 =	sld [smem:$0x3FB4];
	_ =	sdelay $0x3  }
0x33: {  	p0 =	seq.s32 s10, $0x1;
	s10 =	sld [smem:$0x3FB6];
	_ =	sdelay $0x3  }
0x34: {  	[smem:$0x3FB6] =	sst s10  }
0x35: {  	s10 =	sld [smem:$0x3FB5];
	_ =	sdelay $0x3  }
0x36: {  	p1 =	seq.s32 s10, $0x1;
	s10 =	sld [smem:$0x3FB6];
	_ =	sdelay $0x3  }
0x37: {  	[smem:$0x3FB6] =	sst s10  }
0x38: {  	s10 =	sld [smem:$0x3FB7]  }
0x39: {  	_ = 	snop;
	(pc) =	sbr.ind lr, $3  }
0x3a: {  	_ = 	snop  }
0x3b: {  	_ = 	snop  }
0x3c: {  	p2 =	seq.s32 s10, $0x1;
	s10 =	sld [smem:$0x3FB6]  }
0x3d: {  	_ =	shalt  }
0x3e: {  	_ =	shalt  }
0x3f: {  	_ =	shalt  }
0x40: {  	_ =	shalt  }
0x41: {  	_ =	shalt  }
0x42: {  	_ =	shalt  }
0x43: {  	_ =	shalt  }
0x44: {  	_ =	shalt  }
0x45: {  	_ =	shalt  }
0x46: {  	_ =	shalt  }
0x47: {  	_ =	shalt  }
0x48: {  	_ =	shalt  }
0x49: {  	_ =	shalt  }
0x4a: {  	_ =	shalt  }
0x4b: {  	_ =	shalt  }
0x4c: {  	_ =	shalt  }
0x4d: {  	_ =	shalt  }
0x4e: {  	_ =	shalt  }
0x4f: {  	_ =	shalt  }
0x50: {  	_ =	shalt  }
0x51: {  	_ =	shalt  }
0x52: {  	_ =	shalt  }
0x53: {  	_ =	shalt  }
0x54: {  	_ =	shalt  }
0x55: {  	_ =	shalt  }
0x56: {  	_ =	shalt  }
0x57: {  	_ =	shalt  }
0x58: {  	_ =	shalt  }
0x59: {  	_ =	shalt  }
0x5a: {  	_ =	shalt  }
0x5b: {  	_ =	shalt  }
0x5c: {  	_ =	shalt  }
0x5d: {  	_ =	shalt  }
0x5e: {  	_ =	shalt  }
0x5f: {  	_ =	shalt  }
0x60: {  	_ =	shalt  }
0x61: {  	_ =	shalt  }
0x62: {  	_ =	shalt  }
0x63: {  	_ =	shalt  }
0x64: {  	_ =	shalt  }
0x65: {  	_ =	shalt  }
0x66: {  	_ =	shalt  }
0x67: {  	_ =	shalt  }
0x68: {  	_ =	shalt  }
0x69: {  	_ =	shalt  }
0x6a: {  	_ =	shalt  }
0x6b: {  	_ =	shalt  }
0x6c: {  	_ =	shalt  }
0x6d: {  	_ =	shalt  }
0x6e: {  	_ =	shalt  }
0x6f: {  	_ =	shalt  }
0x70: {  	_ =	shalt  }
0x71: {  	_ =	shalt  }
0x72: {  	_ =	shalt  }
0x73: {  	_ =	shalt  }
0x74: {  	_ =	shalt  }
0x75: {  	_ =	shalt  }
0x76: {  	_ =	shalt  }
0x77: {  	_ =	shalt  }
0x78: {  	_ =	shalt  }
0x79: {  	_ =	shalt  }
0x7a: {  	_ =	shalt  }
0x7b: {  	_ =	shalt  }
0x7c: {  	_ =	shalt  }
0x7d: {  	_ =	shalt  }
0x7e: {  	_ =	shalt  }
0x7f: {  	_ =	shalt  }
0x80: {  	_ =	shalt  }
0x81: {  	_ =	shalt  }
0x82: {  	_ =	shalt  }
0x83: {  	_ =	shalt  }
0x84: {  	_ =	shalt  }
0x85: {  	_ =	shalt  }
0x86: {  	_ =	shalt  }
0x87: {  	_ =	shalt  }
.Lfunc_end0:
.L_simem_size_0:
called_computation.1_lowered:
.L_overlay_start_0:
0x88: {  	s2 =	sld [smem:$0x3FD9]  }
0x89: {  	s3 =	sld [smem:$0x3FFE];
	_ =	sdelay $0x1  }
0x8a: {  	s1 =	srdreg.scid  }
0x8b: {  	s0 =	sand.u32 $0x1, s1  }
0x8c: {  	s17 =	sshll.u32 s0, $0xA;
	s2 =	sadd.s32 s3, s2  }
0x8d: {  	s2 =	sadd.s32 s2, s17  }
0x8e: {  	[smem:$0x3FC2] =	sst s2  }
0x8f: {  	_ = 	snop  }
0x90: {  	s2 =	sld [smem:$0x3FD0];
	(tm) =	ssettm $0x1  }
0x91: {  	s18 =	sld [smem:$0x3FFB];
	_ =	sdelay $0x3  }
0x92: {  	_ =	strace s18  }
0x93: {  	s3 =	sld [smem:$0x3FFC];
	_ =	sdelay $0x3  }
0x94: {  	_ =	strace s3  }
0x95: {  	s3 =	sld [smem:$0x3FFD];
	_ =	sdelay $0x3  }
0x96: {  	_ =	strace s3  }
0x97: {  	_ =	strace $0x8FFFFFFF  }
0x98: {  	s19 =	sld [smem:$0x3FDB];
	_ =	sdelay $0x1  }
0x99: {  	s4 =	simm.s32 $_scs_section_size  }
0x9a: {  	s5 =	simm.s32 $_size__tile_overlayer_lowered;
	s6 =	simm.s32 $_tile_overlayer_lowered  }
0x9b: {  	s22 =	simm.s32 $0x1BFF;
	s21 =	sshll.u32 s6, $0x1;
	s3 =	sadd.s32 s4, s19  }
0x9c: {  	s7 =	simm.s32 $0x0;
	s20 =	sshll.u32 s5, $0x1;
	s5 =	sadd.s32 s21, s3  }
0x9d: {  	[timem:s7], [sflag:s22] =	dma.local [hbm:s5], s20  }
0x9e: {  	_ =	swait.ge [sflag:s22], s20  }
0x9f: {  	s4 =	ssub.s32 $0x0, s20;
	[sflag:s22] =	ssyncset.done $0x0  }
0xa0: {  	[sflag:s22] =	ssyncadd.s32 s4;
	_ =	sdelay $0x1  }
0xa1: {  	s23 =	simm.s32 $0x1B8B  }
0xa2: {  	_ =	swait.ge [sflag:s23], $0x1  }
0xa3: {  	[sflag:s23] =	ssyncset.done $0x0  }
0xa4: {  	s25 =	simm.s32 $0x1B8E;
	s24 =	sld [smem:$0x3FFE];
	[sflag:s23] =	ssyncadd.s32 $0xFFFFFFFF  }
0xa5: {  	s26 =	simm.s32 $execute0_lowered;
	[smem:$0x3FD2] =	sst s25  }
0xa6: {  	s5 =	sshll.u32 s26, $0x1;
	_ =	strace $0x80000049;
	[dreg:$0x1] =	wrdreg $0xFFFFFFFF  }
0xa7: {  	s28 =	simm.s32 $_size_execute0_lowered;
	s3 =	sadd.s32 s3, s5;
	[dreg:$0x0] =	wrdreg $0x0  }
0xa8: {  	s5 =	sshll.u32 s28, $0x1;
	[dreg:$0x2] =	wrdreg s3  }
0xa9: {  	[dreg:$0x3] =	wrdreg s5  }
0xaa: {  	[dreg:$0x4] =	wrdreg $0xC0  }
0xab: {  	_ =	task [dreg:s7], $0x5FFFF  }
0xac: {  	[dreg:$0x1] =	wrdreg $0xFFFFFFFF  }
0xad: {  	[dreg:$0x0] =	wrdreg $0x60  }
0xae: {  	[dreg:$0x2] =	wrdreg s2  }
0xaf: {  	[dreg:$0x3] =	wrdreg s24  }
0xb0: {  	[dreg:$0x4] =	wrdreg $0x15E800  }
0xb1: {  	[dreg:$0x5] =	wrdreg $0xC0800  }
0xb2: {  	[dreg:$0x6] =	wrdreg $0x9  }
0xb3: {  	_ =	task.clear_ibuf [dreg:s7], $0x7FFFF;
	_ =	strace $0x90000049  }
0xb4: {  	s29 =	simm.s32 $0x9;
	_ =	strace $0x8000004B  }
0xb5: {  	_ =	swait.ge [sflag:s29], $0x1  }
0xb6: {  	[sflag:s29] =	ssyncadd.s32 $0xFFFFFFFF  }
0xb7: {  	_ =	strace $0x9000004B  }
0xb8: {  	_ =	sfence  }
0xb9: {  	s30 =	sld [smem:$0x0];
	_ =	sdelay $0x2  }
0xba: {  	s31 =	sshll.u32 s1, $0xD;
	s1 =	sshrl.u32 s1, $0x2  }
0xbb: {  	s3 =	sand.u32 $0x4000, s31;
	s1 =	sadd.s32 s1, s30  }
0xbc: {  	s0 =	sor.u32 s3, s0;
	s1 =	sshll.u32 s1, $0x11  }
0xbd: {  	s0 =	sor.u32 s1, s0  }
0xbe: {  	s0 =	sadd.s32 $0x8F2B, s0  }
0xbf: {  	[sflag:s0] =	ssyncadd.remote.s32 $0x1  }
0xc0: {  	_ =	sfence.sel $0xFFFF  }
0xc1: {  	[dreg:$0x0] =	wrdreg $0xFFFFFFFF;
	(pc) =	sbr.abs _section_cstart, $3  }
0xc2: {  	[dreg:$0x1] =	wrdreg $0xFFFFFFFF  }
0xc3: {  	_ =	task.clear_ibuf [dreg:s7], $0x2FFFF;
	_ =	strace $0x9FFFFFFF  }
0xc4: {  	(tm) =	ssettm $0x7FFFFFFF  }
0xc5: {  	_ =	shalt  }
tec
execute0_lowered:
.L_overlay_start_1:
0x0: {  	(tag) =	ssettag $0x1  }
0x1: {  	s0 =	rddreg [dreg:$0x0]  }
0x2: {  	s1 =	rddreg [dreg:$0x1]  }
0x3: {  	s2 =	rddreg [dreg:$0x2]  }
0x4: {  	s3 =	rddreg [dreg:$0x3]  }
0x5: {  	s11 =	stileid.u32;
	s5 =	srdreg.scid  }
0x6: {  	s4 =	simm.s32 $0x0;
	s13 =	simm.s32 $0x9;
	s14 =	simm.s32 $0x2840  }
0x7: {  	s18 =	simm.s32 $0x70;
	s28 =	simm.s32 $0xA480;
	s29 =	simm.s32 $0x3  }
0x8: {  	s30 =	simm.s32 $0x5;
	s31 =	simm.s32 $0x4;
	s6 =	smul.u32 $0x9E00, s11  }
0x9: {  	s5 =	sand.u32 $0x1, s5;
	[smem:$0x7FF] =	sst s4;
	s26 =	sshll.u32 s11, $0x6  }
0xa: {  	s7 =	sshll.u32 s5, $0x4;
	s8 =	smul.u32 $0x9E000, s5;
	_ =	strace $0x8000004A  }
0xb: {  	s5 =	ssub.s32 $0x2, s5;
	s15 =	sor.u32 $0x1C09, s26;
	s26 =	simm.s32 $0x150  }
0xc: {  	s7 =	sor.u32 s11, s7;
	s9 =	sshrl.u32 s6, $0x3;
	s19 =	sshrl.u32 s5, $0x1  }
0xd: {  	s21 =	sadd.s32 s6, s2;
	s22 =	sadd.s32 s6, s3;
	s7 =	smul.u32 $0x508, s7  }
0xe: {  	s8 =	sadd.s32 s6, s8;
	s10 =	sadd.s32 s9, s1;
	s5 =	ssub.s32 s5, s19  }
0xf: {  	s0 =	sadd.s32 s0, s9;
	s16 =	sshrl.u32 s21, $0x3;
	s17 =	sshrl.u32 s22, $0x3  }
0x10: {  	s19 =	simm.s32 $0x5080;
	s21 =	simm.s32 $0x1;
	s22 =	simm.s32 $0xE0  }
0x11: {  	s6 =	simm.s32 $0x4FA0;
	s9 =	simm.s32 $0x0;
	s8 =	sshrl.u32 s8, $0x3  }
0x12: {  	[dreg:$0x7] =	wrdreg s0;
	s24 =	sadd.s32 $0x73C00, s10;
	s25 =	smax.u32 s5, $0x1  }
0x13: {  	s0 =	simm.s32 $0x6;
	s7 =	sadd.s32 s7, s1;
	[dreg:$0x9] =	wrdreg s24  }
0x14: {  	s5 =	simm.s32 $0x8;
	[dreg:$0xb] =	wrdreg s25;
	s20 =	sadd.s32 $0x1AA00, s7  }
0x15: {  	s1 =	sadd.s32 s8, s1;
	s7 =	sadd.s32 $0x10800, s7;
	[dreg:$0x5] =	wrdreg s20  }
0x16: {  	s8 =	sadd.s32 $0x87800, s10;
	s23 =	sadd.s32 $0x9B400, s1;
	[dreg:$0x6] =	wrdreg s7  }
0x17: {  	s24 =	simm.s32 $0x2;
	s1 =	sadd.s32 $0xC2C00, s1;
	[dreg:$0x8] =	wrdreg s23  }
0x18: {  	s25 =	simm.s32 $0x28B0;
	[dreg:$0xa] =	wrdreg s1;
	s20 =	simm.s32 $0x6C80  }
0x19: {  	s23 =	simm.s32 $0x8880;
	s1 =	simm.s32 $0x7;
	s7 =	simm.s32 $0x5010  }
.LBB2_1:
0x1a: {  	s10 =	rddreg [dreg:$0x5]  }
0x1b: {  	[tilespmem:s4], [sflag:$0x9] =	stream.linear.gather [hbm4b:s10+s4], $0x2840, $0x38;
	[tilespmem:$0x1FC80] =	vst v63  }
0x1c: {  	_ =	swait.ge [sflag:s13], $0x2840  }
0x1d: {  	[sflag:s13] =	ssyncset.done $0x0  }
0x1e: {  	s12 =	rddreg [dreg:$0x6];
	[sflag:s13] =	ssyncadd.s32 $0xFFFFD7C0  }
0x1f: {  	[tilespmem:s14], [sflag:$0x9] =	stream.linear.gather [hbm4b:s12+s4], $0x2840, $0x38;
	[tilespmem:$0x1FC80] =	vst v63  }
0x20: {  	_ =	swait.ge [sflag:s13], $0x2840  }
0x21: {  	[sflag:s13] =	ssyncset.done $0x0  }
0x22: {  	s11 =	rddreg [dreg:$0x7];
	[sflag:s13] =	ssyncadd.s32 $0xFFFFD7C0  }
0x23: {  	[spmem:s16], [sflag:s15] =	dma.local [hbm:s11], $0x13C0  }
0x24: {  	_ =	swait.ge [sflag:s13], $0x13C0  }
0x25: {  	[sflag:s13] =	ssyncset.done $0x0  }
0x26: {  	[sflag:s13] =	ssyncadd.s32 $0xFFFFEC40  }
0x27: {  	[spmem:s17], [sflag:s15] =	dma.local [hbm:s8], $0x13C0  }
0x28: {  	_ =	swait.ge [sflag:s13], $0x13C0  }
0x29: {  	[sflag:s13] =	ssyncset.done $0x0  }
0x2a: {  	[sflag:s13] =	ssyncadd.s32 $0xFFFFEC40  }
0x2b: {  	[bflag:$0x0] =	sbarrier.arrive $0xFFFF  }
0x2c: {  	[tilespmem:s19], [sflag:$0x1] =	stream.indirect.gather [spmem:s2], $0x40, s4, s18, $0xb8;
	[tilespmem:$0x1FC80] =	vst v63  }
0x2d: {  	_ = 	snop  }
0x2e: {  	[tilespmem:s20], [sflag:$0x2] =	stream.indirect.gather [spmem:s2], $0x40, s18, s18, $0xb8;
	[tilespmem:$0x1FC80] =	vst v63  }
0x2f: {  	_ =	swait.ge [sflag:s21], $0x1C00  }
0x30: {  	[sflag:s21] =	ssyncset.done $0x0  }
0x31: {  	[sflag:s21] =	ssyncadd.s32 $0xFFFFE400  }
0x32: {  	[spmem:s3] =	stream.indirect.scatter.add.f32 [tilespmem:s19], [sflag:$0x5], $0x40, s14, s18, $0xb8;
	[tilespmem:$0x1FC80] =	vst v63  }
0x33: {  	_ = 	snop  }
0x34: {  	[tilespmem:s23], [sflag:$0x3] =	stream.indirect.gather [spmem:s2], $0x40, s22, s18, $0xb8;
	[tilespmem:$0x1FC80] =	vst v63  }
0x35: {  	_ =	swait.ge [sflag:s24], $0x1C00  }
0x36: {  	[sflag:s24] =	ssyncset.done $0x0  }
0x37: {  	[sflag:s24] =	ssyncadd.s32 $0xFFFFE400  }
0x38: {  	[spmem:s3] =	stream.indirect.scatter.add.f32 [tilespmem:s20], [sflag:$0x6], $0x40, s25, s18, $0xb8;
	[tilespmem:$0x1FC80] =	vst v63  }
0x39: {  	_ = 	snop  }
0x3a: {  	[tilespmem:s28], [sflag:$0x4] =	stream.indirect.gather [spmem:s2], $0x40, s26, s18, $0xb8;
	[tilespmem:$0x1FC80] =	vst v63  }
0x3b: {  	_ =	swait.ge [sflag:s29], $0x1C00  }
0x3c: {  	[sflag:s29] =	ssyncset.done $0x0  }
0x3d: {  	s12 =	simm.s32 $0x2920;
	[sflag:s29] =	ssyncadd.s32 $0xFFFFE400  }
0x3e: {  	[spmem:s3] =	stream.indirect.scatter.add.f32 [tilespmem:s23], [sflag:$0x7], $0x40, s12, s18, $0xb8;
	[tilespmem:$0x1FC80] =	vst v63  }
0x3f: {  	_ =	swait.ge [sflag:s30], $0x1C00  }
0x40: {  	[sflag:s30] =	ssyncset.done $0x0  }
0x41: {  	s11 =	simm.s32 $0x1C0;
	[sflag:s30] =	ssyncadd.s32 $0xFFFFE400  }
0x42: {  	[tilespmem:s19], [sflag:$0x1] =	stream.indirect.gather [spmem:s2], $0x40, s11, s18, $0xb8;
	[tilespmem:$0x1FC80] =	vst v63  }
0x43: {  	_ =	swait.ge [sflag:s31], $0x1C00  }
0x44: {  	[sflag:s31] =	ssyncset.done $0x0  }
0x45: {  	s12 =	simm.s32 $0x2990;
	[sflag:s31] =	ssyncadd.s32 $0xFFFFE400  }
0x46: {  	[spmem:s3] =	stream.indirect.scatter.add.f32 [tilespmem:s28], [sflag:$0x8], $0x40, s12, s18, $0xb8;
	[tilespmem:$0x1FC80] =	vst v63  }
0x47: {  	_ =	swait.ge [sflag:s0], $0x1C00  }
0x48: {  	[sflag:s0] =	ssyncset.done $0x0  }
0x49: {  	s11 =	simm.s32 $0x230;
	[sflag:s0] =	ssyncadd.s32 $0xFFFFE400  }
0x4a: {  	[tilespmem:s20], [sflag:$0x2] =	stream.indirect.gather [spmem:s2], $0x40, s11, s18, $0xb8;
	[tilespmem:$0x1FC80] =	vst v63  }
0x4b: {  	_ =	swait.ge [sflag:s21], $0x1C00  }
0x4c: {  	[sflag:s21] =	ssyncset.done $0x0  }
0x4d: {  	s12 =	simm.s32 $0x2A00;
	[sflag:s21] =	ssyncadd.s32 $0xFFFFE400  }
0x4e: {  	[spmem:s3] =	stream.indirect.scatter.add.f32 [tilespmem:s19], [sflag:$0x5], $0x40, s12, s18, $0xb8;
	[tilespmem:$0x1FC80] =	vst v63  }
0x4f: {  	_ =	swait.ge [sflag:s1], $0x1C00  }
0x50: {  	[sflag:s1] =	ssyncset.done $0x0  }
0x51: {  	s11 =	simm.s32 $0x2A0;
	[sflag:s1] =	ssyncadd.s32 $0xFFFFE400  }
0x52: {  	[tilespmem:s23], [sflag:$0x3] =	stream.indirect.gather [spmem:s2], $0x40, s11, s18, $0xb8;
	[tilespmem:$0x1FC80] =	vst v63  }
0x53: {  	_ =	swait.ge [sflag:s24], $0x1C00  }
0x54: {  	[sflag:s24] =	ssyncset.done $0x0  }
0x55: {  	s12 =	simm.s32 $0x2A70;
	[sflag:s24] =	ssyncadd.s32 $0xFFFFE400  }
0x56: {  	[spmem:s3] =	stream.indirect.scatter.add.f32 [tilespmem:s20], [sflag:$0x6], $0x40, s12, s18, $0xb8;
	[tilespmem:$0x1FC80] =	vst v63  }
0x57: {  	_ =	swait.ge [sflag:s5], $0x1C00  }
0x58: {  	[sflag:s5] =	ssyncset.done $0x0  }
0x59: {  	s10 =	simm.s32 $0x700;
	s11 =	simm.s32 $0x310;
	[sflag:s5] =	ssyncadd.s32 $0xFFFFE400  }
.LBB2_2:
0x5a: {  	[tilespmem:s28], [sflag:$0x4] =	stream.indirect.gather [spmem:s2], $0x40, s11, s18, $0xb8;
	[tilespmem:$0x1FC80] =	vst v63  }
0x5b: {  	s11 =	smov.u32 s10  }
0x5c: {  	p0 =	sne.s32 s10, $0x9300;
	s10 =	sadd.s32 $0x700, s10;
	_ =	swait.ge [sflag:s29], $0x1C00  }
0x5d: {  	s11 =	sshra.s32 s11, $0x2;
	[sflag:s29] =	ssyncset.done $0x0  }
0x5e: {  	s12 =	sadd.s32 $0x2920, s11;
	[sflag:s29] =	ssyncadd.s32 $0xFFFFE400  }
0x5f: {  	[spmem:s3] =	stream.indirect.scatter.add.f32 [tilespmem:s23], [sflag:$0x7], $0x40, s12, s18, $0xb8;
	[tilespmem:$0x1FC80] =	vst v63  }
0x60: {  	_ =	swait.ge [sflag:s30], $0x1C00  }
0x61: {  	[sflag:s30] =	ssyncset.done $0x0  }
0x62: {  	s12 =	sadd.s32 $0x1C0, s11;
	[sflag:s30] =	ssyncadd.s32 $0xFFFFE400  }
0x63: {  	[tilespmem:s19], [sflag:$0x1] =	stream.indirect.gather [spmem:s2], $0x40, s12, s18, $0xb8;
	[tilespmem:$0x1FC80] =	vst v63  }
0x64: {  	_ =	swait.ge [sflag:s31], $0x1C00  }
0x65: {  	[sflag:s31] =	ssyncset.done $0x0  }
0x66: {  	s12 =	sadd.s32 $0x2990, s11;
	[sflag:s31] =	ssyncadd.s32 $0xFFFFE400  }
0x67: {  	[spmem:s3] =	stream.indirect.scatter.add.f32 [tilespmem:s28], [sflag:$0x8], $0x40, s12, s18, $0xb8;
	[tilespmem:$0x1FC80] =	vst v63  }
0x68: {  	_ =	swait.ge [sflag:s0], $0x1C00  }
0x69: {  	[sflag:s0] =	ssyncset.done $0x0  }
0x6a: {  	s12 =	sadd.s32 $0x230, s11;
	[sflag:s0] =	ssyncadd.s32 $0xFFFFE400  }
0x6b: {  	[tilespmem:s20], [sflag:$0x2] =	stream.indirect.gather [spmem:s2], $0x40, s12, s18, $0xb8;
	[tilespmem:$0x1FC80] =	vst v63  }
0x6c: {  	_ =	swait.ge [sflag:s21], $0x1C00  }
0x6d: {  	[sflag:s21] =	ssyncset.done $0x0  }
0x6e: {  	s12 =	sadd.s32 $0x2A00, s11;
	[sflag:s21] =	ssyncadd.s32 $0xFFFFE400  }
0x6f: {  	[spmem:s3] =	stream.indirect.scatter.add.f32 [tilespmem:s19], [sflag:$0x5], $0x40, s12, s18, $0xb8;
	[tilespmem:$0x1FC80] =	vst v63  }
0x70: {  	_ =	swait.ge [sflag:s1], $0x1C00  }
0x71: {  	[sflag:s1] =	ssyncset.done $0x0  }
0x72: {  	s12 =	sadd.s32 $0x2A0, s11;
	[sflag:s1] =	ssyncadd.s32 $0xFFFFE400  }
0x73: {  	[tilespmem:s23], [sflag:$0x3] =	stream.indirect.gather [spmem:s2], $0x40, s12, s18, $0xb8;
	[tilespmem:$0x1FC80] =	vst v63  }
0x74: {  	_ =	swait.ge [sflag:s24], $0x1C00  }
0x75: {  	[sflag:s24] =	ssyncset.done $0x0  }
.Ltmp0:
0x76: {  	s12 =	sadd.s32 $0x2A70, s11;
	[sflag:s24] =	ssyncadd.s32 $0xFFFFE400;
	(pc) =	sbr.rel @p0 .LBB2_2-.Ltmp0, $4  }
0x77: {  	[spmem:s3] =	stream.indirect.scatter.add.f32 [tilespmem:s20], [sflag:$0x6], $0x40, s12, s18, $0xb8;
	[tilespmem:$0x1FC80] =	vst v63  }
0x78: {  	_ =	swait.ge [sflag:s5], $0x1C00  }
0x79: {  	[sflag:s5] =	ssyncset.done $0x0  }
0x7a: {  	s11 =	sadd.s32 $0x310, s11;
	[sflag:s5] =	ssyncadd.s32 $0xFFFFE400  }
0x7b: {  	[tilespmem:s28], [sflag:$0x4] =	stream.indirect.gather [spmem:s2], $0x40, s11, s18, $0xb8;
	[tilespmem:$0x1FC80] =	vst v63  }
0x7c: {  	_ =	swait.ge [sflag:s29], $0x1C00  }
0x7d: {  	[sflag:s29] =	ssyncset.done $0x0  }
0x7e: {  	[sflag:s29] =	ssyncadd.s32 $0xFFFFE400  }
0x7f: {  	[spmem:s3] =	stream.indirect.scatter.add.f32 [tilespmem:s23], [sflag:$0x7], $0x40, s6, s18, $0xb8;
	[tilespmem:$0x1FC80] =	vst v63  }
0x80: {  	_ =	swait.ge [sflag:s30], $0x1C00  }
0x81: {  	[sflag:s30] =	ssyncset.done $0x0  }
0x82: {  	[sflag:s30] =	ssyncadd.s32 $0xFFFFE400  }
0x83: {  	_ =	swait.ge [sflag:s31], $0x1C00  }
0x84: {  	[sflag:s31] =	ssyncset.done $0x0  }
0x85: {  	[sflag:s31] =	ssyncadd.s32 $0xFFFFE400  }
0x86: {  	[spmem:s3] =	stream.indirect.scatter.add.f32 [tilespmem:s28], [sflag:$0x8], $0x40, s7, s18, $0xb8;
	[tilespmem:$0x1FC80] =	vst v63  }
0x87: {  	_ =	swait.ge [sflag:s0], $0x1C00  }
0x88: {  	[sflag:s0] =	ssyncset.done $0x0  }
0x89: {  	[sflag:s0] =	ssyncadd.s32 $0xFFFFE400  }
0x8a: {  	_ =	swait.ge [sflag:s1], $0x1C00  }
0x8b: {  	[sflag:s1] =	ssyncset.done $0x0  }
0x8c: {  	[sflag:s1] =	ssyncadd.s32 $0xFFFFE400  }
0x8d: {  	_ =	swait.ge [sflag:s5], $0x1C00  }
0x8e: {  	[sflag:s5] =	ssyncset.done $0x0  }
0x8f: {  	[sflag:s5] =	ssyncadd.s32 $0xFFFFE400  }
0x90: {  	[bflag:$0x0] =	sbarrier.arrive $0xFFFF  }
0x91: {  	s10 =	rddreg [dreg:$0x8]  }
0x92: {  	[hbm:s10], [sflag:s15] =	dma.local [spmem:s17], $0x13C0  }
0x93: {  	_ =	swait.ge [sflag:s13], $0x13C0  }
0x94: {  	[sflag:s13] =	ssyncset.done $0x0  }
0x95: {  	s12 =	rddreg [dreg:$0x9];
	[sflag:s13] =	ssyncadd.s32 $0xFFFFEC40  }
0x96: {  	[spmem:s16], [sflag:s15] =	dma.local [hbm:s12], $0x13C0  }
0x97: {  	_ =	swait.ge [sflag:s13], $0x13C0  }
0x98: {  	[sflag:s13] =	ssyncset.done $0x0  }
0x99: {  	[sflag:s13] =	ssyncadd.s32 $0xFFFFEC40  }
0x9a: {  	[spmem:s17], [sflag:s15] =	dma.local [hbm:s8], $0x13C0  }
0x9b: {  	_ =	swait.ge [sflag:s13], $0x13C0  }
0x9c: {  	[sflag:s13] =	ssyncset.done $0x0  }
0x9d: {  	[sflag:s13] =	ssyncadd.s32 $0xFFFFEC40  }
0x9e: {  	s11 =	simm.s32 $0x0;
	[bflag:$0x0] =	sbarrier.arrive $0xFFFF  }
0x9f: {  	[tilespmem:s19], [sflag:$0x1] =	stream.indirect.gather [spmem:s2], $0x40, s11, s18, $0xb8;
	[tilespmem:$0x1FC80] =	vst v63  }
0xa0: {  	_ = 	snop  }
0xa1: {  	[tilespmem:s20], [sflag:$0x2] =	stream.indirect.gather [spmem:s2], $0x40, s18, s18, $0xb8;
	[tilespmem:$0x1FC80] =	vst v63  }
0xa2: {  	_ =	swait.ge [sflag:s21], $0x1C00  }
0xa3: {  	[sflag:s21] =	ssyncset.done $0x0  }
0xa4: {  	[sflag:s21] =	ssyncadd.s32 $0xFFFFE400  }
0xa5: {  	[spmem:s3] =	stream.indirect.scatter.add.f32 [tilespmem:s19], [sflag:$0x5], $0x40, s14, s18, $0xb8;
	[tilespmem:$0x1FC80] =	vst v63  }
0xa6: {  	_ = 	snop  }
0xa7: {  	[tilespmem:s23], [sflag:$0x3] =	stream.indirect.gather [spmem:s2], $0x40, s22, s18, $0xb8;
	[tilespmem:$0x1FC80] =	vst v63  }
0xa8: {  	_ =	swait.ge [sflag:s24], $0x1C00  }
0xa9: {  	[sflag:s24] =	ssyncset.done $0x0  }
0xaa: {  	[sflag:s24] =	ssyncadd.s32 $0xFFFFE400  }
0xab: {  	[spmem:s3] =	stream.indirect.scatter.add.f32 [tilespmem:s20], [sflag:$0x6], $0x40, s25, s18, $0xb8;
	[tilespmem:$0x1FC80] =	vst v63  }
0xac: {  	_ = 	snop  }
0xad: {  	[tilespmem:s28], [sflag:$0x4] =	stream.indirect.gather [spmem:s2], $0x40, s26, s18, $0xb8;
	[tilespmem:$0x1FC80] =	vst v63  }
0xae: {  	_ =	swait.ge [sflag:s29], $0x1C00  }
0xaf: {  	[sflag:s29] =	ssyncset.done $0x0  }
0xb0: {  	s12 =	simm.s32 $0x2920;
	[sflag:s29] =	ssyncadd.s32 $0xFFFFE400  }
0xb1: {  	[spmem:s3] =	stream.indirect.scatter.add.f32 [tilespmem:s23], [sflag:$0x7], $0x40, s12, s18, $0xb8;
	[tilespmem:$0x1FC80] =	vst v63  }
0xb2: {  	_ =	swait.ge [sflag:s30], $0x1C00  }
0xb3: {  	[sflag:s30] =	ssyncset.done $0x0  }
0xb4: {  	s11 =	simm.s32 $0x1C0;
	[sflag:s30] =	ssyncadd.s32 $0xFFFFE400  }
0xb5: {  	[tilespmem:s19], [sflag:$0x1] =	stream.indirect.gather [spmem:s2], $0x40, s11, s18, $0xb8;
	[tilespmem:$0x1FC80] =	vst v63  }
0xb6: {  	_ =	swait.ge [sflag:s31], $0x1C00  }
0xb7: {  	[sflag:s31] =	ssyncset.done $0x0  }
0xb8: {  	s12 =	simm.s32 $0x2990;
	[sflag:s31] =	ssyncadd.s32 $0xFFFFE400  }
0xb9: {  	[spmem:s3] =	stream.indirect.scatter.add.f32 [tilespmem:s28], [sflag:$0x8], $0x40, s12, s18, $0xb8;
	[tilespmem:$0x1FC80] =	vst v63  }
0xba: {  	_ =	swait.ge [sflag:s0], $0x1C00  }
0xbb: {  	[sflag:s0] =	ssyncset.done $0x0  }
0xbc: {  	s11 =	simm.s32 $0x230;
	[sflag:s0] =	ssyncadd.s32 $0xFFFFE400  }
0xbd: {  	[tilespmem:s20], [sflag:$0x2] =	stream.indirect.gather [spmem:s2], $0x40, s11, s18, $0xb8;
	[tilespmem:$0x1FC80] =	vst v63  }
0xbe: {  	_ =	swait.ge [sflag:s21], $0x1C00  }
0xbf: {  	[sflag:s21] =	ssyncset.done $0x0  }
0xc0: {  	s12 =	simm.s32 $0x2A00;
	[sflag:s21] =	ssyncadd.s32 $0xFFFFE400  }
0xc1: {  	[spmem:s3] =	stream.indirect.scatter.add.f32 [tilespmem:s19], [sflag:$0x5], $0x40, s12, s18, $0xb8;
	[tilespmem:$0x1FC80] =	vst v63  }
0xc2: {  	_ =	swait.ge [sflag:s1], $0x1C00  }
0xc3: {  	[sflag:s1] =	ssyncset.done $0x0  }
0xc4: {  	s11 =	simm.s32 $0x2A0;
	[sflag:s1] =	ssyncadd.s32 $0xFFFFE400  }
0xc5: {  	[tilespmem:s23], [sflag:$0x3] =	stream.indirect.gather [spmem:s2], $0x40, s11, s18, $0xb8;
	[tilespmem:$0x1FC80] =	vst v63  }
0xc6: {  	_ =	swait.ge [sflag:s24], $0x1C00  }
0xc7: {  	[sflag:s24] =	ssyncset.done $0x0  }
0xc8: {  	s12 =	simm.s32 $0x2A70;
	[sflag:s24] =	ssyncadd.s32 $0xFFFFE400  }
0xc9: {  	[spmem:s3] =	stream.indirect.scatter.add.f32 [tilespmem:s20], [sflag:$0x6], $0x40, s12, s18, $0xb8;
	[tilespmem:$0x1FC80] =	vst v63  }
0xca: {  	_ =	swait.ge [sflag:s5], $0x1C00  }
0xcb: {  	[sflag:s5] =	ssyncset.done $0x0  }
0xcc: {  	s10 =	simm.s32 $0x700;
	s11 =	simm.s32 $0x310;
	[sflag:s5] =	ssyncadd.s32 $0xFFFFE400  }
.LBB2_4:
0xcd: {  	[tilespmem:s28], [sflag:$0x4] =	stream.indirect.gather [spmem:s2], $0x40, s11, s18, $0xb8;
	[tilespmem:$0x1FC80] =	vst v63  }
0xce: {  	s11 =	smov.u32 s10  }
0xcf: {  	p0 =	sne.s32 s10, $0x9300;
	s10 =	sadd.s32 $0x700, s10;
	_ =	swait.ge [sflag:s29], $0x1C00  }
0xd0: {  	s11 =	sshra.s32 s11, $0x2;
	[sflag:s29] =	ssyncset.done $0x0  }
0xd1: {  	s12 =	sadd.s32 $0x2920, s11;
	[sflag:s29] =	ssyncadd.s32 $0xFFFFE400  }
0xd2: {  	[spmem:s3] =	stream.indirect.scatter.add.f32 [tilespmem:s23], [sflag:$0x7], $0x40, s12, s18, $0xb8;
	[tilespmem:$0x1FC80] =	vst v63  }
0xd3: {  	_ =	swait.ge [sflag:s30], $0x1C00  }
0xd4: {  	[sflag:s30] =	ssyncset.done $0x0  }
0xd5: {  	s12 =	sadd.s32 $0x1C0, s11;
	[sflag:s30] =	ssyncadd.s32 $0xFFFFE400  }
0xd6: {  	[tilespmem:s19], [sflag:$0x1] =	stream.indirect.gather [spmem:s2], $0x40, s12, s18, $0xb8;
	[tilespmem:$0x1FC80] =	vst v63  }
0xd7: {  	_ =	swait.ge [sflag:s31], $0x1C00  }
0xd8: {  	[sflag:s31] =	ssyncset.done $0x0  }
0xd9: {  	s12 =	sadd.s32 $0x2990, s11;
	[sflag:s31] =	ssyncadd.s32 $0xFFFFE400  }
0xda: {  	[spmem:s3] =	stream.indirect.scatter.add.f32 [tilespmem:s28], [sflag:$0x8], $0x40, s12, s18, $0xb8;
	[tilespmem:$0x1FC80] =	vst v63  }
0xdb: {  	_ =	swait.ge [sflag:s0], $0x1C00  }
0xdc: {  	[sflag:s0] =	ssyncset.done $0x0  }
0xdd: {  	s12 =	sadd.s32 $0x230, s11;
	[sflag:s0] =	ssyncadd.s32 $0xFFFFE400  }
0xde: {  	[tilespmem:s20], [sflag:$0x2] =	stream.indirect.gather [spmem:s2], $0x40, s12, s18, $0xb8;
	[tilespmem:$0x1FC80] =	vst v63  }
0xdf: {  	_ =	swait.ge [sflag:s21], $0x1C00  }
0xe0: {  	[sflag:s21] =	ssyncset.done $0x0  }
0xe1: {  	s12 =	sadd.s32 $0x2A00, s11;
	[sflag:s21] =	ssyncadd.s32 $0xFFFFE400  }
0xe2: {  	[spmem:s3] =	stream.indirect.scatter.add.f32 [tilespmem:s19], [sflag:$0x5], $0x40, s12, s18, $0xb8;
	[tilespmem:$0x1FC80] =	vst v63  }
0xe3: {  	_ =	swait.ge [sflag:s1], $0x1C00  }
0xe4: {  	[sflag:s1] =	ssyncset.done $0x0  }
0xe5: {  	s12 =	sadd.s32 $0x2A0, s11;
	[sflag:s1] =	ssyncadd.s32 $0xFFFFE400  }
0xe6: {  	[tilespmem:s23], [sflag:$0x3] =	stream.indirect.gather [spmem:s2], $0x40, s12, s18, $0xb8;
	[tilespmem:$0x1FC80] =	vst v63  }
0xe7: {  	_ =	swait.ge [sflag:s24], $0x1C00  }
0xe8: {  	[sflag:s24] =	ssyncset.done $0x0  }
.Ltmp1:
0xe9: {  	s12 =	sadd.s32 $0x2A70, s11;
	[sflag:s24] =	ssyncadd.s32 $0xFFFFE400;
	(pc) =	sbr.rel @p0 .LBB2_4-.Ltmp1, $4  }
0xea: {  	[spmem:s3] =	stream.indirect.scatter.add.f32 [tilespmem:s20], [sflag:$0x6], $0x40, s12, s18, $0xb8;
	[tilespmem:$0x1FC80] =	vst v63  }
0xeb: {  	_ =	swait.ge [sflag:s5], $0x1C00  }
0xec: {  	[sflag:s5] =	ssyncset.done $0x0  }
0xed: {  	s11 =	sadd.s32 $0x310, s11;
	[sflag:s5] =	ssyncadd.s32 $0xFFFFE400  }
0xee: {  	[tilespmem:s28], [sflag:$0x4] =	stream.indirect.gather [spmem:s2], $0x40, s11, s18, $0xb8;
	[tilespmem:$0x1FC80] =	vst v63  }
0xef: {  	_ =	swait.ge [sflag:s29], $0x1C00  }
0xf0: {  	[sflag:s29] =	ssyncset.done $0x0  }
0xf1: {  	[sflag:s29] =	ssyncadd.s32 $0xFFFFE400  }
0xf2: {  	[spmem:s3] =	stream.indirect.scatter.add.f32 [tilespmem:s23], [sflag:$0x7], $0x40, s6, s18, $0xb8;
	[tilespmem:$0x1FC80] =	vst v63  }
0xf3: {  	_ =	swait.ge [sflag:s30], $0x1C00  }
0xf4: {  	[sflag:s30] =	ssyncset.done $0x0  }
0xf5: {  	[sflag:s30] =	ssyncadd.s32 $0xFFFFE400  }
0xf6: {  	_ =	swait.ge [sflag:s31], $0x1C00  }
0xf7: {  	[sflag:s31] =	ssyncset.done $0x0  }
0xf8: {  	[sflag:s31] =	ssyncadd.s32 $0xFFFFE400  }
0xf9: {  	[spmem:s3] =	stream.indirect.scatter.add.f32 [tilespmem:s28], [sflag:$0x8], $0x40, s7, s18, $0xb8;
	[tilespmem:$0x1FC80] =	vst v63  }
0xfa: {  	_ =	swait.ge [sflag:s0], $0x1C00  }
0xfb: {  	[sflag:s0] =	ssyncset.done $0x0  }
0xfc: {  	[sflag:s0] =	ssyncadd.s32 $0xFFFFE400  }
0xfd: {  	_ =	swait.ge [sflag:s1], $0x1C00  }
0xfe: {  	[sflag:s1] =	ssyncset.done $0x0  }
0xff: {  	[sflag:s1] =	ssyncadd.s32 $0xFFFFE400  }
0x100: {  	_ =	swait.ge [sflag:s5], $0x1C00  }
0x101: {  	[sflag:s5] =	ssyncset.done $0x0  }
0x102: {  	[sflag:s5] =	ssyncadd.s32 $0xFFFFE400  }
0x103: {  	[bflag:$0x0] =	sbarrier.arrive $0xFFFF  }
0x104: {  	s10 =	rddreg [dreg:$0xa]  }
0x105: {  	[hbm:s10], [sflag:s15] =	dma.local [spmem:s17], $0x13C0  }
0x106: {  	_ =	swait.ge [sflag:s13], $0x13C0  }
0x107: {  	s9 =	sadd.s32 $0x1, s9;
	s12 =	rddreg [dreg:$0xb]  }
0x108: {  	p0 =	sne.s32 s9, s12  }
.Ltmp2:
0x109: {  	_ = 	snop;
	(pc) =	sbr.rel @p0 .LBB2_1-.Ltmp2, $3  }
0x10a: {  	_ =	sdelay $0x1  }
0x10b: {  	[sflag:s13] =	ssyncset.done $0x0  }
0x10c: {  	[sflag:s13] =	ssyncadd.s32 $0xFFFFEC40  }
0x10d: {  	_ =	sfence.sel $0x180000  }
0x10e: {  	[bflag:$0x0] =	sbarrier.arrive $0xFFFF  }
0x10f: {  	_ =	strace $0x9000004A  }
0x110: {  	s0 =	stileid.u32;
	[bflag:$0x2] =	sbarrier.arrive $0xFFFF  }
0x111: {  	p0 =	sne.s32 s0, $0x0;
	s0 =	rddreg [dreg:$0x4]  }
0x112: {  	s0 =	sadd.s32 @!p0 $0x100000, s0  }
0x113: {  	[sflag:s0] =	ssyncadd.tile.s32 @!p0 $0x1;
	_ =	shalt  }
.Lfunc_end2:
_tile_overlayer_lowered:
.L_overlay_start_2:
0x114: {  	(tag) =	ssettag $0x2  }
0x115: {  	s0 =	rddreg [dreg:$0x0];
	s2 =	stileid.u32  }
0x116: {  	s1 =	rddreg [dreg:$0x1];
	p0 =	sne.s32 s2, $0x0  }
0x117: {  	s3 =	rddreg [dreg:$0x2];
	[bflag:$0x3] =	sbarrier.arrive $0xFFFF;
	s2 =	simm.s32 @!p0 $0x1C09  }
0x118: {  	[timem:s3], [sflag:s2] =	dma.local @!p0 [hbm:s0], s1  }
0x119: {  	s0 =	simm.s32 @!p0 $0x9  }
0x11a: {  	_ =	swait.ge @!p0 [sflag:s0], s1  }
0x11b: {  	s1 =	ssub.s32 @!p0 $0x0, s1;
	[sflag:s0] =	ssyncset.done @!p0 $0x0  }
0x11c: {  	[sflag:s0] =	ssyncadd.s32 @!p0 s1  }
0x11d: {  	[bflag:$0x3] =	sbarrier.arrive $0xFFFF  }
0x11e: {  	_ =	shalt  }

// kernel: kernel.15.cloned.1.call-start
scs
__scs_entry_jumppad:
0x0: {  	(pc) =	sbr.rel $0x88, $3  }
0x1: {  	(tag) =	ssettag $0x0;
	lr =	simm.s32 $0x1  }
0x2: {  	[smem:$0x3F9B] =	sst lr;
	_ =	strace $0xD0000000  }
0x3: {  	_ = 	snop  }
0x4: {  	_ = 	snop  }
0x5: {  	_ = 	snop  }
0x6: {  	_ = 	snop  }
0x7: {  	_ = 	snop  }
__scs_overlays_trampoline_lowered:
0x8: {  	[smem:$0x3FAA] =	sst s0  }
0x9: {  	[smem:$0x3FAB] =	sst s1  }
0xa: {  	[smem:$0x3FAC] =	sst s2  }
0xb: {  	[smem:$0x3FAD] =	sst s3  }
0xc: {  	[smem:$0x3FAE] =	sst s4  }
0xd: {  	[smem:$0x3FAF] =	sst s5  }
0xe: {  	[smem:$0x3FB0] =	sst s6  }
0xf: {  	[smem:$0x3FB1] =	sst s7  }
0x10: {  	[smem:$0x3FB2] =	sst s8  }
0x11: {  	[smem:$0x3FB3] =	sst s9;
	s0 =	simm.s32 @!p0 $0x0  }
0x12: {  	s1 =	sld [smem:$0x3F99];
	s0 =	simm.s32 @p0 $0x1  }
0x13: {  	[smem:$0x3FB4] =	sst s0;
	s0 =	simm.s32 @!p1 $0x0  }
0x14: {  	s2 =	sld [smem:$0x3F98];
	s0 =	simm.s32 @p1 $0x1  }
0x15: {  	[smem:$0x3FB5] =	sst s0;
	s0 =	simm.s32 @!p2 $0x0  }
0x16: {  	s3 =	sld [smem:$0x3FDB];
	s0 =	simm.s32 @p2 $0x1  }
0x17: {  	s4 =	simm.s32 $0x1BF5;
	[smem:$0x3FB7] =	sst s0  }
0x18: {  	s0 =	sld [smem:$0x3F9A];
	_ =	swait.ge [sflag:s4], $0x0  }
0x19: {  	s7 =	sld [smem:$0x3F9B]  }
0x1a: {  	s8 =	sadd.s32 $0xFFFFE003, lr  }
0x1b: {  	s9 =	sadd.s32 $0xFFFFFEF7, lr;
	s5 =	simm.s32 $0xFFFFFFFF;
	p2 =	slt.u32 s8, $0xFFFFF086  }
0x1c: {  	p1 =	slt.u32 s9, $0xF7A;
	s5 =	simm.s32 @!p2 $0x0  }
0x1d: {  	s5 =	simm.s32 @p1 $0x1;
	p0 =	seq.s32 s7, s2  }
0x1e: {  	s7 =	smul.u32 @!p0 $0xF7A, s2;
	p2 =	seq.s32 @!p0 s5, $0x0  }
0x1f: {  	s9 =	smul.u32 $0xF7A, s1;
	s8 =	simm.s32 @!p0 $0x1BF5;
	p2 =	por !p2, p0  }
0x20: {  	[sflag:s8] =	ssyncset.s32 @!p0 $0xFFFFF086;
	s6 =	sadd.s32 @!p0 s3, s7;
	s7 =	simm.s32 @!p0 $0x108  }
0x21: {  	s3 =	sadd.s32 s3, s9;
	s6 =	sadd.s32 @!p0 $0x88, s6;
	s7 =	simm.s32 @p2 $0x1082  }
0x22: {  	[simem:s7], [sflag:s8] =	dma.local @!p0 [hbm:s6], $0xF7A  }
0x23: {  	s9 =	sor.u32 $0xD0000000, s2;
	s6 =	simm.s32 $0x108;
	_ =	swait.ge @!p0 [sflag:s8], $0x0  }
0x24: {  	s3 =	sadd.s32 $0x88, s3;
	s6 =	simm.s32 @!p1 $0x1082;
	[sflag:s4] =	ssyncset.s32 $0xFFFFF086  }
0x25: {  	[simem:s6], [sflag:s4] =	dma.local [hbm:s3], $0xF7A  }
0x26: {  	[smem:$0x3F9B] =	sst s1;
	(tag) =	ssettag s2;
	_ =	strace s9  }
0x27: {  	s1 =	sld [smem:$0x3FAB]  }
0x28: {  	s2 =	sld [smem:$0x3FAC]  }
0x29: {  	s4 =	sld [smem:$0x3FAE]  }
0x2a: {  	p0 =	seq.s32 s5, $0x0;
	s5 =	sld [smem:$0x3FAF]  }
0x2b: {  	s6 =	sld [smem:$0x3FB0]  }
0x2c: {  	s7 =	sld [smem:$0x3FB1]  }
0x2d: {  	s3 =	simm.s32 $0x108;
	s8 =	sld [smem:$0x3FB2]  }
0x2e: {  	s3 =	simm.s32 @!p0 $0x1082;
	s9 =	sld [smem:$0x3FB3]  }
0x2f: {  	lr =	sadd.s32 s0, s3;
	s0 =	sld [smem:$0x3FAA]  }
0x30: {  	s3 =	sld [smem:$0x3FAD]  }
0x31: {  	[smem:$0x3FB6] =	sst s10  }
0x32: {  	s10 =	sld [smem:$0x3FB4];
	_ =	sdelay $0x3  }
0x33: {  	p0 =	seq.s32 s10, $0x1;
	s10 =	sld [smem:$0x3FB6];
	_ =	sdelay $0x3  }
0x34: {  	[smem:$0x3FB6] =	sst s10  }
0x35: {  	s10 =	sld [smem:$0x3FB5];
	_ =	sdelay $0x3  }
0x36: {  	p1 =	seq.s32 s10, $0x1;
	s10 =	sld [smem:$0x3FB6];
	_ =	sdelay $0x3  }
0x37: {  	[smem:$0x3FB6] =	sst s10  }
0x38: {  	s10 =	sld [smem:$0x3FB7]  }
0x39: {  	_ = 	snop;
	(pc) =	sbr.ind lr, $3  }
0x3a: {  	_ = 	snop  }
0x3b: {  	_ = 	snop  }
0x3c: {  	p2 =	seq.s32 s10, $0x1;
	s10 =	sld [smem:$0x3FB6]  }
0x3d: {  	_ =	shalt  }
0x3e: {  	_ =	shalt  }
0x3f: {  	_ =	shalt  }
0x40: {  	_ =	shalt  }
0x41: {  	_ =	shalt  }
0x42: {  	_ =	shalt  }
0x43: {  	_ =	shalt  }
0x44: {  	_ =	shalt  }
0x45: {  	_ =	shalt  }
0x46: {  	_ =	shalt  }
0x47: {  	_ =	shalt  }
0x48: {  	_ =	shalt  }
0x49: {  	_ =	shalt  }
0x4a: {  	_ =	shalt  }
0x4b: {  	_ =	shalt  }
0x4c: {  	_ =	shalt  }
0x4d: {  	_ =	shalt  }
0x4e: {  	_ =	shalt  }
0x4f: {  	_ =	shalt  }
0x50: {  	_ =	shalt  }
0x51: {  	_ =	shalt  }
0x52: {  	_ =	shalt  }
0x53: {  	_ =	shalt  }
0x54: {  	_ =	shalt  }
0x55: {  	_ =	shalt  }
0x56: {  	_ =	shalt  }
0x57: {  	_ =	shalt  }
0x58: {  	_ =	shalt  }
0x59: {  	_ =	shalt  }
0x5a: {  	_ =	shalt  }
0x5b: {  	_ =	shalt  }
0x5c: {  	_ =	shalt  }
0x5d: {  	_ =	shalt  }
0x5e: {  	_ =	shalt  }
0x5f: {  	_ =	shalt  }
0x60: {  	_ =	shalt  }
0x61: {  	_ =	shalt  }
0x62: {  	_ =	shalt  }
0x63: {  	_ =	shalt  }
0x64: {  	_ =	shalt  }
0x65: {  	_ =	shalt  }
0x66: {  	_ =	shalt  }
0x67: {  	_ =	shalt  }
0x68: {  	_ =	shalt  }
0x69: {  	_ =	shalt  }
0x6a: {  	_ =	shalt  }
0x6b: {  	_ =	shalt  }
0x6c: {  	_ =	shalt  }
0x6d: {  	_ =	shalt  }
0x6e: {  	_ =	shalt  }
0x6f: {  	_ =	shalt  }
0x70: {  	_ =	shalt  }
0x71: {  	_ =	shalt  }
0x72: {  	_ =	shalt  }
0x73: {  	_ =	shalt  }
0x74: {  	_ =	shalt  }
0x75: {  	_ =	shalt  }
0x76: {  	_ =	shalt  }
0x77: {  	_ =	shalt  }
0x78: {  	_ =	shalt  }
0x79: {  	_ =	shalt  }
0x7a: {  	_ =	shalt  }
0x7b: {  	_ =	shalt  }
0x7c: {  	_ =	shalt  }
0x7d: {  	_ =	shalt  }
0x7e: {  	_ =	shalt  }
0x7f: {  	_ =	shalt  }
0x80: {  	_ =	shalt  }
0x81: {  	_ =	shalt  }
0x82: {  	_ =	shalt  }
0x83: {  	_ =	shalt  }
0x84: {  	_ =	shalt  }
0x85: {  	_ =	shalt  }
0x86: {  	_ =	shalt  }
0x87: {  	_ =	shalt  }
.Lfunc_end0:
.L_simem_size_0:
called_computation.2_lowered:
.L_overlay_start_0:
0x88: {  	s2 =	sld [smem:$0x3FD9]  }
0x89: {  	s3 =	sld [smem:$0x3FFE];
	_ =	sdelay $0x1  }
0x8a: {  	s1 =	srdreg.scid  }
0x8b: {  	s0 =	sand.u32 $0x1, s1  }
0x8c: {  	s17 =	sshll.u32 s0, $0xA;
	s2 =	sadd.s32 s3, s2  }
0x8d: {  	s2 =	sadd.s32 s2, s17  }
0x8e: {  	[smem:$0x3FC2] =	sst s2  }
0x8f: {  	_ = 	snop  }
0x90: {  	s2 =	sld [smem:$0x3FD0];
	(tm) =	ssettm $0x1  }
0x91: {  	s18 =	sld [smem:$0x3FFB];
	_ =	sdelay $0x3  }
0x92: {  	_ =	strace s18  }
0x93: {  	s3 =	sld [smem:$0x3FFC];
	_ =	sdelay $0x3  }
0x94: {  	_ =	strace s3  }
0x95: {  	s3 =	sld [smem:$0x3FFD];
	_ =	sdelay $0x3  }
0x96: {  	_ =	strace s3  }
0x97: {  	_ =	strace $0x8FFFFFFF  }
0x98: {  	s19 =	sld [smem:$0x3FDB];
	_ =	sdelay $0x1  }
0x99: {  	s4 =	simm.s32 $_scs_section_size  }
0x9a: {  	s5 =	simm.s32 $_size__tile_overlayer_lowered;
	s6 =	simm.s32 $_tile_overlayer_lowered  }
0x9b: {  	s22 =	simm.s32 $0x1BFF;
	s21 =	sshll.u32 s6, $0x1;
	s3 =	sadd.s32 s4, s19  }
0x9c: {  	s7 =	simm.s32 $0x0;
	s20 =	sshll.u32 s5, $0x1;
	s5 =	sadd.s32 s21, s3  }
0x9d: {  	[timem:s7], [sflag:s22] =	dma.local [hbm:s5], s20  }
0x9e: {  	_ =	swait.ge [sflag:s22], s20  }
0x9f: {  	s4 =	ssub.s32 $0x0, s20;
	[sflag:s22] =	ssyncset.done $0x0  }
0xa0: {  	[sflag:s22] =	ssyncadd.s32 s4;
	_ =	sdelay $0x1  }
0xa1: {  	s23 =	simm.s32 $0x1B8B  }
0xa2: {  	_ =	swait.ge [sflag:s23], $0x1  }
0xa3: {  	[sflag:s23] =	ssyncset.done $0x0  }
0xa4: {  	s25 =	simm.s32 $0x1B8E;
	s24 =	sld [smem:$0x3FFE];
	[sflag:s23] =	ssyncadd.s32 $0xFFFFFFFF  }
0xa5: {  	s26 =	simm.s32 $execute0_lowered;
	[smem:$0x3FD2] =	sst s25  }
0xa6: {  	s5 =	sshll.u32 s26, $0x1;
	_ =	strace $0x8000004C;
	[dreg:$0x1] =	wrdreg $0xFFFFFFFF  }
0xa7: {  	s28 =	simm.s32 $_size_execute0_lowered;
	s3 =	sadd.s32 s3, s5;
	[dreg:$0x0] =	wrdreg $0x0  }
0xa8: {  	s5 =	sshll.u32 s28, $0x1;
	[dreg:$0x2] =	wrdreg s3  }
0xa9: {  	[dreg:$0x3] =	wrdreg s5  }
0xaa: {  	[dreg:$0x4] =	wrdreg $0xC0  }
0xab: {  	_ =	task [dreg:s7], $0x5FFFF  }
0xac: {  	[dreg:$0x1] =	wrdreg $0xFFFFFFFF  }
0xad: {  	[dreg:$0x0] =	wrdreg $0x60  }
0xae: {  	[dreg:$0x2] =	wrdreg s2  }
0xaf: {  	[dreg:$0x3] =	wrdreg s24  }
0xb0: {  	[dreg:$0x4] =	wrdreg $0x15E800  }
0xb1: {  	[dreg:$0x5] =	wrdreg $0xC0800  }
0xb2: {  	[dreg:$0x6] =	wrdreg $0x9  }
0xb3: {  	_ =	task.clear_ibuf [dreg:s7], $0x7FFFF;
	_ =	strace $0x9000004C  }
0xb4: {  	s29 =	simm.s32 $0x9;
	_ =	strace $0x8000004E  }
0xb5: {  	_ =	swait.ge [sflag:s29], $0x1  }
0xb6: {  	[sflag:s29] =	ssyncadd.s32 $0xFFFFFFFF  }
0xb7: {  	_ =	strace $0x9000004E  }
0xb8: {  	_ =	sfence  }
0xb9: {  	s30 =	sld [smem:$0x0];
	_ =	sdelay $0x2  }
0xba: {  	s31 =	sshll.u32 s1, $0xD;
	s1 =	sshrl.u32 s1, $0x2  }
0xbb: {  	s3 =	sand.u32 $0x4000, s31;
	s1 =	sadd.s32 s1, s30  }
0xbc: {  	s0 =	sor.u32 s3, s0;
	s1 =	sshll.u32 s1, $0x11  }
0xbd: {  	s0 =	sor.u32 s1, s0  }
0xbe: {  	s0 =	sadd.s32 $0x8F2B, s0  }
0xbf: {  	[sflag:s0] =	ssyncadd.remote.s32 $0x1  }
0xc0: {  	_ =	sfence.sel $0xFFFF  }
0xc1: {  	[dreg:$0x0] =	wrdreg $0xFFFFFFFF;
	(pc) =	sbr.abs _section_cstart, $3  }
0xc2: {  	[dreg:$0x1] =	wrdreg $0xFFFFFFFF  }
0xc3: {  	_ =	task.clear_ibuf [dreg:s7], $0x2FFFF;
	_ =	strace $0x9FFFFFFF  }
0xc4: {  	(tm) =	ssettm $0x7FFFFFFF  }
0xc5: {  	_ =	shalt  }
tec
execute0_lowered:
.L_overlay_start_1:
0x0: {  	(tag) =	ssettag $0x1  }
0x1: {  	s0 =	srdreg.scid;
	s1 =	rddreg [dreg:$0x0]  }
0x2: {  	s5 =	rddreg [dreg:$0x1];
	s13 =	stileid.u32  }
0x3: {  	s2 =	rddreg [dreg:$0x2];
	s16 =	simm.s32 $0x70;
	s17 =	simm.s32 $0x5080  }
0x4: {  	s18 =	simm.s32 $0x6C80;
	s19 =	simm.s32 $0x1;
	s21 =	simm.s32 $0x8880  }
0x5: {  	s22 =	simm.s32 $0x2;
	s28 =	simm.s32 $0x5;
	s29 =	simm.s32 $0x4  }
0x6: {  	s30 =	simm.s32 $0x6;
	s31 =	simm.s32 $0x7;
	s23 =	simm.s32 $0x0  }
0x7: {  	s0 =	sand.u32 $0x1, s0;
	s8 =	smul.u32 $0x9E00, s13;
	s26 =	sshll.u32 s13, $0x6  }
0x8: {  	s3 =	sshll.u32 s0, $0x4;
	s7 =	smul.u32 $0x9E000, s0;
	s0 =	ssub.s32 $0x2, s0  }
0x9: {  	s4 =	sor.u32 s13, s3;
	s3 =	rddreg [dreg:$0x3];
	s9 =	sshrl.u32 s8, $0x3  }
0xa: {  	s10 =	sshrl.u32 s0, $0x1;
	s14 =	sadd.s32 s8, s2;
	s13 =	sor.u32 $0x1C09, s26  }
0xb: {  	s26 =	simm.s32 $0x3;
	s6 =	smul.u32 $0x508, s4;
	s4 =	simm.s32 $0x0  }
0xc: {  	s7 =	sadd.s32 s8, s7;
	s11 =	sadd.s32 s9, s5;
	s0 =	ssub.s32 s0, s10  }
0xd: {  	s25 =	sadd.s32 s8, s3;
	s14 =	sshrl.u32 s14, $0x3;
	[smem:$0x7FF] =	sst s4  }
0xe: {  	s7 =	sshrl.u32 s7, $0x3;
	s8 =	sadd.s32 $0x87800, s11;
	s10 =	smax.u32 s0, $0x1  }
0xf: {  	s11 =	simm.s32 $0x9;
	s15 =	sshrl.u32 s25, $0x3;
	s25 =	simm.s32 $0xA480  }
0x10: {  	_ =	strace $0x8000004D;
	s6 =	sadd.s32 s6, s5;
	s12 =	sadd.s32 s7, s5  }
0x11: {  	s7 =	sadd.s32 s1, s9;
	s1 =	simm.s32 $0x8;
	s5 =	sadd.s32 $0x1AA00, s6  }
0x12: {  	s6 =	sadd.s32 $0x10800, s6;
	s9 =	sadd.s32 $0x9B400, s12;
	s12 =	simm.s32 $0x2840  }
.LBB2_1:
0x13: {  	[tilespmem:s4], [sflag:$0x9] =	stream.linear.gather [hbm4b:s5+s4], $0x2840, $0x38;
	[tilespmem:$0x1FC80] =	vst v63  }
0x14: {  	_ =	swait.ge [sflag:s11], $0x2840  }
0x15: {  	[sflag:s11] =	ssyncset.done $0x0  }
0x16: {  	[sflag:s11] =	ssyncadd.s32 $0xFFFFD7C0  }
0x17: {  	[tilespmem:s12], [sflag:$0x9] =	stream.linear.gather [hbm4b:s6+s4], $0x2840, $0x38;
	[tilespmem:$0x1FC80] =	vst v63  }
0x18: {  	_ =	swait.ge [sflag:s11], $0x2840  }
0x19: {  	[sflag:s11] =	ssyncset.done $0x0  }
0x1a: {  	[sflag:s11] =	ssyncadd.s32 $0xFFFFD7C0  }
0x1b: {  	[spmem:s14], [sflag:s13] =	dma.local [hbm:s7], $0x13C0  }
0x1c: {  	_ =	swait.ge [sflag:s11], $0x13C0  }
0x1d: {  	[sflag:s11] =	ssyncset.done $0x0  }
0x1e: {  	[sflag:s11] =	ssyncadd.s32 $0xFFFFEC40  }
0x1f: {  	[spmem:s15], [sflag:s13] =	dma.local [hbm:s8], $0x13C0  }
0x20: {  	_ =	swait.ge [sflag:s11], $0x13C0  }
0x21: {  	[sflag:s11] =	ssyncset.done $0x0  }
0x22: {  	[sflag:s11] =	ssyncadd.s32 $0xFFFFEC40  }
0x23: {  	[bflag:$0x0] =	sbarrier.arrive $0xFFFF  }
0x24: {  	[tilespmem:s17], [sflag:$0x1] =	stream.indirect.gather [spmem:s2], $0x40, s4, s16, $0xb8;
	[tilespmem:$0x1FC80] =	vst v63  }
0x25: {  	_ = 	snop  }
0x26: {  	[tilespmem:s18], [sflag:$0x2] =	stream.indirect.gather [spmem:s2], $0x40, s16, s16, $0xb8;
	[tilespmem:$0x1FC80] =	vst v63  }
0x27: {  	_ =	swait.ge [sflag:s19], $0x1C00  }
0x28: {  	[sflag:s19] =	ssyncset.done $0x0  }
0x29: {  	[sflag:s19] =	ssyncadd.s32 $0xFFFFE400  }
0x2a: {  	[spmem:s3] =	stream.indirect.scatter.add.f32 [tilespmem:s17], [sflag:$0x5], $0x40, s12, s16, $0xb8;
	[tilespmem:$0x1FC80] =	vst v63  }
0x2b: {  	s0 =	simm.s32 $0xE0  }
0x2c: {  	[tilespmem:s21], [sflag:$0x3] =	stream.indirect.gather [spmem:s2], $0x40, s0, s16, $0xb8;
	[tilespmem:$0x1FC80] =	vst v63  }
0x2d: {  	_ =	swait.ge [sflag:s22], $0x1C00  }
0x2e: {  	[sflag:s22] =	ssyncset.done $0x0  }
0x2f: {  	s24 =	simm.s32 $0x28B0;
	[sflag:s22] =	ssyncadd.s32 $0xFFFFE400  }
0x30: {  	[spmem:s3] =	stream.indirect.scatter.add.f32 [tilespmem:s18], [sflag:$0x6], $0x40, s24, s16, $0xb8;
	[tilespmem:$0x1FC80] =	vst v63  }
0x31: {  	s20 =	simm.s32 $0x150  }
0x32: {  	[tilespmem:s25], [sflag:$0x4] =	stream.indirect.gather [spmem:s2], $0x40, s20, s16, $0xb8;
	[tilespmem:$0x1FC80] =	vst v63  }
0x33: {  	_ =	swait.ge [sflag:s26], $0x1C00  }
0x34: {  	[sflag:s26] =	ssyncset.done $0x0  }
0x35: {  	s24 =	simm.s32 $0x2920;
	[sflag:s26] =	ssyncadd.s32 $0xFFFFE400  }
0x36: {  	[spmem:s3] =	stream.indirect.scatter.add.f32 [tilespmem:s21], [sflag:$0x7], $0x40, s24, s16, $0xb8;
	[tilespmem:$0x1FC80] =	vst v63  }
0x37: {  	_ =	swait.ge [sflag:s28], $0x1C00  }
0x38: {  	[sflag:s28] =	ssyncset.done $0x0  }
0x39: {  	s20 =	simm.s32 $0x1C0;
	[sflag:s28] =	ssyncadd.s32 $0xFFFFE400  }
0x3a: {  	[tilespmem:s17], [sflag:$0x1] =	stream.indirect.gather [spmem:s2], $0x40, s20, s16, $0xb8;
	[tilespmem:$0x1FC80] =	vst v63  }
0x3b: {  	_ =	swait.ge [sflag:s29], $0x1C00  }
0x3c: {  	[sflag:s29] =	ssyncset.done $0x0  }
0x3d: {  	s24 =	simm.s32 $0x2990;
	[sflag:s29] =	ssyncadd.s32 $0xFFFFE400  }
0x3e: {  	[spmem:s3] =	stream.indirect.scatter.add.f32 [tilespmem:s25], [sflag:$0x8], $0x40, s24, s16, $0xb8;
	[tilespmem:$0x1FC80] =	vst v63  }
0x3f: {  	_ =	swait.ge [sflag:s30], $0x1C00  }
0x40: {  	[sflag:s30] =	ssyncset.done $0x0  }
0x41: {  	s20 =	simm.s32 $0x230;
	[sflag:s30] =	ssyncadd.s32 $0xFFFFE400  }
0x42: {  	[tilespmem:s18], [sflag:$0x2] =	stream.indirect.gather [spmem:s2], $0x40, s20, s16, $0xb8;
	[tilespmem:$0x1FC80] =	vst v63  }
0x43: {  	_ =	swait.ge [sflag:s19], $0x1C00  }
0x44: {  	[sflag:s19] =	ssyncset.done $0x0  }
0x45: {  	s24 =	simm.s32 $0x2A00;
	[sflag:s19] =	ssyncadd.s32 $0xFFFFE400  }
0x46: {  	[spmem:s3] =	stream.indirect.scatter.add.f32 [tilespmem:s17], [sflag:$0x5], $0x40, s24, s16, $0xb8;
	[tilespmem:$0x1FC80] =	vst v63  }
0x47: {  	_ =	swait.ge [sflag:s31], $0x1C00  }
0x48: {  	[sflag:s31] =	ssyncset.done $0x0  }
0x49: {  	s20 =	simm.s32 $0x2A0;
	[sflag:s31] =	ssyncadd.s32 $0xFFFFE400  }
0x4a: {  	[tilespmem:s21], [sflag:$0x3] =	stream.indirect.gather [spmem:s2], $0x40, s20, s16, $0xb8;
	[tilespmem:$0x1FC80] =	vst v63  }
0x4b: {  	_ =	swait.ge [sflag:s22], $0x1C00  }
0x4c: {  	[sflag:s22] =	ssyncset.done $0x0  }
0x4d: {  	s24 =	simm.s32 $0x2A70;
	[sflag:s22] =	ssyncadd.s32 $0xFFFFE400  }
0x4e: {  	[spmem:s3] =	stream.indirect.scatter.add.f32 [tilespmem:s18], [sflag:$0x6], $0x40, s24, s16, $0xb8;
	[tilespmem:$0x1FC80] =	vst v63  }
0x4f: {  	_ =	swait.ge [sflag:s1], $0x1C00  }
0x50: {  	[sflag:s1] =	ssyncset.done $0x0  }
0x51: {  	s0 =	simm.s32 $0x310;
	s24 =	simm.s32 $0x700;
	[sflag:s1] =	ssyncadd.s32 $0xFFFFE400  }
.LBB2_2:
0x52: {  	[tilespmem:s25], [sflag:$0x4] =	stream.indirect.gather [spmem:s2], $0x40, s0, s16, $0xb8;
	[tilespmem:$0x1FC80] =	vst v63  }
0x53: {  	s0 =	smov.u32 s24  }
0x54: {  	p0 =	sne.s32 s24, $0x9300;
	s24 =	sadd.s32 $0x700, s24;
	_ =	swait.ge [sflag:s26], $0x1C00  }
0x55: {  	s0 =	sshra.s32 s0, $0x2;
	[sflag:s26] =	ssyncset.done $0x0  }
0x56: {  	s20 =	sadd.s32 $0x2920, s0;
	[sflag:s26] =	ssyncadd.s32 $0xFFFFE400  }
0x57: {  	[spmem:s3] =	stream.indirect.scatter.add.f32 [tilespmem:s21], [sflag:$0x7], $0x40, s20, s16, $0xb8;
	[tilespmem:$0x1FC80] =	vst v63  }
0x58: {  	_ =	swait.ge [sflag:s28], $0x1C00  }
0x59: {  	[sflag:s28] =	ssyncset.done $0x0  }
0x5a: {  	s20 =	sadd.s32 $0x1C0, s0;
	[sflag:s28] =	ssyncadd.s32 $0xFFFFE400  }
0x5b: {  	[tilespmem:s17], [sflag:$0x1] =	stream.indirect.gather [spmem:s2], $0x40, s20, s16, $0xb8;
	[tilespmem:$0x1FC80] =	vst v63  }
0x5c: {  	_ =	swait.ge [sflag:s29], $0x1C00  }
0x5d: {  	[sflag:s29] =	ssyncset.done $0x0  }
0x5e: {  	s20 =	sadd.s32 $0x2990, s0;
	[sflag:s29] =	ssyncadd.s32 $0xFFFFE400  }
0x5f: {  	[spmem:s3] =	stream.indirect.scatter.add.f32 [tilespmem:s25], [sflag:$0x8], $0x40, s20, s16, $0xb8;
	[tilespmem:$0x1FC80] =	vst v63  }
0x60: {  	_ =	swait.ge [sflag:s30], $0x1C00  }
0x61: {  	[sflag:s30] =	ssyncset.done $0x0  }
0x62: {  	s20 =	sadd.s32 $0x230, s0;
	[sflag:s30] =	ssyncadd.s32 $0xFFFFE400  }
0x63: {  	[tilespmem:s18], [sflag:$0x2] =	stream.indirect.gather [spmem:s2], $0x40, s20, s16, $0xb8;
	[tilespmem:$0x1FC80] =	vst v63  }
0x64: {  	_ =	swait.ge [sflag:s19], $0x1C00  }
0x65: {  	[sflag:s19] =	ssyncset.done $0x0  }
0x66: {  	s20 =	sadd.s32 $0x2A00, s0;
	[sflag:s19] =	ssyncadd.s32 $0xFFFFE400  }
0x67: {  	[spmem:s3] =	stream.indirect.scatter.add.f32 [tilespmem:s17], [sflag:$0x5], $0x40, s20, s16, $0xb8;
	[tilespmem:$0x1FC80] =	vst v63  }
0x68: {  	_ =	swait.ge [sflag:s31], $0x1C00  }
0x69: {  	[sflag:s31] =	ssyncset.done $0x0  }
0x6a: {  	s20 =	sadd.s32 $0x2A0, s0;
	[sflag:s31] =	ssyncadd.s32 $0xFFFFE400  }
0x6b: {  	[tilespmem:s21], [sflag:$0x3] =	stream.indirect.gather [spmem:s2], $0x40, s20, s16, $0xb8;
	[tilespmem:$0x1FC80] =	vst v63  }
0x6c: {  	_ =	swait.ge [sflag:s22], $0x1C00  }
0x6d: {  	[sflag:s22] =	ssyncset.done $0x0  }
.Ltmp0:
0x6e: {  	s20 =	sadd.s32 $0x2A70, s0;
	[sflag:s22] =	ssyncadd.s32 $0xFFFFE400;
	(pc) =	sbr.rel @p0 .LBB2_2-.Ltmp0, $4  }
0x6f: {  	[spmem:s3] =	stream.indirect.scatter.add.f32 [tilespmem:s18], [sflag:$0x6], $0x40, s20, s16, $0xb8;
	[tilespmem:$0x1FC80] =	vst v63  }
0x70: {  	_ =	swait.ge [sflag:s1], $0x1C00  }
0x71: {  	[sflag:s1] =	ssyncset.done $0x0  }
0x72: {  	s0 =	sadd.s32 $0x310, s0;
	[sflag:s1] =	ssyncadd.s32 $0xFFFFE400  }
0x73: {  	[tilespmem:s25], [sflag:$0x4] =	stream.indirect.gather [spmem:s2], $0x40, s0, s16, $0xb8;
	[tilespmem:$0x1FC80] =	vst v63  }
0x74: {  	_ =	swait.ge [sflag:s26], $0x1C00  }
0x75: {  	[sflag:s26] =	ssyncset.done $0x0  }
0x76: {  	s20 =	simm.s32 $0x4FA0;
	[sflag:s26] =	ssyncadd.s32 $0xFFFFE400  }
0x77: {  	[spmem:s3] =	stream.indirect.scatter.add.f32 [tilespmem:s21], [sflag:$0x7], $0x40, s20, s16, $0xb8;
	[tilespmem:$0x1FC80] =	vst v63  }
0x78: {  	_ =	swait.ge [sflag:s28], $0x1C00  }
0x79: {  	[sflag:s28] =	ssyncset.done $0x0  }
0x7a: {  	[sflag:s28] =	ssyncadd.s32 $0xFFFFE400  }
0x7b: {  	_ =	swait.ge [sflag:s29], $0x1C00  }
0x7c: {  	[sflag:s29] =	ssyncset.done $0x0  }
0x7d: {  	s24 =	simm.s32 $0x5010;
	[sflag:s29] =	ssyncadd.s32 $0xFFFFE400  }
0x7e: {  	[spmem:s3] =	stream.indirect.scatter.add.f32 [tilespmem:s25], [sflag:$0x8], $0x40, s24, s16, $0xb8;
	[tilespmem:$0x1FC80] =	vst v63  }
0x7f: {  	_ =	swait.ge [sflag:s30], $0x1C00  }
0x80: {  	[sflag:s30] =	ssyncset.done $0x0  }
0x81: {  	[sflag:s30] =	ssyncadd.s32 $0xFFFFE400  }
0x82: {  	_ =	swait.ge [sflag:s31], $0x1C00  }
0x83: {  	[sflag:s31] =	ssyncset.done $0x0  }
0x84: {  	[sflag:s31] =	ssyncadd.s32 $0xFFFFE400  }
0x85: {  	_ =	swait.ge [sflag:s1], $0x1C00  }
0x86: {  	s23 =	sadd.s32 $0x1, s23;
	[sflag:s1] =	ssyncset.done $0x0  }
0x87: {  	p0 =	sne.s32 s23, s10;
	[sflag:s1] =	ssyncadd.s32 $0xFFFFE400  }
.Ltmp1:
0x88: {  	[bflag:$0x0] =	sbarrier.arrive $0xFFFF;
	(pc) =	sbr.rel @p0 .LBB2_1-.Ltmp1, $4  }
0x89: {  	[hbm:s9], [sflag:s13] =	dma.local [spmem:s15], $0x13C0  }
0x8a: {  	_ =	swait.ge [sflag:s11], $0x13C0  }
0x8b: {  	[sflag:s11] =	ssyncset.done $0x0  }
0x8c: {  	[sflag:s11] =	ssyncadd.s32 $0xFFFFEC40  }
0x8d: {  	_ =	sfence.sel $0x180000  }
0x8e: {  	[bflag:$0x0] =	sbarrier.arrive $0xFFFF  }
0x8f: {  	_ =	strace $0x9000004D  }
0x90: {  	s0 =	stileid.u32;
	[bflag:$0x2] =	sbarrier.arrive $0xFFFF  }
0x91: {  	p0 =	sne.s32 s0, $0x0;
	s0 =	rddreg [dreg:$0x4]  }
0x92: {  	s0 =	sadd.s32 @!p0 $0x100000, s0  }
0x93: {  	[sflag:s0] =	ssyncadd.tile.s32 @!p0 $0x1;
	_ =	shalt  }
.Lfunc_end2:
_tile_overlayer_lowered:
.L_overlay_start_2:
0x94: {  	(tag) =	ssettag $0x2  }
0x95: {  	s0 =	rddreg [dreg:$0x0];
	s2 =	stileid.u32  }
0x96: {  	s1 =	rddreg [dreg:$0x1];
	p0 =	sne.s32 s2, $0x0  }
0x97: {  	s3 =	rddreg [dreg:$0x2];
	[bflag:$0x3] =	sbarrier.arrive $0xFFFF;
	s2 =	simm.s32 @!p0 $0x1C09  }
0x98: {  	[timem:s3], [sflag:s2] =	dma.local @!p0 [hbm:s0], s1  }
0x99: {  	s0 =	simm.s32 @!p0 $0x9  }
0x9a: {  	_ =	swait.ge @!p0 [sflag:s0], s1  }
0x9b: {  	s1 =	ssub.s32 @!p0 $0x0, s1;
	[sflag:s0] =	ssyncset.done @!p0 $0x0  }
0x9c: {  	[sflag:s0] =	ssyncadd.s32 @!p0 s1  }
0x9d: {  	[bflag:$0x3] =	sbarrier.arrive $0xFFFF  }
0x9e: {  	_ =	shalt  }

// kernel: kernel.9.cloned.1.call-start
scs
__scs_entry_jumppad:
0x0: {  	(pc) =	sbr.rel $0x88, $3  }
0x1: {  	(tag) =	ssettag $0x0;
	lr =	simm.s32 $0x1  }
0x2: {  	[smem:$0x3F9B] =	sst lr;
	_ =	strace $0xD0000000  }
0x3: {  	_ = 	snop  }
0x4: {  	_ = 	snop  }
0x5: {  	_ = 	snop  }
0x6: {  	_ = 	snop  }
0x7: {  	_ = 	snop  }
__scs_overlays_trampoline_lowered:
0x8: {  	[smem:$0x3FAA] =	sst s0  }
0x9: {  	[smem:$0x3FAB] =	sst s1  }
0xa: {  	[smem:$0x3FAC] =	sst s2  }
0xb: {  	[smem:$0x3FAD] =	sst s3  }
0xc: {  	[smem:$0x3FAE] =	sst s4  }
0xd: {  	[smem:$0x3FAF] =	sst s5  }
0xe: {  	[smem:$0x3FB0] =	sst s6  }
0xf: {  	[smem:$0x3FB1] =	sst s7  }
0x10: {  	[smem:$0x3FB2] =	sst s8  }
0x11: {  	[smem:$0x3FB3] =	sst s9;
	s0 =	simm.s32 @!p0 $0x0  }
0x12: {  	s1 =	sld [smem:$0x3F99];
	s0 =	simm.s32 @p0 $0x1  }
0x13: {  	[smem:$0x3FB4] =	sst s0;
	s0 =	simm.s32 @!p1 $0x0  }
0x14: {  	s2 =	sld [smem:$0x3F98];
	s0 =	simm.s32 @p1 $0x1  }
0x15: {  	[smem:$0x3FB5] =	sst s0;
	s0 =	simm.s32 @!p2 $0x0  }
0x16: {  	s3 =	sld [smem:$0x3FDB];
	s0 =	simm.s32 @p2 $0x1  }
0x17: {  	s4 =	simm.s32 $0x1BF5;
	[smem:$0x3FB7] =	sst s0  }
0x18: {  	s0 =	sld [smem:$0x3F9A];
	_ =	swait.ge [sflag:s4], $0x0  }
0x19: {  	s7 =	sld [smem:$0x3F9B]  }
0x1a: {  	s8 =	sadd.s32 $0xFFFFE003, lr  }
0x1b: {  	s9 =	sadd.s32 $0xFFFFFEF7, lr;
	s5 =	simm.s32 $0xFFFFFFFF;
	p2 =	slt.u32 s8, $0xFFFFF086  }
0x1c: {  	p1 =	slt.u32 s9, $0xF7A;
	s5 =	simm.s32 @!p2 $0x0  }
0x1d: {  	s5 =	simm.s32 @p1 $0x1;
	p0 =	seq.s32 s7, s2  }
0x1e: {  	s7 =	smul.u32 @!p0 $0xF7A, s2;
	p2 =	seq.s32 @!p0 s5, $0x0  }
0x1f: {  	s9 =	smul.u32 $0xF7A, s1;
	s8 =	simm.s32 @!p0 $0x1BF5;
	p2 =	por !p2, p0  }
0x20: {  	[sflag:s8] =	ssyncset.s32 @!p0 $0xFFFFF086;
	s6 =	sadd.s32 @!p0 s3, s7;
	s7 =	simm.s32 @!p0 $0x108  }
0x21: {  	s3 =	sadd.s32 s3, s9;
	s6 =	sadd.s32 @!p0 $0x88, s6;
	s7 =	simm.s32 @p2 $0x1082  }
0x22: {  	[simem:s7], [sflag:s8] =	dma.local @!p0 [hbm:s6], $0xF7A  }
0x23: {  	s9 =	sor.u32 $0xD0000000, s2;
	s6 =	simm.s32 $0x108;
	_ =	swait.ge @!p0 [sflag:s8], $0x0  }
0x24: {  	s3 =	sadd.s32 $0x88, s3;
	s6 =	simm.s32 @!p1 $0x1082;
	[sflag:s4] =	ssyncset.s32 $0xFFFFF086  }
0x25: {  	[simem:s6], [sflag:s4] =	dma.local [hbm:s3], $0xF7A  }
0x26: {  	[smem:$0x3F9B] =	sst s1;
	(tag) =	ssettag s2;
	_ =	strace s9  }
0x27: {  	s1 =	sld [smem:$0x3FAB]  }
0x28: {  	s2 =	sld [smem:$0x3FAC]  }
0x29: {  	s4 =	sld [smem:$0x3FAE]  }
0x2a: {  	p0 =	seq.s32 s5, $0x0;
	s5 =	sld [smem:$0x3FAF]  }
0x2b: {  	s6 =	sld [smem:$0x3FB0]  }
0x2c: {  	s7 =	sld [smem:$0x3FB1]  }
0x2d: {  	s3 =	simm.s32 $0x108;
	s8 =	sld [smem:$0x3FB2]  }
0x2e: {  	s3 =	simm.s32 @!p0 $0x1082;
	s9 =	sld [smem:$0x3FB3]  }
0x2f: {  	lr =	sadd.s32 s0, s3;
	s0 =	sld [smem:$0x3FAA]  }
0x30: {  	s3 =	sld [smem:$0x3FAD]  }
0x31: {  	[smem:$0x3FB6] =	sst s10  }
0x32: {  	s10 =	sld [smem:$0x3FB4];
	_ =	sdelay $0x3  }
0x33: {  	p0 =	seq.s32 s10, $0x1;
	s10 =	sld [smem:$0x3FB6];
	_ =	sdelay $0x3  }
0x34: {  	[smem:$0x3FB6] =	sst s10  }
0x35: {  	s10 =	sld [smem:$0x3FB5];
	_ =	sdelay $0x3  }
0x36: {  	p1 =	seq.s32 s10, $0x1;
	s10 =	sld [smem:$0x3FB6];
	_ =	sdelay $0x3  }
0x37: {  	[smem:$0x3FB6] =	sst s10  }
0x38: {  	s10 =	sld [smem:$0x3FB7]  }
0x39: {  	_ = 	snop;
	(pc) =	sbr.ind lr, $3  }
0x3a: {  	_ = 	snop  }
0x3b: {  	_ = 	snop  }
0x3c: {  	p2 =	seq.s32 s10, $0x1;
	s10 =	sld [smem:$0x3FB6]  }
0x3d: {  	_ =	shalt  }
0x3e: {  	_ =	shalt  }
0x3f: {  	_ =	shalt  }
0x40: {  	_ =	shalt  }
0x41: {  	_ =	shalt  }
0x42: {  	_ =	shalt  }
0x43: {  	_ =	shalt  }
0x44: {  	_ =	shalt  }
0x45: {  	_ =	shalt  }
0x46: {  	_ =	shalt  }
0x47: {  	_ =	shalt  }
0x48: {  	_ =	shalt  }
0x49: {  	_ =	shalt  }
0x4a: {  	_ =	shalt  }
0x4b: {  	_ =	shalt  }
0x4c: {  	_ =	shalt  }
0x4d: {  	_ =	shalt  }
0x4e: {  	_ =	shalt  }
0x4f: {  	_ =	shalt  }
0x50: {  	_ =	shalt  }
0x51: {  	_ =	shalt  }
0x52: {  	_ =	shalt  }
0x53: {  	_ =	shalt  }
0x54: {  	_ =	shalt  }
0x55: {  	_ =	shalt  }
0x56: {  	_ =	shalt  }
0x57: {  	_ =	shalt  }
0x58: {  	_ =	shalt  }
0x59: {  	_ =	shalt  }
0x5a: {  	_ =	shalt  }
0x5b: {  	_ =	shalt  }
0x5c: {  	_ =	shalt  }
0x5d: {  	_ =	shalt  }
0x5e: {  	_ =	shalt  }
0x5f: {  	_ =	shalt  }
0x60: {  	_ =	shalt  }
0x61: {  	_ =	shalt  }
0x62: {  	_ =	shalt  }
0x63: {  	_ =	shalt  }
0x64: {  	_ =	shalt  }
0x65: {  	_ =	shalt  }
0x66: {  	_ =	shalt  }
0x67: {  	_ =	shalt  }
0x68: {  	_ =	shalt  }
0x69: {  	_ =	shalt  }
0x6a: {  	_ =	shalt  }
0x6b: {  	_ =	shalt  }
0x6c: {  	_ =	shalt  }
0x6d: {  	_ =	shalt  }
0x6e: {  	_ =	shalt  }
0x6f: {  	_ =	shalt  }
0x70: {  	_ =	shalt  }
0x71: {  	_ =	shalt  }
0x72: {  	_ =	shalt  }
0x73: {  	_ =	shalt  }
0x74: {  	_ =	shalt  }
0x75: {  	_ =	shalt  }
0x76: {  	_ =	shalt  }
0x77: {  	_ =	shalt  }
0x78: {  	_ =	shalt  }
0x79: {  	_ =	shalt  }
0x7a: {  	_ =	shalt  }
0x7b: {  	_ =	shalt  }
0x7c: {  	_ =	shalt  }
0x7d: {  	_ =	shalt  }
0x7e: {  	_ =	shalt  }
0x7f: {  	_ =	shalt  }
0x80: {  	_ =	shalt  }
0x81: {  	_ =	shalt  }
0x82: {  	_ =	shalt  }
0x83: {  	_ =	shalt  }
0x84: {  	_ =	shalt  }
0x85: {  	_ =	shalt  }
0x86: {  	_ =	shalt  }
0x87: {  	_ =	shalt  }
.Lfunc_end0:
.L_simem_size_0:
called_computation_lowered:
.L_overlay_start_0:
0x88: {  	s2 =	sld [smem:$0x3FD9]  }
0x89: {  	s3 =	sld [smem:$0x3FFE];
	_ =	sdelay $0x1  }
0x8a: {  	s1 =	srdreg.scid  }
0x8b: {  	s0 =	sand.u32 $0x1, s1  }
0x8c: {  	s17 =	sshll.u32 s0, $0xA;
	s2 =	sadd.s32 s3, s2  }
0x8d: {  	s2 =	sadd.s32 s2, s17  }
0x8e: {  	[smem:$0x3FC2] =	sst s2  }
0x8f: {  	_ = 	snop  }
0x90: {  	s2 =	sld [smem:$0x3FD0];
	(tm) =	ssettm $0x1  }
0x91: {  	s18 =	sld [smem:$0x3FFB];
	_ =	sdelay $0x3  }
0x92: {  	_ =	strace s18  }
0x93: {  	s3 =	sld [smem:$0x3FFC];
	_ =	sdelay $0x3  }
0x94: {  	_ =	strace s3  }
0x95: {  	s3 =	sld [smem:$0x3FFD];
	_ =	sdelay $0x3  }
0x96: {  	_ =	strace s3  }
0x97: {  	_ =	strace $0x8FFFFFFF  }
0x98: {  	s19 =	sld [smem:$0x3FDB];
	_ =	sdelay $0x1  }
0x99: {  	s4 =	simm.s32 $_scs_section_size  }
0x9a: {  	s5 =	simm.s32 $_size__tile_overlayer_lowered;
	s6 =	simm.s32 $_tile_overlayer_lowered  }
0x9b: {  	s22 =	simm.s32 $0x1BFF;
	s21 =	sshll.u32 s6, $0x1;
	s3 =	sadd.s32 s4, s19  }
0x9c: {  	s7 =	simm.s32 $0x0;
	s20 =	sshll.u32 s5, $0x1;
	s5 =	sadd.s32 s21, s3  }
0x9d: {  	[timem:s7], [sflag:s22] =	dma.local [hbm:s5], s20  }
0x9e: {  	_ =	swait.ge [sflag:s22], s20  }
0x9f: {  	s4 =	ssub.s32 $0x0, s20;
	[sflag:s22] =	ssyncset.done $0x0  }
0xa0: {  	[sflag:s22] =	ssyncadd.s32 s4;
	_ =	sdelay $0x1  }
0xa1: {  	s23 =	simm.s32 $0x1B8B  }
0xa2: {  	_ =	swait.ge [sflag:s23], $0x1  }
0xa3: {  	[sflag:s23] =	ssyncset.done $0x0  }
0xa4: {  	s25 =	simm.s32 $0x1B8E;
	s24 =	sld [smem:$0x3FFE];
	[sflag:s23] =	ssyncadd.s32 $0xFFFFFFFF  }
0xa5: {  	s26 =	simm.s32 $execute0_lowered;
	[smem:$0x3FD2] =	sst s25  }
0xa6: {  	s5 =	sshll.u32 s26, $0x1;
	_ =	strace $0x80000046;
	[dreg:$0x1] =	wrdreg $0xFFFFFFFF  }
0xa7: {  	s28 =	simm.s32 $_size_execute0_lowered;
	s3 =	sadd.s32 s3, s5;
	[dreg:$0x0] =	wrdreg $0x0  }
0xa8: {  	s5 =	sshll.u32 s28, $0x1;
	[dreg:$0x2] =	wrdreg s3  }
0xa9: {  	[dreg:$0x3] =	wrdreg s5  }
0xaa: {  	[dreg:$0x4] =	wrdreg $0xC0  }
0xab: {  	_ =	task [dreg:s7], $0x5FFFF  }
0xac: {  	[dreg:$0x1] =	wrdreg $0xFFFFFFFF  }
0xad: {  	[dreg:$0x0] =	wrdreg $0x60  }
0xae: {  	[dreg:$0x2] =	wrdreg s2  }
0xaf: {  	[dreg:$0x3] =	wrdreg s24  }
0xb0: {  	[dreg:$0x4] =	wrdreg $0x2F800  }
0xb1: {  	[dreg:$0x5] =	wrdreg $0x9  }
0xb2: {  	_ =	task.clear_ibuf [dreg:s7], $0x6FFFF;
	_ =	strace $0x90000046  }
0xb3: {  	s29 =	simm.s32 $0x9;
	_ =	strace $0x80000048  }
0xb4: {  	_ =	swait.ge [sflag:s29], $0x1  }
0xb5: {  	[sflag:s29] =	ssyncadd.s32 $0xFFFFFFFF  }
0xb6: {  	_ =	strace $0x90000048  }
0xb7: {  	_ =	sfence  }
0xb8: {  	s30 =	sld [smem:$0x0];
	_ =	sdelay $0x2  }
0xb9: {  	s31 =	sshll.u32 s1, $0xD;
	s1 =	sshrl.u32 s1, $0x2  }
0xba: {  	s3 =	sand.u32 $0x4000, s31;
	s1 =	sadd.s32 s1, s30  }
0xbb: {  	s0 =	sor.u32 s3, s0;
	s1 =	sshll.u32 s1, $0x11  }
0xbc: {  	s0 =	sor.u32 s1, s0  }
0xbd: {  	s0 =	sadd.s32 $0x8F2B, s0  }
0xbe: {  	[sflag:s0] =	ssyncadd.remote.s32 $0x1  }
0xbf: {  	_ =	sfence.sel $0xFFFF  }
0xc0: {  	[dreg:$0x0] =	wrdreg $0xFFFFFFFF;
	(pc) =	sbr.abs _section_cstart, $3  }
0xc1: {  	[dreg:$0x1] =	wrdreg $0xFFFFFFFF  }
0xc2: {  	_ =	task.clear_ibuf [dreg:s7], $0x2FFFF;
	_ =	strace $0x9FFFFFFF  }
0xc3: {  	(tm) =	ssettm $0x7FFFFFFF  }
tec
execute0_lowered:
.L_overlay_start_1:
0x0: {  	(tag) =	ssettag $0x1  }
0x1: {  	s7 =	rddreg [dreg:$0x0]  }
0x2: {  	s5 =	rddreg [dreg:$0x1]  }
0x3: {  	s2 =	rddreg [dreg:$0x2];
	s0 =	stileid.u32  }
0x4: {  	s4 =	srdreg.scid;
	s1 =	rddreg [dreg:$0x3]  }
0x5: {  	s3 =	simm.s32 $0x0;
	s13 =	simm.s32 $0x80;
	s14 =	simm.s32 $0x0  }
0x6: {  	s6 =	smul.u32 $0x2780, s0;
	s8 =	sand.u32 $0x1, s4;
	[smem:$0x7FF] =	sst s3  }
0x7: {  	s4 =	sadd.s32 $0x6800, s5;
	s31 =	sshll.u32 s0, $0x6;
	s10 =	smul.u32 $0x27800, s8  }
0x8: {  	_ =	strace $0x80000047;
	s11 =	ssub.s32 $0x2, s8;
	s8 =	sshll.u32 s8, $0x4  }
0x9: {  	s9 =	sshrl.u32 s6, $0x3;
	s12 =	sshrl.u32 s11, $0x1;
	s8 =	sor.u32 s0, s8  }
0xa: {  	s30 =	sadd.s32 s6, s2;
	s9 =	sadd.s32 s9, s5;
	s10 =	sadd.s32 s6, s10  }
0xb: {  	s11 =	ssub.s32 s11, s12;
	s8 =	smul.u32 $0x4F0, s8;
	s10 =	sshrl.u32 s10, $0x3  }
0xc: {  	s6 =	sor.u32 $0x1C01, s31;
	s12 =	simm.s32 $0x2780;
	s10 =	sadd.s32 s10, s5  }
0xd: {  	s5 =	sadd.s32 $0x1800, s9;
	s7 =	sadd.s32 s7, s8;
	s9 =	smax.u32 s11, $0x1  }
0xe: {  	s11 =	simm.s32 $0x1;
	s8 =	sadd.s32 $0x6A00, s10;
	s10 =	sshrl.u32 s30, $0x3  }
.LBB2_1:
0xf: {  	[spmem:s10], [sflag:s6] =	dma.local [hbm:s5], $0x4F0  }
0x10: {  	_ =	swait.ge [sflag:s11], $0x4F0  }
0x11: {  	[sflag:s11] =	ssyncset.done $0x0  }
0x12: {  	[sflag:s11] =	ssyncadd.s32 $0xFFFFFB10  }
0x13: {  	[tilespmem:s12], [sflag:$0x1] =	stream.linear.gather [hbm4b:s4+s3], $0x800, $0x38;
	[tilespmem:$0x5700] =	vst v63  }
0x14: {  	_ =	swait.ge [sflag:s11], $0x800  }
0x15: {  	[sflag:s11] =	ssyncset.done $0x0  }
0x16: {  	[sflag:s11] =	ssyncadd.s32 $0xFFFFF800  }
0x17: {  	[tilespmem:s3], [sflag:$0x1] =	stream.linear.gather [hbm4b:s7+s3], $0x2780, $0x38;
	[tilespmem:$0x5700] =	vst v63  }
0x18: {  	_ =	swait.ge [sflag:s11], $0x2780  }
0x19: {  	[sflag:s11] =	ssyncset.done $0x0  }
0x1a: {  	[sflag:s11] =	ssyncadd.s32 $0xFFFFD880  }
0x1b: {  	s15 =	simm.s32 $0x0;
	[bflag:$0x0] =	sbarrier.arrive $0xFFFF  }
0x1c: {  	[spmem:s2] =	stream.indirect.scatter.add.f32 [tilespmem:s12], [sflag:$0x1], $0x10, s15, s13, $0xb8;
	[tilespmem:$0x5700] =	vst v63  }
0x1d: {  	_ =	swait.ge [sflag:s11], $0x800  }
0x1e: {  	s15 =	simm.s32 $0x200;
	[sflag:s11] =	ssyncset.done $0x0  }
.LBB2_2:
0x1f: {  	s16 =	sshra.s32 s15, $0x2;
	[sflag:s11] =	ssyncadd.s32 $0xFFFFF800;
	p0 =	sne.s32 s15, $0x9C00  }
0x20: {  	[spmem:s2] =	stream.indirect.scatter.add.f32 [tilespmem:s12], [sflag:$0x1], $0x10, s16, s13, $0xb8;
	[tilespmem:$0x5700] =	vst v63  }
.Ltmp0:
0x21: {  	_ = 	snop;
	(pc) =	sbr.rel @p0 .LBB2_2-.Ltmp0, $4  }
0x22: {  	_ = 	snop  }
0x23: {  	s15 =	sadd.s32 $0x200, s15  }
0x24: {  	_ =	swait.ge [sflag:s11], $0x800  }
0x25: {  	[sflag:s11] =	ssyncset.done $0x0  }
0x26: {  	s14 =	sadd.s32 $0x1, s14  }
0x27: {  	[sflag:s11] =	ssyncadd.s32 $0xFFFFF800;
	p0 =	sne.s32 s14, s9  }
.Ltmp1:
0x28: {  	[bflag:$0x0] =	sbarrier.arrive $0xFFFF;
	(pc) =	sbr.rel @p0 .LBB2_1-.Ltmp1, $4  }
0x29: {  	[hbm:s8], [sflag:s6] =	dma.local [spmem:s10], $0x4F0  }
0x2a: {  	_ =	swait.ge [sflag:s11], $0x4F0  }
0x2b: {  	[sflag:s11] =	ssyncset.done $0x0  }
0x2c: {  	[sflag:s11] =	ssyncadd.s32 $0xFFFFFB10  }
0x2d: {  	_ =	sfence.sel $0x180000  }
0x2e: {  	[bflag:$0x0] =	sbarrier.arrive $0xFFFF  }
0x2f: {  	p0 =	sne.s32 s0, $0x0;
	_ =	strace $0x90000047  }
0x30: {  	s0 =	sadd.s32 @!p0 $0x100000, s1;
	[bflag:$0x2] =	sbarrier.arrive $0xFFFF  }
0x31: {  	[sflag:s0] =	ssyncadd.tile.s32 @!p0 $0x1;
	_ =	shalt  }
.Lfunc_end2:
_tile_overlayer_lowered:
.L_overlay_start_2:
0x32: {  	(tag) =	ssettag $0x2  }
0x33: {  	s0 =	rddreg [dreg:$0x0];
	s2 =	stileid.u32  }
0x34: {  	s1 =	rddreg [dreg:$0x1];
	p0 =	sne.s32 s2, $0x0  }
0x35: {  	s3 =	rddreg [dreg:$0x2];
	[bflag:$0x3] =	sbarrier.arrive $0xFFFF;
	s2 =	simm.s32 @!p0 $0x1C01  }
0x36: {  	[timem:s3], [sflag:s2] =	dma.local @!p0 [hbm:s0], s1  }
0x37: {  	s0 =	simm.s32 @!p0 $0x1  }
0x38: {  	_ =	swait.ge @!p0 [sflag:s0], s1  }
0x39: {  	s1 =	ssub.s32 @!p0 $0x0, s1;
	[sflag:s0] =	ssyncset.done @!p0 $0x0  }
0x3a: {  	[sflag:s0] =	ssyncadd.s32 @!p0 s1  }
0x3b: {  	[bflag:$0x3] =	sbarrier.arrive $0xFFFF  }
0x3c: {  	_ =	shalt  }

</sc_bundles>
